<compile_context>
chip_gen: v7x
topology: tpu7x:2x2x1
jax: 0.10.2.dev20260603
libtpu: 0.0.44.dev20260713+nightly
codegen_flags: <defaults>
</compile_context>

<pallas_src>
import jax
import jax.numpy as jnp
import numpy as np
from jax import lax
from jax.experimental import pallas as pl
from jax.experimental.pallas import tpu as pltpu
from jax.experimental.pallas import tpu_sc as plsc

N = 50000
N_P = 50176
E = 800000
B = 4
K = 25
H = 12
G = 32
NCLS = 10
HU = 7
CH = B * HU
NC, NS, L = 2, 16, 16
NW = NC * NS
ET = E // NW
ECH = 4000
NCH = 3136

_DFT = np.cos(2.0 * np.pi * np.outer(np.arange(H), np.arange(HU)) / H).astype(
    np.float32)

_MESH = plsc.VectorSubcoreMesh(
    core_axis_name="c", subcore_axis_name="s", num_cores=NC, num_subcores=NS)


def _worker_id():
  return lax.axis_index("s") * NC + lax.axis_index("c")


def _deg_pack_body(ei_ref, degp_ref, packed_ref, degbuf, rbuf, cbuf, pbuf):
  w = _worker_id()
  base = w * ET

  def zero_body(i, _):
    degbuf[pl.ds(i * L, L)] = jnp.zeros((L,), jnp.float32)
    return _

  lax.fori_loop(0, N_P // L, zero_body, None)

  pltpu.sync_copy(ei_ref.at[pl.ds(base, ET)], rbuf.at[pl.ds(0, ET)])
  pltpu.sync_copy(ei_ref.at[pl.ds(E + base, ET)], cbuf.at[pl.ds(0, ET)])

  ones = jnp.ones((L,), jnp.float32)

  def pack16(r, c):
    return (plsc.bitcast(r, jnp.uint32) << jnp.uint32(16)) | plsc.bitcast(
        c, jnp.uint32)

  nfull = ET // L

  def edge_body(i, _):
    sl = pl.ds(i * L, L)
    r = rbuf[sl]
    c = cbuf[sl]
    plsc.addupdate_scatter(degbuf, [r], ones)
    pbuf[sl] = pack16(r, c)
    return _

  lax.fori_loop(0, nfull, edge_body, None)

  tail = ET - nfull * L
  if tail:
    mask = lax.iota(jnp.int32, L) < tail
    sl = pl.ds(nfull * L, L)
    r = rbuf[sl]
    c = cbuf[sl]
    plsc.addupdate_scatter(degbuf, [r], ones, mask=mask)
    pbuf[sl] = pack16(r, c)

  pltpu.sync_copy(degbuf, degp_ref.at[w])
  pltpu.sync_copy(pbuf.at[pl.ds(0, ET)], packed_ref.at[pl.ds(base, ET)])


_deg_pack = pl.kernel(
    _deg_pack_body,
    out_type=[
        jax.ShapeDtypeStruct((NW, N_P), jnp.float32),
        jax.ShapeDtypeStruct((E,), jnp.uint32),
    ],
    mesh=_MESH,
    scratch_types=[
        pltpu.VMEM((N_P,), jnp.float32),
        pltpu.VMEM((ET + L, ), jnp.int32),
        pltpu.VMEM((ET + L, ), jnp.int32),
        pltpu.VMEM((ET + L, ), jnp.uint32),
    ],
    compiler_params=pltpu.CompilerParams(use_tc_tiling_on_sc=False, needs_layout_passes=False),
)


def _prep_body(x_ref, degp_ref, dft_ref, xfp_ref, q0p_ref, deg_ref, dis2_ref):
  xb = x_ref[...]
  dg = jnp.sum(degp_ref[...], axis=0, keepdims=True)
  deg_ref[...] = dg
  pos = dg > 0.0
  safe = jnp.maximum(dg, 1.0)
  dis2_ref[...] = jnp.where(pos, 1.0 / safe, 0.0)
  dis = jnp.where(pos, lax.rsqrt(safe), 0.0)
  xf = lax.dot_general(xb, dft_ref[...], (((2,), (0,)), ((), ())),
                       preferred_element_type=jnp.float32)
  xft = jnp.transpose(xf, (0, 2, 1))
  nblk = xft.shape[-1]
  xfp_ref[...] = xft.reshape(CH, nblk)
  q0p_ref[...] = (xft * dis.reshape(1, 1, nblk)).reshape(CH, nblk)


_PREP_NBLK = 1024


def _prep(x, degp, dft):
  nb = _PREP_NBLK
  grid = N_P // nb
  return pl.pallas_call(
      _prep_body,
      grid=(grid,),
      in_specs=[
          pl.BlockSpec((B, nb, H), lambda j: (0, j, 0)),
          pl.BlockSpec((NW, nb), lambda j: (0, j)),
          pl.BlockSpec((H, HU), lambda j: (0, 0)),
      ],
      out_specs=[
          pl.BlockSpec((CH, nb), lambda j: (0, j)),
          pl.BlockSpec((CH, nb), lambda j: (0, j)),
          pl.BlockSpec((1, nb), lambda j: (0, j)),
          pl.BlockSpec((1, nb), lambda j: (0, j)),
      ],
      out_shape=[
          jax.ShapeDtypeStruct((CH, N_P), jnp.float32),
          jax.ShapeDtypeStruct((CH, N_P), jnp.float32),
          jax.ShapeDtypeStruct((1, N_P), jnp.float32),
          jax.ShapeDtypeStruct((1, N_P), jnp.float32),
      ],
  )(x, degp, dft)


def _cheb_body(q0_ref, pk_ref, dis2_ref, qall_ref, bufP, bufO, ebufA, ebufB,
               q2bA, d2bA, q2bB, d2bB, semEA, semEB, semP, semO, semQA,
               semDA, semQB, semDB):
  w = _worker_id()
  NEC = E // ECH
  UN = 8

  def zero_buf(buf):
    @plsc.parallel_loop(0, N_P // L, 1, unroll=4)
    def _zb(i):
      buf[pl.ds(i * L, L)] = jnp.zeros((L,), jnp.float32)

  def process(ebuf, src, dst):
    @plsc.parallel_loop(0, ECH // L, 1, unroll=UN)
    def _inner(i):
      e = ebuf[pl.ds(i * L, L)]
      r = plsc.bitcast(e >> jnp.uint32(16), jnp.int32)
      c = plsc.bitcast(e & jnp.uint32(0xFFFF), jnp.int32)
      v = plsc.load_gather(src, [r])
      plsc.addupdate_scatter(dst, [c], v)

  def sweep(src, dst):
    pltpu.async_copy(pk_ref.at[pl.ds(0, ECH)], ebufA, semEA)

    def s2(ci2, _):
      c0 = 2 * ci2
      pltpu.async_copy(pk_ref.at[pl.ds((c0 + 1) * ECH, ECH)], ebufB, semEB)
      pltpu.make_async_copy(pk_ref.at[pl.ds(c0 * ECH, ECH)], ebufA,
                            semEA).wait()
      process(ebufA, src, dst)

      @pl.when(ci2 < NEC // 2 - 1)
      def _():
        pltpu.async_copy(pk_ref.at[pl.ds((c0 + 2) * ECH, ECH)], ebufA, semEA)

      pltpu.make_async_copy(pk_ref.at[pl.ds((c0 + 1) * ECH, ECH)], ebufB,
                            semEB).wait()
      process(ebufB, src, dst)
      return _

    lax.fori_loop(0, NEC // 2, s2, None)

  def combine(k, ch, dst):
    f = jnp.where(k == 1, jnp.float32(1.0), jnp.float32(2.0))
    NCC = N_P // NCH

    def start(ci, q2b, d2b, semQ, semD):
      off = ci * NCH
      pltpu.async_copy(qall_ref.at[k - 1, ch, pl.ds(off, NCH)], q2b, semQ)
      pltpu.async_copy(dis2_ref.at[pl.ds(off, NCH)], d2b, semD)

    def wait(ci, q2b, d2b, semQ, semD):
      off = ci * NCH
      pltpu.make_async_copy(qall_ref.at[k - 1, ch, pl.ds(off, NCH)], q2b,
                            semQ).wait()
      pltpu.make_async_copy(dis2_ref.at[pl.ds(off, NCH)], d2b, semD).wait()

    def work(ci, q2b, d2b):
      off = ci * NCH

      @plsc.parallel_loop(0, NCH // L, 1, unroll=4)
      def _ci16(i):
        asl = pl.ds(off + i * L, L)
        bsl = pl.ds(i * L, L)
        a = dst[asl]
        dst[asl] = (-f) * d2b[bsl] * a - q2b[bsl]

    start(0, q2bA, d2bA, semQA, semDA)

    def cc(ci2, _):
      c0 = 2 * ci2
      start(c0 + 1, q2bB, d2bB, semQB, semDB)
      wait(c0, q2bA, d2bA, semQA, semDA)
      work(c0, q2bA, d2bA)

      @pl.when(ci2 < NCC // 2 - 1)
      def _():
        start(c0 + 2, q2bA, d2bA, semQA, semDA)

      wait(c0 + 1, q2bB, d2bB, semQB, semDB)
      work(c0 + 1, q2bB, d2bB)
      return _

    lax.fori_loop(0, NCC // 2, cc, None)

  def channel_work(ch):
    zero_buf(bufO)
    pltpu.sync_copy(bufO, qall_ref.at[0, ch])
    pltpu.sync_copy(q0_ref.at[ch], bufP)
    pltpu.async_copy(bufP, qall_ref.at[1, ch], semP)

    def k2step(j, _):
      for parity in range(2):
        k = 2 * j + 1 + parity
        src, dst = (bufP, bufO) if parity == 0 else (bufO, bufP)
        ssem, dsem = (semP, semO) if parity == 0 else (semO, semP)
        sweep(src, dst)
        combine(k, ch, dst)
        pltpu.async_copy(dst, qall_ref.at[k + 1, ch], dsem)
        pltpu.make_async_copy(src, qall_ref.at[k, ch], ssem).wait()
        zero_buf(src)
      return _

    lax.fori_loop(0, (K - 1) // 2, k2step, None)
    pltpu.make_async_copy(bufP, qall_ref.at[K, ch], semP).wait()

  @pl.when(w < CH)
  def _():
    channel_work(w)


_cheb = pl.kernel(
    _cheb_body,
    out_type=jax.ShapeDtypeStruct((K + 1, CH, N_P), jnp.float32),
    mesh=_MESH,
    scratch_types=[
        pltpu.VMEM((N_P,), jnp.float32),
        pltpu.VMEM((N_P,), jnp.float32),
        pltpu.VMEM((ECH,), jnp.uint32),
        pltpu.VMEM((ECH,), jnp.uint32),
        pltpu.VMEM((NCH,), jnp.float32),
        pltpu.VMEM((NCH,), jnp.float32),
        pltpu.VMEM((NCH,), jnp.float32),
        pltpu.VMEM((NCH,), jnp.float32),
        pltpu.SemaphoreType.DMA,
        pltpu.SemaphoreType.DMA,
        pltpu.SemaphoreType.DMA,
        pltpu.SemaphoreType.DMA,
        pltpu.SemaphoreType.DMA,
        pltpu.SemaphoreType.DMA,
        pltpu.SemaphoreType.DMA,
        pltpu.SemaphoreType.DMA,
    ],
    compiler_params=pltpu.CompilerParams(use_tc_tiling_on_sc=False, needs_layout_passes=False),
)


def _post_body(qall_ref, xfp_ref, deg_ref, degc_ref, w_ref, bias_ref, fcw_ref,
               fcb_ref, out_ref, acc_ref):
  j = pl.program_id(0)
  nblk = deg_ref.shape[-1]
  wfull = w_ref[...]
  sq_row = jnp.sqrt(deg_ref[...])
  iso = degc_ref[...] == 0.0
  qa = qall_ref[...]
  xfb = xfp_ref[...]
  terms = [wfull[:, 0:1, :]]
  for h in range(1, H - HU + 1):
    terms.append(wfull[:, h:h + 1, :] + wfull[:, H - h:H - h + 1, :])
  terms.append(wfull[:, HU - 1:HU, :])
  wp = jnp.concatenate(terms, axis=1)
  wc = wp[0] + sum(
      ((-1.0) ** (k // 2)) * wp[k] for k in range(2, K, 2))
  wr = wp.reshape(K * HU, G)
  nmask = (lax.broadcasted_iota(jnp.int32, (nblk, 1), 0) + j * nblk) < N
  fcw3 = fcw_ref[...]

  @pl.when(j == 0)
  def _():
    acc_ref[...] = jnp.zeros_like(acc_ref)

  for b in range(B):
    tb = qa[1:, b * HU:(b + 1) * HU, :].reshape(K * HU, nblk) * sq_row
    ob = lax.dot_general(tb, wr, (((0,), (0,)), ((), ())),
                         preferred_element_type=jnp.float32)
    cb = lax.dot_general(xfb[b * HU:(b + 1) * HU, :], wc,
                         (((0,), (0,)), ((), ())),
                         preferred_element_type=jnp.float32)
    ob = jnp.where(iso, cb, ob)
    hb = jnp.maximum(ob + bias_ref[...].reshape(1, G), 0.0)
    hb = jnp.where(nmask, hb, 0.0)
    lp = jnp.concatenate(
        [jnp.sum(hb * fcw3[c], axis=0, keepdims=True) for c in range(NCLS)],
        axis=0)
    acc_ref[b] += lp

  @pl.when(j == pl.num_programs(0) - 1)
  def _():
    lg = jnp.sum(acc_ref[...], axis=2) + fcb_ref[...]
    m = jnp.max(lg, axis=1, keepdims=True)
    ls = lg - m
    lse = jnp.log(jnp.sum(jnp.exp(ls), axis=1, keepdims=True))
    out_ref[...] = ls - lse


_POST_NBLK = 1024


def _post(qall, xfp, deg, w, bias2, fcw, fcb2):
  nb = _POST_NBLK
  grid = N_P // nb
  return pl.pallas_call(
      _post_body,
      grid=(grid,),
      in_specs=[
          pl.BlockSpec((K + 1, CH, nb), lambda j: (0, 0, j)),
          pl.BlockSpec((CH, nb), lambda j: (0, j)),
          pl.BlockSpec((1, nb), lambda j: (0, j)),
          pl.BlockSpec((nb, 1), lambda j: (j, 0)),
          pl.BlockSpec((K, H, G), lambda j: (0, 0, 0)),
          pl.BlockSpec((1, G), lambda j: (0, 0)),
          pl.BlockSpec((NCLS, nb, G), lambda j: (0, j, 0)),
          pl.BlockSpec((1, NCLS), lambda j: (0, 0)),
      ],
      out_specs=pl.BlockSpec((B, NCLS), lambda j: (0, 0)),
      out_shape=jax.ShapeDtypeStruct((B, NCLS), jnp.float32),
      scratch_shapes=[pltpu.VMEM((B, NCLS, G), jnp.float32)],
  )(qall, xfp, deg, deg.reshape(N_P, 1), w, bias2,
    fcw.reshape(NCLS, N, G), fcb2)


def kernel(x, edge_index, W, bias, fc_w, fc_b):
  degp, packed = _deg_pack(edge_index.reshape(2 * E))
  dft = jnp.asarray(_DFT)
  xfp, q0p, deg, dis2 = _prep(x, degp, dft)
  qall = _cheb(q0p, packed, dis2.reshape(N_P))
  return _post(qall, xfp, deg, W, bias.reshape(1, G), fc_w,
               fc_b.reshape(1, NCLS))

# --- scband reference (transcript-rebuilt; emitter-appended) ---
"""Pipeline reference for scband-net-tgcnbasic-67070209295120 (READ-ONLY COPY).

The authoritative reference and input builder live on the scoring server;
editing this copy changes nothing except your own understanding.
"""

import jax, jax.numpy as jnp
import numpy as np

N = 50000
E = 800000
B = 4
K = 25
H = 12
G = 32
NCLS = 10


def setup_inputs(seed: int = 0) -> dict:
    key = jax.random.key(seed)
    k1, k2, k3, k4, k5 = jax.random.split(key, 5)
    x = jax.random.normal(k1, (B, N, H), dtype=jnp.float32)
    edge_index = jax.random.randint(k2, (2, E), 0, N, dtype=jnp.int32)
    # ChebTimeConv weight: (K, H, Fout) with Fin=1 absorbed; glorot-ish scale
    W = jax.random.normal(k3, (K, H, G), dtype=jnp.float32) * (1.0 / np.sqrt(K * H))
    bias = jnp.zeros((G,), dtype=jnp.float32)
    fc_w = jax.random.normal(k4, (NCLS, N * G), dtype=jnp.float32) * 0.01
    fc_b = jnp.zeros((NCLS,), dtype=jnp.float32)
    return {"x": x, "edge_index": edge_index, "W": W, "bias": bias, "fc_w": fc_w, "fc_b": fc_b}


def reference(x, edge_index, W, bias, fc_w, fc_b):
    # x = real(fft(x, axis=2))  (the original module's time-FFT preprocessing)
    xf = jnp.real(jnp.fft.fft(x, axis=2)).astype(jnp.float32)
    row = edge_index[0]
    col = edge_index[1]
    n = xf.shape[1]
    # ChebConv normalization with lambda_max=2: L~ = L - I = -D^{-1/2} A D^{-1/2}
    deg = jnp.zeros((n,), jnp.float32).at[row].add(1.0)
    dis = jnp.where(deg > 0, 1.0 / jnp.sqrt(deg), 0.0)
    norm = -dis[row] * dis[col]

    def prop(z):
        # z: [B, N, H]; gather on src nodes, scale by edge norm, scatter-add to dst
        msg = z[:, row, :] * norm[None, :, None]
        return jnp.zeros_like(z).at[:, col, :].add(msg)

    Tx_prev2 = xf
    out = jnp.einsum('bnh,hg->bng', Tx_prev2, W[0])
    Tx_prev1 = prop(Tx_prev2)
    out = out + jnp.einsum('bnh,hg->bng', Tx_prev1, W[1])
    for k in range(2, K):
        Tx_k = 2.0 * prop(Tx_prev1) - Tx_prev2
        out = out + jnp.einsum('bnh,hg->bng', Tx_k, W[k])
        Tx_prev2, Tx_prev1 = Tx_prev1, Tx_k
    out = out + bias[None, None, :]
    h = jax.nn.relu(out)
    flat = h.reshape(h.shape[0], -1)
    logits = flat @ fc_w.T + fc_b
    return jax.nn.log_softmax(logits, axis=1)

if __name__ == "__main__":
    import jax
    _d = setup_inputs()
    print(jax.jit(kernel)(*tuple(_d.values())))

</pallas_src>

<mosaic_0001>
#map = affine_map<(d0, d1) -> (0, 0)>
#map1 = affine_map<(d0, d1) -> (0)>
#map2 = affine_map<(d0, d1) -> (0, 0, 0)>
module attributes {stable_mosaic.version = 14 : i64} {
  func.func @_cheb_body(%arg0: i32, %arg1: i32, %arg2: memref<28x50176xf32, #tpu.memory_space<hbm>>, %arg3: memref<800000xi32, #tpu.memory_space<hbm>>, %arg4: memref<50176xf32, #tpu.memory_space<hbm>>, %arg5: memref<26x28x50176xf32, #tpu.memory_space<hbm>>, %arg6: memref<50176xf32, #tpu.memory_space<vmem>>, %arg7: memref<50176xf32, #tpu.memory_space<vmem>>, %arg8: memref<4000xi32, #tpu.memory_space<vmem>>, %arg9: memref<4000xi32, #tpu.memory_space<vmem>>, %arg10: memref<3136xf32, #tpu.memory_space<vmem>>, %arg11: memref<3136xf32, #tpu.memory_space<vmem>>, %arg12: memref<3136xf32, #tpu.memory_space<vmem>>, %arg13: memref<3136xf32, #tpu.memory_space<vmem>>, %arg14: memref<!tpu.dma_semaphore, #tpu.memory_space<semaphore_mem>>, %arg15: memref<!tpu.dma_semaphore, #tpu.memory_space<semaphore_mem>>, %arg16: memref<!tpu.dma_semaphore, #tpu.memory_space<semaphore_mem>>, %arg17: memref<!tpu.dma_semaphore, #tpu.memory_space<semaphore_mem>>, %arg18: memref<!tpu.dma_semaphore, #tpu.memory_space<semaphore_mem>>, %arg19: memref<!tpu.dma_semaphore, #tpu.memory_space<semaphore_mem>>, %arg20: memref<!tpu.dma_semaphore, #tpu.memory_space<semaphore_mem>>, %arg21: memref<!tpu.dma_semaphore, #tpu.memory_space<semaphore_mem>>) attributes {dimension_semantics = [#tpu.dimension_semantics<core_parallel>, #tpu.dimension_semantics<subcore_parallel>], iteration_bounds = array<i64: 2, 16>, scalar_prefetch = 0 : i64, scratch_operands = 16 : i64, tpu.core_type = #tpu.core_type<sc_vector_subcore>, window_params = [{transform_indices = #map}, {transform_indices = #map1}, {transform_indices = #map1}, {transform_indices = #map2}]} {
    %mul3A = arith.constant 2 : i32
    %mul3A_0 = arith.muli %arg1, %mul3A : i32
    %add3A = arith.addi %mul3A_0, %arg0 : i32
    %lt3A = arith.constant 28 : i32
    %lt3A_1 = arith.cmpi slt, %add3A, %lt3A : i32
    %convert_element_type3A = arith.extui %lt3A_1 : i1 to i32
    %cond3A = arith.constant 0 : i32
    %cond3A_2 = arith.cmpi ne, %convert_element_type3A, %cond3A : i32
    scf.if %cond3A_2 {
      %parallel_loop3A = arith.constant 0 : i32
      %parallel_loop3A_3 = arith.constant 3136 : i32
      %parallel_loop3A_4 = arith.constant 1 : i32
      scf.for %parallel_loop3A_21 = %parallel_loop3A to %parallel_loop3A_3 step %parallel_loop3A_4  : i32 {
        %parallel_loop3A_22 = arith.constant 0.000000e+00 : f32
        %parallel_loop3A_23 = vector.broadcast %parallel_loop3A_22 : f32 to vector<16xf32>
        %parallel_loop3A_24 = arith.constant 16 : i32
        %parallel_loop3A_25 = arith.muli %parallel_loop3A_21, %parallel_loop3A_24 : i32
        %parallel_loop3A_26 = arith.index_cast %parallel_loop3A_25 : i32 to index
        %parallel_loop3A_27 = tpu.vector_load %arg7[%parallel_loop3A_26] {strides = array<i32>} : memref<50176xf32, #tpu.memory_space<vmem>>, vector<16xf32>,
        tpu.vector_store %arg7[%parallel_loop3A_26], %parallel_loop3A_23 {strides = array<i32>} : memref<50176xf32, #tpu.memory_space<vmem>>, vector<16xf32>,
      } {sc.loop_unroll_factor = 4 : i64, sc.parallel_access}
      %run_scoped3A = arith.constant 0 : i32
      "tpu.region"() ({
        %run_scoped3A_21 = tpu.sem_alloc : memref<!tpu.dma_semaphore, #tpu.memory_space<semaphore_mem>>
        %dma_start3A_22 = arith.constant 0 : i32
        %dma_start3A_23 = tpu.memref_slice %arg5[%run_scoped3A, %add3A, %dma_start3A_22] : memref<26x28x50176xf32, #tpu.memory_space<hbm>> -> memref<1x1x50176xf32, #tpu.memory_space<hbm>>
        %dma_start3A_24 = tpu.memref_squeeze %dma_start3A_23 : memref<1x1x50176xf32, #tpu.memory_space<hbm>> -> memref<50176xf32, #tpu.memory_space<hbm>>
        %dma_start3A_25 = arith.constant 0 : i32
        %dma_start3A_26 = tpu.memref_slice %arg5[%run_scoped3A, %add3A, %dma_start3A_25] : memref<26x28x50176xf32, #tpu.memory_space<hbm>> -> memref<1x1x50176xf32, #tpu.memory_space<hbm>>
        %dma_start3A_27 = tpu.memref_squeeze %dma_start3A_26 : memref<1x1x50176xf32, #tpu.memory_space<hbm>> -> memref<50176xf32, #tpu.memory_space<hbm>>
        tpu.enqueue_dma source(%arg7 : memref<50176xf32, #tpu.memory_space<vmem>>) target(%dma_start3A_27 : memref<50176xf32, #tpu.memory_space<hbm>>) target_semaphore(%run_scoped3A_21 : memref<!tpu.dma_semaphore, #tpu.memory_space<semaphore_mem>>)
        %dma_wait3A_28 = arith.constant 0 : i32
        %dma_wait3A_29 = tpu.memref_slice %arg5[%run_scoped3A, %add3A, %dma_wait3A_28] : memref<26x28x50176xf32, #tpu.memory_space<hbm>> -> memref<1x1x50176xf32, #tpu.memory_space<hbm>>
        %dma_wait3A_30 = tpu.memref_squeeze %dma_wait3A_29 : memref<1x1x50176xf32, #tpu.memory_space<hbm>> -> memref<50176xf32, #tpu.memory_space<hbm>>
        %dma_wait3A_31 = arith.constant 0 : i32
        %dma_wait3A_32 = tpu.memref_slice %arg5[%run_scoped3A, %add3A, %dma_wait3A_31] : memref<26x28x50176xf32, #tpu.memory_space<hbm>> -> memref<1x1x50176xf32, #tpu.memory_space<hbm>>
        %dma_wait3A_33 = tpu.memref_squeeze %dma_wait3A_32 : memref<1x1x50176xf32, #tpu.memory_space<hbm>> -> memref<50176xf32, #tpu.memory_space<hbm>>
        tpu.wait_dma2 semaphore(%run_scoped3A_21 : memref<!tpu.dma_semaphore, #tpu.memory_space<semaphore_mem>>) src(%arg7 : memref<50176xf32, #tpu.memory_space<vmem>>) dst(%dma_wait3A_33 : memref<50176xf32, #tpu.memory_space<hbm>>)
        tpu.yield
      }) : () -> ()
      "tpu.region"() ({
        %run_scoped3A_21 = tpu.sem_alloc : memref<!tpu.dma_semaphore, #tpu.memory_space<semaphore_mem>>
        %dma_start3A_22 = arith.constant 0 : i32
        %dma_start3A_23 = tpu.memref_slice %arg2[%add3A, %dma_start3A_22] : memref<28x50176xf32, #tpu.memory_space<hbm>> -> memref<1x50176xf32, #tpu.memory_space<hbm>>
        %dma_start3A_24 = tpu.memref_squeeze %dma_start3A_23 : memref<1x50176xf32, #tpu.memory_space<hbm>> -> memref<50176xf32, #tpu.memory_space<hbm>>
        %dma_start3A_25 = arith.constant 0 : i32
        %dma_start3A_26 = tpu.memref_slice %arg2[%add3A, %dma_start3A_25] : memref<28x50176xf32, #tpu.memory_space<hbm>> -> memref<1x50176xf32, #tpu.memory_space<hbm>>
        %dma_start3A_27 = tpu.memref_squeeze %dma_start3A_26 : memref<1x50176xf32, #tpu.memory_space<hbm>> -> memref<50176xf32, #tpu.memory_space<hbm>>
        tpu.enqueue_dma source(%dma_start3A_27 : memref<50176xf32, #tpu.memory_space<hbm>>) target(%arg6 : memref<50176xf32, #tpu.memory_space<vmem>>) target_semaphore(%run_scoped3A_21 : memref<!tpu.dma_semaphore, #tpu.memory_space<semaphore_mem>>)
        %dma_wait3A_28 = arith.constant 0 : i32
        %dma_wait3A_29 = tpu.memref_slice %arg2[%add3A, %dma_wait3A_28] : memref<28x50176xf32, #tpu.memory_space<hbm>> -> memref<1x50176xf32, #tpu.memory_space<hbm>>
        %dma_wait3A_30 = tpu.memref_squeeze %dma_wait3A_29 : memref<1x50176xf32, #tpu.memory_space<hbm>> -> memref<50176xf32, #tpu.memory_space<hbm>>
        %dma_wait3A_31 = arith.constant 0 : i32
        %dma_wait3A_32 = tpu.memref_slice %arg2[%add3A, %dma_wait3A_31] : memref<28x50176xf32, #tpu.memory_space<hbm>> -> memref<1x50176xf32, #tpu.memory_space<hbm>>
        %dma_wait3A_33 = tpu.memref_squeeze %dma_wait3A_32 : memref<1x50176xf32, #tpu.memory_space<hbm>> -> memref<50176xf32, #tpu.memory_space<hbm>>
        tpu.wait_dma2 semaphore(%run_scoped3A_21 : memref<!tpu.dma_semaphore, #tpu.memory_space<semaphore_mem>>) src(%dma_wait3A_33 : memref<50176xf32, #tpu.memory_space<hbm>>) dst(%arg6 : memref<50176xf32, #tpu.memory_space<vmem>>)
        tpu.yield
      }) : () -> ()
      %dma_start3A = arith.constant 1 : i32
      %dma_start3A_5 = arith.constant 0 : i32
      %dma_start3A_6 = tpu.memref_slice %arg5[%dma_start3A, %add3A, %dma_start3A_5] : memref<26x28x50176xf32, #tpu.memory_space<hbm>> -> memref<1x1x50176xf32, #tpu.memory_space<hbm>>
      %dma_start3A_7 = tpu.memref_squeeze %dma_start3A_6 : memref<1x1x50176xf32, #tpu.memory_space<hbm>> -> memref<50176xf32, #tpu.memory_space<hbm>>
      %dma_start3A_8 = arith.constant 0 : i32
      %dma_start3A_9 = tpu.memref_slice %arg5[%dma_start3A, %add3A, %dma_start3A_8] : memref<26x28x50176xf32, #tpu.memory_space<hbm>> -> memref<1x1x50176xf32, #tpu.memory_space<hbm>>
      %dma_start3A_10 = tpu.memref_squeeze %dma_start3A_9 : memref<1x1x50176xf32, #tpu.memory_space<hbm>> -> memref<50176xf32, #tpu.memory_space<hbm>>
      tpu.enqueue_dma source(%arg6 : memref<50176xf32, #tpu.memory_space<vmem>>) target(%dma_start3A_10 : memref<50176xf32, #tpu.memory_space<hbm>>) target_semaphore(%arg16 : memref<!tpu.dma_semaphore, #tpu.memory_space<semaphore_mem>>)
      %scan3A = arith.constant 0 : i32
      %scan3A_11 = arith.constant 12 : i32
      %scan3A_12 = arith.addi %scan3A, %scan3A_11 : i32
      %scan3A_13 = arith.constant 1 : i32
      scf.for %scan3A_21 = %scan3A to %scan3A_12 step %scan3A_13  : i32 {
        %mul3A_22 = arith.constant 2 : i32
        %mul3A_23 = arith.muli %mul3A_22, %scan3A_21 : i32
        %add3A_24 = arith.constant 1 : i32
        %add3A_25 = arith.addi %mul3A_23, %add3A_24 : i32
        %add3A_26 = arith.constant 0 : i32
        %add3A_27 = arith.addi %add3A_25, %add3A_26 : i32
        %dma_start3A_28 = arith.constant 0 : i32
        %dma_start3A_29 = tpu.memref_slice %arg3[%dma_start3A_28] : memref<800000xi32, #tpu.memory_space<hbm>> -> memref<4000xi32, #tpu.memory_space<hbm>>
        %dma_start3A_30 = arith.constant 0 : i32
        %dma_start3A_31 = tpu.memref_slice %arg3[%dma_start3A_30] : memref<800000xi32, #tpu.memory_space<hbm>> -> memref<4000xi32, #tpu.memory_space<hbm>>
        tpu.enqueue_dma source(%dma_start3A_31 : memref<4000xi32, #tpu.memory_space<hbm>>) target(%arg8 : memref<4000xi32, #tpu.memory_space<vmem>>) target_semaphore(%arg14 : memref<!tpu.dma_semaphore, #tpu.memory_space<semaphore_mem>>)
        %scan3A_32 = arith.constant 0 : i32
        %scan3A_33 = arith.constant 100 : i32
        %scan3A_34 = arith.addi %scan3A_32, %scan3A_33 : i32
        %scan3A_35 = arith.constant 1 : i32
        scf.for %scan3A_126 = %scan3A_32 to %scan3A_34 step %scan3A_35  : i32 {
          %mul3A_127 = arith.constant 2 : i32
          %mul3A_128 = arith.muli %mul3A_127, %scan3A_126 : i32
          %add3A_129 = arith.constant 1 : i32
          %add3A_130 = arith.addi %mul3A_128, %add3A_129 : i32
          %mul3A_131 = arith.constant 4000 : i32
          %mul3A_132 = arith.muli %add3A_130, %mul3A_131 : i32
          %dma_start3A_133 = tpu.memref_slice %arg3[%mul3A_132] : memref<800000xi32, #tpu.memory_space<hbm>> -> memref<4000xi32, #tpu.memory_space<hbm>>
          %dma_start3A_134 = tpu.memref_slice %arg3[%mul3A_132] : memref<800000xi32, #tpu.memory_space<hbm>> -> memref<4000xi32, #tpu.memory_space<hbm>>
          tpu.enqueue_dma source(%dma_start3A_134 : memref<4000xi32, #tpu.memory_space<hbm>>) target(%arg9 : memref<4000xi32, #tpu.memory_space<vmem>>) target_semaphore(%arg15 : memref<!tpu.dma_semaphore, #tpu.memory_space<semaphore_mem>>)
          %mul3A_135 = arith.constant 4000 : i32
          %mul3A_136 = arith.muli %mul3A_128, %mul3A_135 : i32
          %dma_wait3A_137 = tpu.memref_slice %arg3[%mul3A_136] : memref<800000xi32, #tpu.memory_space<hbm>> -> memref<4000xi32, #tpu.memory_space<hbm>>
          %dma_wait3A_138 = tpu.memref_slice %arg3[%mul3A_136] : memref<800000xi32, #tpu.memory_space<hbm>> -> memref<4000xi32, #tpu.memory_space<hbm>>
          tpu.wait_dma2 semaphore(%arg14 : memref<!tpu.dma_semaphore, #tpu.memory_space<semaphore_mem>>) src(%dma_wait3A_138 : memref<4000xi32, #tpu.memory_space<hbm>>) dst(%arg8 : memref<4000xi32, #tpu.memory_space<vmem>>)
          %parallel_loop3A_139 = arith.constant 0 : i32
          %parallel_loop3A_140 = arith.constant 250 : i32
          %parallel_loop3A_141 = arith.constant 1 : i32
          scf.for %parallel_loop3A_156 = %parallel_loop3A_139 to %parallel_loop3A_140 step %parallel_loop3A_141  : i32 {
            %parallel_loop3A_157 = arith.constant 16 : i32
            %parallel_loop3A_158 = arith.muli %parallel_loop3A_156, %parallel_loop3A_157 : i32
            %parallel_loop3A_159 = arith.index_cast %parallel_loop3A_158 : i32 to index
            %parallel_loop3A_160 = tpu.vector_load %arg8[%parallel_loop3A_159] {strides = array<i32>} : memref<4000xi32, #tpu.memory_space<vmem>>, vector<16xi32>,
            %parallel_loop3A_161 = arith.constant 16 : i32
            %parallel_loop3A_162 = vector.broadcast %parallel_loop3A_161 : i32 to vector<16xi32>
            %parallel_loop3A_163 = arith.shrui %parallel_loop3A_160, %parallel_loop3A_162 : vector<16xi32>
            %parallel_loop3A_164 = vector.bitcast %parallel_loop3A_163 : vector<16xi32> to vector<16xi32>
            %parallel_loop3A_165 = arith.constant 65535 : i32
            %parallel_loop3A_166 = vector.broadcast %parallel_loop3A_165 : i32 to vector<16xi32>
            %parallel_loop3A_167 = arith.andi %parallel_loop3A_160, %parallel_loop3A_166 : vector<16xi32>
            %parallel_loop3A_168 = vector.bitcast %parallel_loop3A_167 : vector<16xi32> to vector<16xi32>
            %parallel_loop3A_169 = tpu.vector_load_idx %arg6[%parallel_loop3A_164] : memref<50176xf32, #tpu.memory_space<vmem>>[vector<16xi32>], vector<16xf32>,
            tpu.vector_store_idx %arg7[%parallel_loop3A_168], %parallel_loop3A_169 {add = true} : memref<50176xf32, #tpu.memory_space<vmem>>[vector<16xi32>], vector<16xf32>,
          } {sc.loop_unroll_factor = 8 : i64, sc.parallel_access}
          %lt3A_142 = arith.constant 99 : i32
          %lt3A_143 = arith.cmpi slt, %scan3A_126, %lt3A_142 : i32
          %convert_element_type3A_144 = arith.extui %lt3A_143 : i1 to i32
          %cond3A_145 = arith.constant 0 : i32
          %cond3A_146 = arith.cmpi ne, %convert_element_type3A_144, %cond3A_145 : i32
          scf.if %cond3A_146 {
            %add3A_156 = arith.constant 2 : i32
            %add3A_157 = arith.addi %mul3A_128, %add3A_156 : i32
            %mul3A_158 = arith.constant 4000 : i32
            %mul3A_159 = arith.muli %add3A_157, %mul3A_158 : i32
            %dma_start3A_160 = tpu.memref_slice %arg3[%mul3A_159] : memref<800000xi32, #tpu.memory_space<hbm>> -> memref<4000xi32, #tpu.memory_space<hbm>>
            %dma_start3A_161 = tpu.memref_slice %arg3[%mul3A_159] : memref<800000xi32, #tpu.memory_space<hbm>> -> memref<4000xi32, #tpu.memory_space<hbm>>
            tpu.enqueue_dma source(%dma_start3A_161 : memref<4000xi32, #tpu.memory_space<hbm>>) target(%arg8 : memref<4000xi32, #tpu.memory_space<vmem>>) target_semaphore(%arg14 : memref<!tpu.dma_semaphore, #tpu.memory_space<semaphore_mem>>)
          } else {
          }
          %add3A_147 = arith.constant 1 : i32
          %add3A_148 = arith.addi %mul3A_128, %add3A_147 : i32
          %mul3A_149 = arith.constant 4000 : i32
          %mul3A_150 = arith.muli %add3A_148, %mul3A_149 : i32
          %dma_wait3A_151 = tpu.memref_slice %arg3[%mul3A_150] : memref<800000xi32, #tpu.memory_space<hbm>> -> memref<4000xi32, #tpu.memory_space<hbm>>
          %dma_wait3A_152 = tpu.memref_slice %arg3[%mul3A_150] : memref<800000xi32, #tpu.memory_space<hbm>> -> memref<4000xi32, #tpu.memory_space<hbm>>
          tpu.wait_dma2 semaphore(%arg15 : memref<!tpu.dma_semaphore, #tpu.memory_space<semaphore_mem>>) src(%dma_wait3A_152 : memref<4000xi32, #tpu.memory_space<hbm>>) dst(%arg9 : memref<4000xi32, #tpu.memory_space<vmem>>)
          %parallel_loop3A_153 = arith.constant 0 : i32
          %parallel_loop3A_154 = arith.constant 250 : i32
          %parallel_loop3A_155 = arith.constant 1 : i32
          scf.for %parallel_loop3A_156 = %parallel_loop3A_153 to %parallel_loop3A_154 step %parallel_loop3A_155  : i32 {
            %parallel_loop3A_157 = arith.constant 16 : i32
            %parallel_loop3A_158 = arith.muli %parallel_loop3A_156, %parallel_loop3A_157 : i32
            %parallel_loop3A_159 = arith.index_cast %parallel_loop3A_158 : i32 to index
            %parallel_loop3A_160 = tpu.vector_load %arg9[%parallel_loop3A_159] {strides = array<i32>} : memref<4000xi32, #tpu.memory_space<vmem>>, vector<16xi32>,
            %parallel_loop3A_161 = arith.constant 16 : i32
            %parallel_loop3A_162 = vector.broadcast %parallel_loop3A_161 : i32 to vector<16xi32>
            %parallel_loop3A_163 = arith.shrui %parallel_loop3A_160, %parallel_loop3A_162 : vector<16xi32>
            %parallel_loop3A_164 = vector.bitcast %parallel_loop3A_163 : vector<16xi32> to vector<16xi32>
            %parallel_loop3A_165 = arith.constant 65535 : i32
            %parallel_loop3A_166 = vector.broadcast %parallel_loop3A_165 : i32 to vector<16xi32>
            %parallel_loop3A_167 = arith.andi %parallel_loop3A_160, %parallel_loop3A_166 : vector<16xi32>
            %parallel_loop3A_168 = vector.bitcast %parallel_loop3A_167 : vector<16xi32> to vector<16xi32>
            %parallel_loop3A_169 = tpu.vector_load_idx %arg6[%parallel_loop3A_164] : memref<50176xf32, #tpu.memory_space<vmem>>[vector<16xi32>], vector<16xf32>,
            tpu.vector_store_idx %arg7[%parallel_loop3A_168], %parallel_loop3A_169 {add = true} : memref<50176xf32, #tpu.memory_space<vmem>>[vector<16xi32>], vector<16xf32>,
          } {sc.loop_unroll_factor = 8 : i64, sc.parallel_access}
        }
        %scan3A_36 = arith.constant 100 : i32
        %eq3A = arith.constant 1 : i32
        %eq3A_37 = arith.cmpi eq, %add3A_27, %eq3A : i32
        %jit3A = arith.constant 1.000000e+00 : f32
        %jit3A_38 = arith.constant 2.000000e+00 : f32
        %select_n3A = arith.select %eq3A_37, %jit3A, %jit3A_38 : f32
        %sub3A = arith.constant 1 : i32
        %sub3A_39 = arith.subi %add3A_27, %sub3A : i32
        %dma_start3A_40 = arith.constant 0 : i32
        %dma_start3A_41 = tpu.memref_slice %arg5[%sub3A_39, %add3A, %dma_start3A_40] : memref<26x28x50176xf32, #tpu.memory_space<hbm>> -> memref<1x1x3136xf32, #tpu.memory_space<hbm>>
        %dma_start3A_42 = tpu.memref_squeeze %dma_start3A_41 : memref<1x1x3136xf32, #tpu.memory_space<hbm>> -> memref<3136xf32, #tpu.memory_space<hbm>>
        %dma_start3A_43 = arith.constant 0 : i32
        %dma_start3A_44 = tpu.memref_slice %arg5[%sub3A_39, %add3A, %dma_start3A_43] : memref<26x28x50176xf32, #tpu.memory_space<hbm>> -> memref<1x1x3136xf32, #tpu.memory_space<hbm>>
        %dma_start3A_45 = tpu.memref_squeeze %dma_start3A_44 : memref<1x1x3136xf32, #tpu.memory_space<hbm>> -> memref<3136xf32, #tpu.memory_space<hbm>>
        tpu.enqueue_dma source(%dma_start3A_45 : memref<3136xf32, #tpu.memory_space<hbm>>) target(%arg10 : memref<3136xf32, #tpu.memory_space<vmem>>) target_semaphore(%arg18 : memref<!tpu.dma_semaphore, #tpu.memory_space<semaphore_mem>>)
        %dma_start3A_46 = arith.constant 0 : i32
        %dma_start3A_47 = tpu.memref_slice %arg4[%dma_start3A_46] : memref<50176xf32, #tpu.memory_space<hbm>> -> memref<3136xf32, #tpu.memory_space<hbm>>
        %dma_start3A_48 = arith.constant 0 : i32
        %dma_start3A_49 = tpu.memref_slice %arg4[%dma_start3A_48] : memref<50176xf32, #tpu.memory_space<hbm>> -> memref<3136xf32, #tpu.memory_space<hbm>>
        tpu.enqueue_dma source(%dma_start3A_49 : memref<3136xf32, #tpu.memory_space<hbm>>) target(%arg11 : memref<3136xf32, #tpu.memory_space<vmem>>) target_semaphore(%arg19 : memref<!tpu.dma_semaphore, #tpu.memory_space<semaphore_mem>>)
        %scan3A_50 = arith.constant 0 : i32
        %scan3A_51 = arith.constant 8 : i32
        %scan3A_52 = arith.addi %scan3A_50, %scan3A_51 : i32
        %scan3A_53 = arith.constant 1 : i32
        scf.for %scan3A_126 = %scan3A_50 to %scan3A_52 step %scan3A_53  : i32 {
          %mul3A_127 = arith.constant 2 : i32
          %mul3A_128 = arith.muli %mul3A_127, %scan3A_126 : i32
          %add3A_129 = arith.constant 1 : i32
          %add3A_130 = arith.addi %mul3A_128, %add3A_129 : i32
          %mul3A_131 = arith.constant 3136 : i32
          %mul3A_132 = arith.muli %add3A_130, %mul3A_131 : i32
          %sub3A_133 = arith.constant 1 : i32
          %sub3A_134 = arith.subi %add3A_27, %sub3A_133 : i32
          %dma_start3A_135 = tpu.memref_slice %arg5[%sub3A_134, %add3A, %mul3A_132] : memref<26x28x50176xf32, #tpu.memory_space<hbm>> -> memref<1x1x3136xf32, #tpu.memory_space<hbm>>
          %dma_start3A_136 = tpu.memref_squeeze %dma_start3A_135 : memref<1x1x3136xf32, #tpu.memory_space<hbm>> -> memref<3136xf32, #tpu.memory_space<hbm>>
          %dma_start3A_137 = tpu.memref_slice %arg5[%sub3A_134, %add3A, %mul3A_132] : memref<26x28x50176xf32, #tpu.memory_space<hbm>> -> memref<1x1x3136xf32, #tpu.memory_space<hbm>>
          %dma_start3A_138 = tpu.memref_squeeze %dma_start3A_137 : memref<1x1x3136xf32, #tpu.memory_space<hbm>> -> memref<3136xf32, #tpu.memory_space<hbm>>
          tpu.enqueue_dma source(%dma_start3A_138 : memref<3136xf32, #tpu.memory_space<hbm>>) target(%arg12 : memref<3136xf32, #tpu.memory_space<vmem>>) target_semaphore(%arg20 : memref<!tpu.dma_semaphore, #tpu.memory_space<semaphore_mem>>)
          %dma_start3A_139 = tpu.memref_slice %arg4[%mul3A_132] : memref<50176xf32, #tpu.memory_space<hbm>> -> memref<3136xf32, #tpu.memory_space<hbm>>
          %dma_start3A_140 = tpu.memref_slice %arg4[%mul3A_132] : memref<50176xf32, #tpu.memory_space<hbm>> -> memref<3136xf32, #tpu.memory_space<hbm>>
          tpu.enqueue_dma source(%dma_start3A_140 : memref<3136xf32, #tpu.memory_space<hbm>>) target(%arg13 : memref<3136xf32, #tpu.memory_space<vmem>>) target_semaphore(%arg21 : memref<!tpu.dma_semaphore, #tpu.memory_space<semaphore_mem>>)
          %mul3A_141 = arith.constant 3136 : i32
          %mul3A_142 = arith.muli %mul3A_128, %mul3A_141 : i32
          %sub3A_143 = arith.constant 1 : i32
          %sub3A_144 = arith.subi %add3A_27, %sub3A_143 : i32
          %dma_wait3A_145 = tpu.memref_slice %arg5[%sub3A_144, %add3A, %mul3A_142] : memref<26x28x50176xf32, #tpu.memory_space<hbm>> -> memref<1x1x3136xf32, #tpu.memory_space<hbm>>
          %dma_wait3A_146 = tpu.memref_squeeze %dma_wait3A_145 : memref<1x1x3136xf32, #tpu.memory_space<hbm>> -> memref<3136xf32, #tpu.memory_space<hbm>>
          %dma_wait3A_147 = tpu.memref_slice %arg5[%sub3A_144, %add3A, %mul3A_142] : memref<26x28x50176xf32, #tpu.memory_space<hbm>> -> memref<1x1x3136xf32, #tpu.memory_space<hbm>>
          %dma_wait3A_148 = tpu.memref_squeeze %dma_wait3A_147 : memref<1x1x3136xf32, #tpu.memory_space<hbm>> -> memref<3136xf32, #tpu.memory_space<hbm>>
          tpu.wait_dma2 semaphore(%arg18 : memref<!tpu.dma_semaphore, #tpu.memory_space<semaphore_mem>>) src(%dma_wait3A_148 : memref<3136xf32, #tpu.memory_space<hbm>>) dst(%arg10 : memref<3136xf32, #tpu.memory_space<vmem>>)
          %dma_wait3A_149 = tpu.memref_slice %arg4[%mul3A_142] : memref<50176xf32, #tpu.memory_space<hbm>> -> memref<3136xf32, #tpu.memory_space<hbm>>
          %dma_wait3A_150 = tpu.memref_slice %arg4[%mul3A_142] : memref<50176xf32, #tpu.memory_space<hbm>> -> memref<3136xf32, #tpu.memory_space<hbm>>
          tpu.wait_dma2 semaphore(%arg19 : memref<!tpu.dma_semaphore, #tpu.memory_space<semaphore_mem>>) src(%dma_wait3A_150 : memref<3136xf32, #tpu.memory_space<hbm>>) dst(%arg11 : memref<3136xf32, #tpu.memory_space<vmem>>)
          %mul3A_151 = arith.constant 3136 : i32
          %mul3A_152 = arith.muli %mul3A_128, %mul3A_151 : i32
          %parallel_loop3A_153 = arith.constant 0 : i32
          %parallel_loop3A_154 = arith.constant 196 : i32
          %parallel_loop3A_155 = arith.constant 1 : i32
          scf.for %parallel_loop3A_180 = %parallel_loop3A_153 to %parallel_loop3A_154 step %parallel_loop3A_155  : i32 {
            %parallel_loop3A_181 = arith.constant 16 : i32
            %parallel_loop3A_182 = arith.muli %parallel_loop3A_180, %parallel_loop3A_181 : i32
            %parallel_loop3A_183 = arith.addi %mul3A_152, %parallel_loop3A_182 : i32
            %parallel_loop3A_184 = arith.constant 16 : i32
            %parallel_loop3A_185 = arith.muli %parallel_loop3A_180, %parallel_loop3A_184 : i32
            %parallel_loop3A_186 = arith.index_cast %parallel_loop3A_183 : i32 to index
            %parallel_loop3A_187 = tpu.vector_load %arg7[%parallel_loop3A_186] {strides = array<i32>} : memref<50176xf32, #tpu.memory_space<vmem>>, vector<16xf32>,
            %parallel_loop3A_188 = arith.constant 0.000000e+00 : f32
            %parallel_loop3A_189 = arith.subf %parallel_loop3A_188, %select_n3A : f32
            %parallel_loop3A_190 = arith.index_cast %parallel_loop3A_185 : i32 to index
            %parallel_loop3A_191 = tpu.vector_load %arg11[%parallel_loop3A_190] {strides = array<i32>} : memref<3136xf32, #tpu.memory_space<vmem>>, vector<16xf32>,
            %parallel_loop3A_192 = vector.broadcast %parallel_loop3A_189 : f32 to vector<16xf32>
            %parallel_loop3A_193 = arith.mulf %parallel_loop3A_192, %parallel_loop3A_191 : vector<16xf32>
            %parallel_loop3A_194 = arith.mulf %parallel_loop3A_193, %parallel_loop3A_187 : vector<16xf32>
            %parallel_loop3A_195 = arith.index_cast %parallel_loop3A_185 : i32 to index
            %parallel_loop3A_196 = tpu.vector_load %arg10[%parallel_loop3A_195] {strides = array<i32>} : memref<3136xf32, #tpu.memory_space<vmem>>, vector<16xf32>,
            %parallel_loop3A_197 = arith.subf %parallel_loop3A_194, %parallel_loop3A_196 : vector<16xf32>
            %parallel_loop3A_198 = arith.index_cast %parallel_loop3A_183 : i32 to index
            %parallel_loop3A_199 = tpu.vector_load %arg7[%parallel_loop3A_198] {strides = array<i32>} : memref<50176xf32, #tpu.memory_space<vmem>>, vector<16xf32>,
            tpu.vector_store %arg7[%parallel_loop3A_198], %parallel_loop3A_197 {strides = array<i32>} : memref<50176xf32, #tpu.memory_space<vmem>>, vector<16xf32>,
          } {sc.loop_unroll_factor = 4 : i64, sc.parallel_access}
          %lt3A_156 = arith.constant 7 : i32
          %lt3A_157 = arith.cmpi slt, %scan3A_126, %lt3A_156 : i32
          %convert_element_type3A_158 = arith.extui %lt3A_157 : i1 to i32
          %cond3A_159 = arith.constant 0 : i32
          %cond3A_160 = arith.cmpi ne, %convert_element_type3A_158, %cond3A_159 : i32
          scf.if %cond3A_160 {
            %add3A_180 = arith.constant 2 : i32
            %add3A_181 = arith.addi %mul3A_128, %add3A_180 : i32
            %mul3A_182 = arith.constant 3136 : i32
            %mul3A_183 = arith.muli %add3A_181, %mul3A_182 : i32
            %sub3A_184 = arith.constant 1 : i32
            %sub3A_185 = arith.subi %add3A_27, %sub3A_184 : i32
            %dma_start3A_186 = tpu.memref_slice %arg5[%sub3A_185, %add3A, %mul3A_183] : memref<26x28x50176xf32, #tpu.memory_space<hbm>> -> memref<1x1x3136xf32, #tpu.memory_space<hbm>>
            %dma_start3A_187 = tpu.memref_squeeze %dma_start3A_186 : memref<1x1x3136xf32, #tpu.memory_space<hbm>> -> memref<3136xf32, #tpu.memory_space<hbm>>
            %dma_start3A_188 = tpu.memref_slice %arg5[%sub3A_185, %add3A, %mul3A_183] : memref<26x28x50176xf32, #tpu.memory_space<hbm>> -> memref<1x1x3136xf32, #tpu.memory_space<hbm>>
            %dma_start3A_189 = tpu.memref_squeeze %dma_start3A_188 : memref<1x1x3136xf32, #tpu.memory_space<hbm>> -> memref<3136xf32, #tpu.memory_space<hbm>>
            tpu.enqueue_dma source(%dma_start3A_189 : memref<3136xf32, #tpu.memory_space<hbm>>) target(%arg10 : memref<3136xf32, #tpu.memory_space<vmem>>) target_semaphore(%arg18 : memref<!tpu.dma_semaphore, #tpu.memory_space<semaphore_mem>>)
            %dma_start3A_190 = tpu.memref_slice %arg4[%mul3A_183] : memref<50176xf32, #tpu.memory_space<hbm>> -> memref<3136xf32, #tpu.memory_space<hbm>>
            %dma_start3A_191 = tpu.memref_slice %arg4[%mul3A_183] : memref<50176xf32, #tpu.memory_space<hbm>> -> memref<3136xf32, #tpu.memory_space<hbm>>
            tpu.enqueue_dma source(%dma_start3A_191 : memref<3136xf32, #tpu.memory_space<hbm>>) target(%arg11 : memref<3136xf32, #tpu.memory_space<vmem>>) target_semaphore(%arg19 : memref<!tpu.dma_semaphore, #tpu.memory_space<semaphore_mem>>)
          } else {
          }
          %add3A_161 = arith.constant 1 : i32
          %add3A_162 = arith.addi %mul3A_128, %add3A_161 : i32
          %mul3A_163 = arith.constant 3136 : i32
          %mul3A_164 = arith.muli %add3A_162, %mul3A_163 : i32
          %sub3A_165 = arith.constant 1 : i32
          %sub3A_166 = arith.subi %add3A_27, %sub3A_165 : i32
          %dma_wait3A_167 = tpu.memref_slice %arg5[%sub3A_166, %add3A, %mul3A_164] : memref<26x28x50176xf32, #tpu.memory_space<hbm>> -> memref<1x1x3136xf32, #tpu.memory_space<hbm>>
          %dma_wait3A_168 = tpu.memref_squeeze %dma_wait3A_167 : memref<1x1x3136xf32, #tpu.memory_space<hbm>> -> memref<3136xf32, #tpu.memory_space<hbm>>
          %dma_wait3A_169 = tpu.memref_slice %arg5[%sub3A_166, %add3A, %mul3A_164] : memref<26x28x50176xf32, #tpu.memory_space<hbm>> -> memref<1x1x3136xf32, #tpu.memory_space<hbm>>
          %dma_wait3A_170 = tpu.memref_squeeze %dma_wait3A_169 : memref<1x1x3136xf32, #tpu.memory_space<hbm>> -> memref<3136xf32, #tpu.memory_space<hbm>>
          tpu.wait_dma2 semaphore(%arg20 : memref<!tpu.dma_semaphore, #tpu.memory_space<semaphore_mem>>) src(%dma_wait3A_170 : memref<3136xf32, #tpu.memory_space<hbm>>) dst(%arg12 : memref<3136xf32, #tpu.memory_space<vmem>>)
          %dma_wait3A_171 = tpu.memref_slice %arg4[%mul3A_164] : memref<50176xf32, #tpu.memory_space<hbm>> -> memref<3136xf32, #tpu.memory_space<hbm>>
          %dma_wait3A_172 = tpu.memref_slice %arg4[%mul3A_164] : memref<50176xf32, #tpu.memory_space<hbm>> -> memref<3136xf32, #tpu.memory_space<hbm>>
          tpu.wait_dma2 semaphore(%arg21 : memref<!tpu.dma_semaphore, #tpu.memory_space<semaphore_mem>>) src(%dma_wait3A_172 : memref<3136xf32, #tpu.memory_space<hbm>>) dst(%arg13 : memref<3136xf32, #tpu.memory_space<vmem>>)
          %add3A_173 = arith.constant 1 : i32
          %add3A_174 = arith.addi %mul3A_128, %add3A_173 : i32
          %mul3A_175 = arith.constant 3136 : i32
          %mul3A_176 = arith.muli %add3A_174, %mul3A_175 : i32
          %parallel_loop3A_177 = arith.constant 0 : i32
          %parallel_loop3A_178 = arith.constant 196 : i32
          %parallel_loop3A_179 = arith.constant 1 : i32
          scf.for %parallel_loop3A_180 = %parallel_loop3A_177 to %parallel_loop3A_178 step %parallel_loop3A_179  : i32 {
            %parallel_loop3A_181 = arith.constant 16 : i32
            %parallel_loop3A_182 = arith.muli %parallel_loop3A_180, %parallel_loop3A_181 : i32
            %parallel_loop3A_183 = arith.addi %mul3A_176, %parallel_loop3A_182 : i32
            %parallel_loop3A_184 = arith.constant 16 : i32
            %parallel_loop3A_185 = arith.muli %parallel_loop3A_180, %parallel_loop3A_184 : i32
            %parallel_loop3A_186 = arith.index_cast %parallel_loop3A_183 : i32 to index
            %parallel_loop3A_187 = tpu.vector_load %arg7[%parallel_loop3A_186] {strides = array<i32>} : memref<50176xf32, #tpu.memory_space<vmem>>, vector<16xf32>,
            %parallel_loop3A_188 = arith.constant 0.000000e+00 : f32
            %parallel_loop3A_189 = arith.subf %parallel_loop3A_188, %select_n3A : f32
            %parallel_loop3A_190 = arith.index_cast %parallel_loop3A_185 : i32 to index
            %parallel_loop3A_191 = tpu.vector_load %arg13[%parallel_loop3A_190] {strides = array<i32>} : memref<3136xf32, #tpu.memory_space<vmem>>, vector<16xf32>,
            %parallel_loop3A_192 = vector.broadcast %parallel_loop3A_189 : f32 to vector<16xf32>
            %parallel_loop3A_193 = arith.mulf %parallel_loop3A_192, %parallel_loop3A_191 : vector<16xf32>
            %parallel_loop3A_194 = arith.mulf %parallel_loop3A_193, %parallel_loop3A_187 : vector<16xf32>
            %parallel_loop3A_195 = arith.index_cast %parallel_loop3A_185 : i32 to index
            %parallel_loop3A_196 = tpu.vector_load %arg12[%parallel_loop3A_195] {strides = array<i32>} : memref<3136xf32, #tpu.memory_space<vmem>>, vector<16xf32>,
            %parallel_loop3A_197 = arith.subf %parallel_loop3A_194, %parallel_loop3A_196 : vector<16xf32>
            %parallel_loop3A_198 = arith.index_cast %parallel_loop3A_183 : i32 to index
            %parallel_loop3A_199 = tpu.vector_load %arg7[%parallel_loop3A_198] {strides = array<i32>} : memref<50176xf32, #tpu.memory_space<vmem>>, vector<16xf32>,
            tpu.vector_store %arg7[%parallel_loop3A_198], %parallel_loop3A_197 {strides = array<i32>} : memref<50176xf32, #tpu.memory_space<vmem>>, vector<16xf32>,
          } {sc.loop_unroll_factor = 4 : i64, sc.parallel_access}
        }
        %scan3A_54 = arith.constant 8 : i32
        %add3A_55 = arith.constant 1 : i32
        %add3A_56 = arith.addi %add3A_27, %add3A_55 : i32
        %dma_start3A_57 = arith.constant 0 : i32
        %dma_start3A_58 = tpu.memref_slice %arg5[%add3A_56, %add3A, %dma_start3A_57] : memref<26x28x50176xf32, #tpu.memory_space<hbm>> -> memref<1x1x50176xf32, #tpu.memory_space<hbm>>
        %dma_start3A_59 = tpu.memref_squeeze %dma_start3A_58 : memref<1x1x50176xf32, #tpu.memory_space<hbm>> -> memref<50176xf32, #tpu.memory_space<hbm>>
        %dma_start3A_60 = arith.constant 0 : i32
        %dma_start3A_61 = tpu.memref_slice %arg5[%add3A_56, %add3A, %dma_start3A_60] : memref<26x28x50176xf32, #tpu.memory_space<hbm>> -> memref<1x1x50176xf32, #tpu.memory_space<hbm>>
        %dma_start3A_62 = tpu.memref_squeeze %dma_start3A_61 : memref<1x1x50176xf32, #tpu.memory_space<hbm>> -> memref<50176xf32, #tpu.memory_space<hbm>>
        tpu.enqueue_dma source(%arg7 : memref<50176xf32, #tpu.memory_space<vmem>>) target(%dma_start3A_62 : memref<50176xf32, #tpu.memory_space<hbm>>) target_semaphore(%arg17 : memref<!tpu.dma_semaphore, #tpu.memory_space<semaphore_mem>>)
        %dma_wait3A_63 = arith.constant 0 : i32
        %dma_wait3A_64 = tpu.memref_slice %arg5[%add3A_27, %add3A, %dma_wait3A_63] : memref<26x28x50176xf32, #tpu.memory_space<hbm>> -> memref<1x1x50176xf32, #tpu.memory_space<hbm>>
        %dma_wait3A_65 = tpu.memref_squeeze %dma_wait3A_64 : memref<1x1x50176xf32, #tpu.memory_space<hbm>> -> memref<50176xf32, #tpu.memory_space<hbm>>
        %dma_wait3A_66 = arith.constant 0 : i32
        %dma_wait3A_67 = tpu.memref_slice %arg5[%add3A_27, %add3A, %dma_wait3A_66] : memref<26x28x50176xf32, #tpu.memory_space<hbm>> -> memref<1x1x50176xf32, #tpu.memory_space<hbm>>
        %dma_wait3A_68 = tpu.memref_squeeze %dma_wait3A_67 : memref<1x1x50176xf32, #tpu.memory_space<hbm>> -> memref<50176xf32, #tpu.memory_space<hbm>>
        tpu.wait_dma2 semaphore(%arg16 : memref<!tpu.dma_semaphore, #tpu.memory_space<semaphore_mem>>) src(%arg6 : memref<50176xf32, #tpu.memory_space<vmem>>) dst(%dma_wait3A_68 : memref<50176xf32, #tpu.memory_space<hbm>>)
        %parallel_loop3A_69 = arith.constant 0 : i32
        %parallel_loop3A_70 = arith.constant 3136 : i32
        %parallel_loop3A_71 = arith.constant 1 : i32
        scf.for %parallel_loop3A_126 = %parallel_loop3A_69 to %parallel_loop3A_70 step %parallel_loop3A_71  : i32 {
          %parallel_loop3A_127 = arith.constant 0.000000e+00 : f32
          %parallel_loop3A_128 = vector.broadcast %parallel_loop3A_127 : f32 to vector<16xf32>
          %parallel_loop3A_129 = arith.constant 16 : i32
          %parallel_loop3A_130 = arith.muli %parallel_loop3A_126, %parallel_loop3A_129 : i32
          %parallel_loop3A_131 = arith.index_cast %parallel_loop3A_130 : i32 to index
          %parallel_loop3A_132 = tpu.vector_load %arg6[%parallel_loop3A_131] {strides = array<i32>} : memref<50176xf32, #tpu.memory_space<vmem>>, vector<16xf32>,
          tpu.vector_store %arg6[%parallel_loop3A_131], %parallel_loop3A_128 {strides = array<i32>} : memref<50176xf32, #tpu.memory_space<vmem>>, vector<16xf32>,
        } {sc.loop_unroll_factor = 4 : i64, sc.parallel_access}
        %mul3A_72 = arith.constant 2 : i32
        %mul3A_73 = arith.muli %mul3A_72, %scan3A_21 : i32
        %add3A_74 = arith.constant 1 : i32
        %add3A_75 = arith.addi %mul3A_73, %add3A_74 : i32
        %add3A_76 = arith.constant 1 : i32
        %add3A_77 = arith.addi %add3A_75, %add3A_76 : i32
        %dma_start3A_78 = arith.constant 0 : i32
        %dma_start3A_79 = tpu.memref_slice %arg3[%dma_start3A_78] : memref<800000xi32, #tpu.memory_space<hbm>> -> memref<4000xi32, #tpu.memory_space<hbm>>
        %dma_start3A_80 = arith.constant 0 : i32
        %dma_start3A_81 = tpu.memref_slice %arg3[%dma_start3A_80] : memref<800000xi32, #tpu.memory_space<hbm>> -> memref<4000xi32, #tpu.memory_space<hbm>>
        tpu.enqueue_dma source(%dma_start3A_81 : memref<4000xi32, #tpu.memory_space<hbm>>) target(%arg8 : memref<4000xi32, #tpu.memory_space<vmem>>) target_semaphore(%arg14 : memref<!tpu.dma_semaphore, #tpu.memory_space<semaphore_mem>>)
        %scan3A_82 = arith.constant 0 : i32
        %scan3A_83 = arith.constant 100 : i32
        %scan3A_84 = arith.addi %scan3A_82, %scan3A_83 : i32
        %scan3A_85 = arith.constant 1 : i32
        scf.for %scan3A_126 = %scan3A_82 to %scan3A_84 step %scan3A_85  : i32 {
          %mul3A_127 = arith.constant 2 : i32
          %mul3A_128 = arith.muli %mul3A_127, %scan3A_126 : i32
          %add3A_129 = arith.constant 1 : i32
          %add3A_130 = arith.addi %mul3A_128, %add3A_129 : i32
          %mul3A_131 = arith.constant 4000 : i32
          %mul3A_132 = arith.muli %add3A_130, %mul3A_131 : i32
          %dma_start3A_133 = tpu.memref_slice %arg3[%mul3A_132] : memref<800000xi32, #tpu.memory_space<hbm>> -> memref<4000xi32, #tpu.memory_space<hbm>>
          %dma_start3A_134 = tpu.memref_slice %arg3[%mul3A_132] : memref<800000xi32, #tpu.memory_space<hbm>> -> memref<4000xi32, #tpu.memory_space<hbm>>
          tpu.enqueue_dma source(%dma_start3A_134 : memref<4000xi32, #tpu.memory_space<hbm>>) target(%arg9 : memref<4000xi32, #tpu.memory_space<vmem>>) target_semaphore(%arg15 : memref<!tpu.dma_semaphore, #tpu.memory_space<semaphore_mem>>)
          %mul3A_135 = arith.constant 4000 : i32
          %mul3A_136 = arith.muli %mul3A_128, %mul3A_135 : i32
          %dma_wait3A_137 = tpu.memref_slice %arg3[%mul3A_136] : memref<800000xi32, #tpu.memory_space<hbm>> -> memref<4000xi32, #tpu.memory_space<hbm>>
          %dma_wait3A_138 = tpu.memref_slice %arg3[%mul3A_136] : memref<800000xi32, #tpu.memory_space<hbm>> -> memref<4000xi32, #tpu.memory_space<hbm>>
          tpu.wait_dma2 semaphore(%arg14 : memref<!tpu.dma_semaphore, #tpu.memory_space<semaphore_mem>>) src(%dma_wait3A_138 : memref<4000xi32, #tpu.memory_space<hbm>>) dst(%arg8 : memref<4000xi32, #tpu.memory_space<vmem>>)
          %parallel_loop3A_139 = arith.constant 0 : i32
          %parallel_loop3A_140 = arith.constant 250 : i32
          %parallel_loop3A_141 = arith.constant 1 : i32
          scf.for %parallel_loop3A_156 = %parallel_loop3A_139 to %parallel_loop3A_140 step %parallel_loop3A_141  : i32 {
            %parallel_loop3A_157 = arith.constant 16 : i32
            %parallel_loop3A_158 = arith.muli %parallel_loop3A_156, %parallel_loop3A_157 : i32
            %parallel_loop3A_159 = arith.index_cast %parallel_loop3A_158 : i32 to index
            %parallel_loop3A_160 = tpu.vector_load %arg8[%parallel_loop3A_159] {strides = array<i32>} : memref<4000xi32, #tpu.memory_space<vmem>>, vector<16xi32>,
            %parallel_loop3A_161 = arith.constant 16 : i32
            %parallel_loop3A_162 = vector.broadcast %parallel_loop3A_161 : i32 to vector<16xi32>
            %parallel_loop3A_163 = arith.shrui %parallel_loop3A_160, %parallel_loop3A_162 : vector<16xi32>
            %parallel_loop3A_164 = vector.bitcast %parallel_loop3A_163 : vector<16xi32> to vector<16xi32>
            %parallel_loop3A_165 = arith.constant 65535 : i32
            %parallel_loop3A_166 = vector.broadcast %parallel_loop3A_165 : i32 to vector<16xi32>
            %parallel_loop3A_167 = arith.andi %parallel_loop3A_160, %parallel_loop3A_166 : vector<16xi32>
            %parallel_loop3A_168 = vector.bitcast %parallel_loop3A_167 : vector<16xi32> to vector<16xi32>
            %parallel_loop3A_169 = tpu.vector_load_idx %arg7[%parallel_loop3A_164] : memref<50176xf32, #tpu.memory_space<vmem>>[vector<16xi32>], vector<16xf32>,
            tpu.vector_store_idx %arg6[%parallel_loop3A_168], %parallel_loop3A_169 {add = true} : memref<50176xf32, #tpu.memory_space<vmem>>[vector<16xi32>], vector<16xf32>,
          } {sc.loop_unroll_factor = 8 : i64, sc.parallel_access}
          %lt3A_142 = arith.constant 99 : i32
          %lt3A_143 = arith.cmpi slt, %scan3A_126, %lt3A_142 : i32
          %convert_element_type3A_144 = arith.extui %lt3A_143 : i1 to i32
          %cond3A_145 = arith.constant 0 : i32
          %cond3A_146 = arith.cmpi ne, %convert_element_type3A_144, %cond3A_145 : i32
          scf.if %cond3A_146 {
            %add3A_156 = arith.constant 2 : i32
            %add3A_157 = arith.addi %mul3A_128, %add3A_156 : i32
            %mul3A_158 = arith.constant 4000 : i32
            %mul3A_159 = arith.muli %add3A_157, %mul3A_158 : i32
            %dma_start3A_160 = tpu.memref_slice %arg3[%mul3A_159] : memref<800000xi32, #tpu.memory_space<hbm>> -> memref<4000xi32, #tpu.memory_space<hbm>>
            %dma_start3A_161 = tpu.memref_slice %arg3[%mul3A_159] : memref<800000xi32, #tpu.memory_space<hbm>> -> memref<4000xi32, #tpu.memory_space<hbm>>
            tpu.enqueue_dma source(%dma_start3A_161 : memref<4000xi32, #tpu.memory_space<hbm>>) target(%arg8 : memref<4000xi32, #tpu.memory_space<vmem>>) target_semaphore(%arg14 : memref<!tpu.dma_semaphore, #tpu.memory_space<semaphore_mem>>)
          } else {
          }
          %add3A_147 = arith.constant 1 : i32
          %add3A_148 = arith.addi %mul3A_128, %add3A_147 : i32
          %mul3A_149 = arith.constant 4000 : i32
          %mul3A_150 = arith.muli %add3A_148, %mul3A_149 : i32
          %dma_wait3A_151 = tpu.memref_slice %arg3[%mul3A_150] : memref<800000xi32, #tpu.memory_space<hbm>> -> memref<4000xi32, #tpu.memory_space<hbm>>
          %dma_wait3A_152 = tpu.memref_slice %arg3[%mul3A_150] : memref<800000xi32, #tpu.memory_space<hbm>> -> memref<4000xi32, #tpu.memory_space<hbm>>
          tpu.wait_dma2 semaphore(%arg15 : memref<!tpu.dma_semaphore, #tpu.memory_space<semaphore_mem>>) src(%dma_wait3A_152 : memref<4000xi32, #tpu.memory_space<hbm>>) dst(%arg9 : memref<4000xi32, #tpu.memory_space<vmem>>)
          %parallel_loop3A_153 = arith.constant 0 : i32
          %parallel_loop3A_154 = arith.constant 250 : i32
          %parallel_loop3A_155 = arith.constant 1 : i32
          scf.for %parallel_loop3A_156 = %parallel_loop3A_153 to %parallel_loop3A_154 step %parallel_loop3A_155  : i32 {
            %parallel_loop3A_157 = arith.constant 16 : i32
            %parallel_loop3A_158 = arith.muli %parallel_loop3A_156, %parallel_loop3A_157 : i32
            %parallel_loop3A_159 = arith.index_cast %parallel_loop3A_158 : i32 to index
            %parallel_loop3A_160 = tpu.vector_load %arg9[%parallel_loop3A_159] {strides = array<i32>} : memref<4000xi32, #tpu.memory_space<vmem>>, vector<16xi32>,
            %parallel_loop3A_161 = arith.constant 16 : i32
            %parallel_loop3A_162 = vector.broadcast %parallel_loop3A_161 : i32 to vector<16xi32>
            %parallel_loop3A_163 = arith.shrui %parallel_loop3A_160, %parallel_loop3A_162 : vector<16xi32>
            %parallel_loop3A_164 = vector.bitcast %parallel_loop3A_163 : vector<16xi32> to vector<16xi32>
            %parallel_loop3A_165 = arith.constant 65535 : i32
            %parallel_loop3A_166 = vector.broadcast %parallel_loop3A_165 : i32 to vector<16xi32>
            %parallel_loop3A_167 = arith.andi %parallel_loop3A_160, %parallel_loop3A_166 : vector<16xi32>
            %parallel_loop3A_168 = vector.bitcast %parallel_loop3A_167 : vector<16xi32> to vector<16xi32>
            %parallel_loop3A_169 = tpu.vector_load_idx %arg7[%parallel_loop3A_164] : memref<50176xf32, #tpu.memory_space<vmem>>[vector<16xi32>], vector<16xf32>,
            tpu.vector_store_idx %arg6[%parallel_loop3A_168], %parallel_loop3A_169 {add = true} : memref<50176xf32, #tpu.memory_space<vmem>>[vector<16xi32>], vector<16xf32>,
          } {sc.loop_unroll_factor = 8 : i64, sc.parallel_access}
        }
        %scan3A_86 = arith.constant 100 : i32
        %eq3A_87 = arith.constant 1 : i32
        %eq3A_88 = arith.cmpi eq, %add3A_77, %eq3A_87 : i32
        %jit3A_89 = arith.constant 1.000000e+00 : f32
        %jit3A_90 = arith.constant 2.000000e+00 : f32
        %select_n3A_91 = arith.select %eq3A_88, %jit3A_89, %jit3A_90 : f32
        %sub3A_92 = arith.constant 1 : i32
        %sub3A_93 = arith.subi %add3A_77, %sub3A_92 : i32
        %dma_start3A_94 = arith.constant 0 : i32
        %dma_start3A_95 = tpu.memref_slice %arg5[%sub3A_93, %add3A, %dma_start3A_94] : memref<26x28x50176xf32, #tpu.memory_space<hbm>> -> memref<1x1x3136xf32, #tpu.memory_space<hbm>>
        %dma_start3A_96 = tpu.memref_squeeze %dma_start3A_95 : memref<1x1x3136xf32, #tpu.memory_space<hbm>> -> memref<3136xf32, #tpu.memory_space<hbm>>
        %dma_start3A_97 = arith.constant 0 : i32
        %dma_start3A_98 = tpu.memref_slice %arg5[%sub3A_93, %add3A, %dma_start3A_97] : memref<26x28x50176xf32, #tpu.memory_space<hbm>> -> memref<1x1x3136xf32, #tpu.memory_space<hbm>>
        %dma_start3A_99 = tpu.memref_squeeze %dma_start3A_98 : memref<1x1x3136xf32, #tpu.memory_space<hbm>> -> memref<3136xf32, #tpu.memory_space<hbm>>
        tpu.enqueue_dma source(%dma_start3A_99 : memref<3136xf32, #tpu.memory_space<hbm>>) target(%arg10 : memref<3136xf32, #tpu.memory_space<vmem>>) target_semaphore(%arg18 : memref<!tpu.dma_semaphore, #tpu.memory_space<semaphore_mem>>)
        %dma_start3A_100 = arith.constant 0 : i32
        %dma_start3A_101 = tpu.memref_slice %arg4[%dma_start3A_100] : memref<50176xf32, #tpu.memory_space<hbm>> -> memref<3136xf32, #tpu.memory_space<hbm>>
        %dma_start3A_102 = arith.constant 0 : i32
        %dma_start3A_103 = tpu.memref_slice %arg4[%dma_start3A_102] : memref<50176xf32, #tpu.memory_space<hbm>> -> memref<3136xf32, #tpu.memory_space<hbm>>
        tpu.enqueue_dma source(%dma_start3A_103 : memref<3136xf32, #tpu.memory_space<hbm>>) target(%arg11 : memref<3136xf32, #tpu.memory_space<vmem>>) target_semaphore(%arg19 : memref<!tpu.dma_semaphore, #tpu.memory_space<semaphore_mem>>)
        %scan3A_104 = arith.constant 0 : i32
        %scan3A_105 = arith.constant 8 : i32
        %scan3A_106 = arith.addi %scan3A_104, %scan3A_105 : i32
        %scan3A_107 = arith.constant 1 : i32
        scf.for %scan3A_126 = %scan3A_104 to %scan3A_106 step %scan3A_107  : i32 {
          %mul3A_127 = arith.constant 2 : i32
          %mul3A_128 = arith.muli %mul3A_127, %scan3A_126 : i32
          %add3A_129 = arith.constant 1 : i32
          %add3A_130 = arith.addi %mul3A_128, %add3A_129 : i32
          %mul3A_131 = arith.constant 3136 : i32
          %mul3A_132 = arith.muli %add3A_130, %mul3A_131 : i32
          %sub3A_133 = arith.constant 1 : i32
          %sub3A_134 = arith.subi %add3A_77, %sub3A_133 : i32
          %dma_start3A_135 = tpu.memref_slice %arg5[%sub3A_134, %add3A, %mul3A_132] : memref<26x28x50176xf32, #tpu.memory_space<hbm>> -> memref<1x1x3136xf32, #tpu.memory_space<hbm>>
          %dma_start3A_136 = tpu.memref_squeeze %dma_start3A_135 : memref<1x1x3136xf32, #tpu.memory_space<hbm>> -> memref<3136xf32, #tpu.memory_space<hbm>>
          %dma_start3A_137 = tpu.memref_slice %arg5[%sub3A_134, %add3A, %mul3A_132] : memref<26x28x50176xf32, #tpu.memory_space<hbm>> -> memref<1x1x3136xf32, #tpu.memory_space<hbm>>
          %dma_start3A_138 = tpu.memref_squeeze %dma_start3A_137 : memref<1x1x3136xf32, #tpu.memory_space<hbm>> -> memref<3136xf32, #tpu.memory_space<hbm>>
          tpu.enqueue_dma source(%dma_start3A_138 : memref<3136xf32, #tpu.memory_space<hbm>>) target(%arg12 : memref<3136xf32, #tpu.memory_space<vmem>>) target_semaphore(%arg20 : memref<!tpu.dma_semaphore, #tpu.memory_space<semaphore_mem>>)
          %dma_start3A_139 = tpu.memref_slice %arg4[%mul3A_132] : memref<50176xf32, #tpu.memory_space<hbm>> -> memref<3136xf32, #tpu.memory_space<hbm>>
          %dma_start3A_140 = tpu.memref_slice %arg4[%mul3A_132] : memref<50176xf32, #tpu.memory_space<hbm>> -> memref<3136xf32, #tpu.memory_space<hbm>>
          tpu.enqueue_dma source(%dma_start3A_140 : memref<3136xf32, #tpu.memory_space<hbm>>) target(%arg13 : memref<3136xf32, #tpu.memory_space<vmem>>) target_semaphore(%arg21 : memref<!tpu.dma_semaphore, #tpu.memory_space<semaphore_mem>>)
          %mul3A_141 = arith.constant 3136 : i32
          %mul3A_142 = arith.muli %mul3A_128, %mul3A_141 : i32
          %sub3A_143 = arith.constant 1 : i32
          %sub3A_144 = arith.subi %add3A_77, %sub3A_143 : i32
          %dma_wait3A_145 = tpu.memref_slice %arg5[%sub3A_144, %add3A, %mul3A_142] : memref<26x28x50176xf32, #tpu.memory_space<hbm>> -> memref<1x1x3136xf32, #tpu.memory_space<hbm>>
          %dma_wait3A_146 = tpu.memref_squeeze %dma_wait3A_145 : memref<1x1x3136xf32, #tpu.memory_space<hbm>> -> memref<3136xf32, #tpu.memory_space<hbm>>
          %dma_wait3A_147 = tpu.memref_slice %arg5[%sub3A_144, %add3A, %mul3A_142] : memref<26x28x50176xf32, #tpu.memory_space<hbm>> -> memref<1x1x3136xf32, #tpu.memory_space<hbm>>
          %dma_wait3A_148 = tpu.memref_squeeze %dma_wait3A_147 : memref<1x1x3136xf32, #tpu.memory_space<hbm>> -> memref<3136xf32, #tpu.memory_space<hbm>>
          tpu.wait_dma2 semaphore(%arg18 : memref<!tpu.dma_semaphore, #tpu.memory_space<semaphore_mem>>) src(%dma_wait3A_148 : memref<3136xf32, #tpu.memory_space<hbm>>) dst(%arg10 : memref<3136xf32, #tpu.memory_space<vmem>>)
          %dma_wait3A_149 = tpu.memref_slice %arg4[%mul3A_142] : memref<50176xf32, #tpu.memory_space<hbm>> -> memref<3136xf32, #tpu.memory_space<hbm>>
          %dma_wait3A_150 = tpu.memref_slice %arg4[%mul3A_142] : memref<50176xf32, #tpu.memory_space<hbm>> -> memref<3136xf32, #tpu.memory_space<hbm>>
          tpu.wait_dma2 semaphore(%arg19 : memref<!tpu.dma_semaphore, #tpu.memory_space<semaphore_mem>>) src(%dma_wait3A_150 : memref<3136xf32, #tpu.memory_space<hbm>>) dst(%arg11 : memref<3136xf32, #tpu.memory_space<vmem>>)
          %mul3A_151 = arith.constant 3136 : i32
          %mul3A_152 = arith.muli %mul3A_128, %mul3A_151 : i32
          %parallel_loop3A_153 = arith.constant 0 : i32
          %parallel_loop3A_154 = arith.constant 196 : i32
          %parallel_loop3A_155 = arith.constant 1 : i32
          scf.for %parallel_loop3A_180 = %parallel_loop3A_153 to %parallel_loop3A_154 step %parallel_loop3A_155  : i32 {
            %parallel_loop3A_181 = arith.constant 16 : i32
            %parallel_loop3A_182 = arith.muli %parallel_loop3A_180, %parallel_loop3A_181 : i32
            %parallel_loop3A_183 = arith.addi %mul3A_152, %parallel_loop3A_182 : i32
            %parallel_loop3A_184 = arith.constant 16 : i32
            %parallel_loop3A_185 = arith.muli %parallel_loop3A_180, %parallel_loop3A_184 : i32
            %parallel_loop3A_186 = arith.index_cast %parallel_loop3A_183 : i32 to index
            %parallel_loop3A_187 = tpu.vector_load %arg6[%parallel_loop3A_186] {strides = array<i32>} : memref<50176xf32, #tpu.memory_space<vmem>>, vector<16xf32>,
            %parallel_loop3A_188 = arith.constant 0.000000e+00 : f32
            %parallel_loop3A_189 = arith.subf %parallel_loop3A_188, %select_n3A_91 : f32
            %parallel_loop3A_190 = arith.index_cast %parallel_loop3A_185 : i32 to index
            %parallel_loop3A_191 = tpu.vector_load %arg11[%parallel_loop3A_190] {strides = array<i32>} : memref<3136xf32, #tpu.memory_space<vmem>>, vector<16xf32>,
            %parallel_loop3A_192 = vector.broadcast %parallel_loop3A_189 : f32 to vector<16xf32>
            %parallel_loop3A_193 = arith.mulf %parallel_loop3A_192, %parallel_loop3A_191 : vector<16xf32>
            %parallel_loop3A_194 = arith.mulf %parallel_loop3A_193, %parallel_loop3A_187 : vector<16xf32>
            %parallel_loop3A_195 = arith.index_cast %parallel_loop3A_185 : i32 to index
            %parallel_loop3A_196 = tpu.vector_load %arg10[%parallel_loop3A_195] {strides = array<i32>} : memref<3136xf32, #tpu.memory_space<vmem>>, vector<16xf32>,
            %parallel_loop3A_197 = arith.subf %parallel_loop3A_194, %parallel_loop3A_196 : vector<16xf32>
            %parallel_loop3A_198 = arith.index_cast %parallel_loop3A_183 : i32 to index
            %parallel_loop3A_199 = tpu.vector_load %arg6[%parallel_loop3A_198] {strides = array<i32>} : memref<50176xf32, #tpu.memory_space<vmem>>, vector<16xf32>,
            tpu.vector_store %arg6[%parallel_loop3A_198], %parallel_loop3A_197 {strides = array<i32>} : memref<50176xf32, #tpu.memory_space<vmem>>, vector<16xf32>,
          } {sc.loop_unroll_factor = 4 : i64, sc.parallel_access}
          %lt3A_156 = arith.constant 7 : i32
          %lt3A_157 = arith.cmpi slt, %scan3A_126, %lt3A_156 : i32
          %convert_element_type3A_158 = arith.extui %lt3A_157 : i1 to i32
          %cond3A_159 = arith.constant 0 : i32
          %cond3A_160 = arith.cmpi ne, %convert_element_type3A_158, %cond3A_159 : i32
          scf.if %cond3A_160 {
            %add3A_180 = arith.constant 2 : i32
            %add3A_181 = arith.addi %mul3A_128, %add3A_180 : i32
            %mul3A_182 = arith.constant 3136 : i32
            %mul3A_183 = arith.muli %add3A_181, %mul3A_182 : i32
            %sub3A_184 = arith.constant 1 : i32
            %sub3A_185 = arith.subi %add3A_77, %sub3A_184 : i32
            %dma_start3A_186 = tpu.memref_slice %arg5[%sub3A_185, %add3A, %mul3A_183] : memref<26x28x50176xf32, #tpu.memory_space<hbm>> -> memref<1x1x3136xf32, #tpu.memory_space<hbm>>
            %dma_start3A_187 = tpu.memref_squeeze %dma_start3A_186 : memref<1x1x3136xf32, #tpu.memory_space<hbm>> -> memref<3136xf32, #tpu.memory_space<hbm>>
            %dma_start3A_188 = tpu.memref_slice %arg5[%sub3A_185, %add3A, %mul3A_183] : memref<26x28x50176xf32, #tpu.memory_space<hbm>> -> memref<1x1x3136xf32, #tpu.memory_space<hbm>>
            %dma_start3A_189 = tpu.memref_squeeze %dma_start3A_188 : memref<1x1x3136xf32, #tpu.memory_space<hbm>> -> memref<3136xf32, #tpu.memory_space<hbm>>
            tpu.enqueue_dma source(%dma_start3A_189 : memref<3136xf32, #tpu.memory_space<hbm>>) target(%arg10 : memref<3136xf32, #tpu.memory_space<vmem>>) target_semaphore(%arg18 : memref<!tpu.dma_semaphore, #tpu.memory_space<semaphore_mem>>)
            %dma_start3A_190 = tpu.memref_slice %arg4[%mul3A_183] : memref<50176xf32, #tpu.memory_space<hbm>> -> memref<3136xf32, #tpu.memory_space<hbm>>
            %dma_start3A_191 = tpu.memref_slice %arg4[%mul3A_183] : memref<50176xf32, #tpu.memory_space<hbm>> -> memref<3136xf32, #tpu.memory_space<hbm>>
            tpu.enqueue_dma source(%dma_start3A_191 : memref<3136xf32, #tpu.memory_space<hbm>>) target(%arg11 : memref<3136xf32, #tpu.memory_space<vmem>>) target_semaphore(%arg19 : memref<!tpu.dma_semaphore, #tpu.memory_space<semaphore_mem>>)
          } else {
          }
          %add3A_161 = arith.constant 1 : i32
          %add3A_162 = arith.addi %mul3A_128, %add3A_161 : i32
          %mul3A_163 = arith.constant 3136 : i32
          %mul3A_164 = arith.muli %add3A_162, %mul3A_163 : i32
          %sub3A_165 = arith.constant 1 : i32
          %sub3A_166 = arith.subi %add3A_77, %sub3A_165 : i32
          %dma_wait3A_167 = tpu.memref_slice %arg5[%sub3A_166, %add3A, %mul3A_164] : memref<26x28x50176xf32, #tpu.memory_space<hbm>> -> memref<1x1x3136xf32, #tpu.memory_space<hbm>>
          %dma_wait3A_168 = tpu.memref_squeeze %dma_wait3A_167 : memref<1x1x3136xf32, #tpu.memory_space<hbm>> -> memref<3136xf32, #tpu.memory_space<hbm>>
          %dma_wait3A_169 = tpu.memref_slice %arg5[%sub3A_166, %add3A, %mul3A_164] : memref<26x28x50176xf32, #tpu.memory_space<hbm>> -> memref<1x1x3136xf32, #tpu.memory_space<hbm>>
          %dma_wait3A_170 = tpu.memref_squeeze %dma_wait3A_169 : memref<1x1x3136xf32, #tpu.memory_space<hbm>> -> memref<3136xf32, #tpu.memory_space<hbm>>
          tpu.wait_dma2 semaphore(%arg20 : memref<!tpu.dma_semaphore, #tpu.memory_space<semaphore_mem>>) src(%dma_wait3A_170 : memref<3136xf32, #tpu.memory_space<hbm>>) dst(%arg12 : memref<3136xf32, #tpu.memory_space<vmem>>)
          %dma_wait3A_171 = tpu.memref_slice %arg4[%mul3A_164] : memref<50176xf32, #tpu.memory_space<hbm>> -> memref<3136xf32, #tpu.memory_space<hbm>>
          %dma_wait3A_172 = tpu.memref_slice %arg4[%mul3A_164] : memref<50176xf32, #tpu.memory_space<hbm>> -> memref<3136xf32, #tpu.memory_space<hbm>>
          tpu.wait_dma2 semaphore(%arg21 : memref<!tpu.dma_semaphore, #tpu.memory_space<semaphore_mem>>) src(%dma_wait3A_172 : memref<3136xf32, #tpu.memory_space<hbm>>) dst(%arg13 : memref<3136xf32, #tpu.memory_space<vmem>>)
          %add3A_173 = arith.constant 1 : i32
          %add3A_174 = arith.addi %mul3A_128, %add3A_173 : i32
          %mul3A_175 = arith.constant 3136 : i32
          %mul3A_176 = arith.muli %add3A_174, %mul3A_175 : i32
          %parallel_loop3A_177 = arith.constant 0 : i32
          %parallel_loop3A_178 = arith.constant 196 : i32
          %parallel_loop3A_179 = arith.constant 1 : i32
          scf.for %parallel_loop3A_180 = %parallel_loop3A_177 to %parallel_loop3A_178 step %parallel_loop3A_179  : i32 {
            %parallel_loop3A_181 = arith.constant 16 : i32
            %parallel_loop3A_182 = arith.muli %parallel_loop3A_180, %parallel_loop3A_181 : i32
            %parallel_loop3A_183 = arith.addi %mul3A_176, %parallel_loop3A_182 : i32
            %parallel_loop3A_184 = arith.constant 16 : i32
            %parallel_loop3A_185 = arith.muli %parallel_loop3A_180, %parallel_loop3A_184 : i32
            %parallel_loop3A_186 = arith.index_cast %parallel_loop3A_183 : i32 to index
            %parallel_loop3A_187 = tpu.vector_load %arg6[%parallel_loop3A_186] {strides = array<i32>} : memref<50176xf32, #tpu.memory_space<vmem>>, vector<16xf32>,
            %parallel_loop3A_188 = arith.constant 0.000000e+00 : f32
            %parallel_loop3A_189 = arith.subf %parallel_loop3A_188, %select_n3A_91 : f32
            %parallel_loop3A_190 = arith.index_cast %parallel_loop3A_185 : i32 to index
            %parallel_loop3A_191 = tpu.vector_load %arg13[%parallel_loop3A_190] {strides = array<i32>} : memref<3136xf32, #tpu.memory_space<vmem>>, vector<16xf32>,
            %parallel_loop3A_192 = vector.broadcast %parallel_loop3A_189 : f32 to vector<16xf32>
            %parallel_loop3A_193 = arith.mulf %parallel_loop3A_192, %parallel_loop3A_191 : vector<16xf32>
            %parallel_loop3A_194 = arith.mulf %parallel_loop3A_193, %parallel_loop3A_187 : vector<16xf32>
            %parallel_loop3A_195 = arith.index_cast %parallel_loop3A_185 : i32 to index
            %parallel_loop3A_196 = tpu.vector_load %arg12[%parallel_loop3A_195] {strides = array<i32>} : memref<3136xf32, #tpu.memory_space<vmem>>, vector<16xf32>,
            %parallel_loop3A_197 = arith.subf %parallel_loop3A_194, %parallel_loop3A_196 : vector<16xf32>
            %parallel_loop3A_198 = arith.index_cast %parallel_loop3A_183 : i32 to index
            %parallel_loop3A_199 = tpu.vector_load %arg6[%parallel_loop3A_198] {strides = array<i32>} : memref<50176xf32, #tpu.memory_space<vmem>>, vector<16xf32>,
            tpu.vector_store %arg6[%parallel_loop3A_198], %parallel_loop3A_197 {strides = array<i32>} : memref<50176xf32, #tpu.memory_space<vmem>>, vector<16xf32>,
          } {sc.loop_unroll_factor = 4 : i64, sc.parallel_access}
        }
        %scan3A_108 = arith.constant 8 : i32
        %add3A_109 = arith.constant 1 : i32
        %add3A_110 = arith.addi %add3A_77, %add3A_109 : i32
        %dma_start3A_111 = arith.constant 0 : i32
        %dma_start3A_112 = tpu.memref_slice %arg5[%add3A_110, %add3A, %dma_start3A_111] : memref<26x28x50176xf32, #tpu.memory_space<hbm>> -> memref<1x1x50176xf32, #tpu.memory_space<hbm>>
        %dma_start3A_113 = tpu.memref_squeeze %dma_start3A_112 : memref<1x1x50176xf32, #tpu.memory_space<hbm>> -> memref<50176xf32, #tpu.memory_space<hbm>>
        %dma_start3A_114 = arith.constant 0 : i32
        %dma_start3A_115 = tpu.memref_slice %arg5[%add3A_110, %add3A, %dma_start3A_114] : memref<26x28x50176xf32, #tpu.memory_space<hbm>> -> memref<1x1x50176xf32, #tpu.memory_space<hbm>>
        %dma_start3A_116 = tpu.memref_squeeze %dma_start3A_115 : memref<1x1x50176xf32, #tpu.memory_space<hbm>> -> memref<50176xf32, #tpu.memory_space<hbm>>
        tpu.enqueue_dma source(%arg6 : memref<50176xf32, #tpu.memory_space<vmem>>) target(%dma_start3A_116 : memref<50176xf32, #tpu.memory_space<hbm>>) target_semaphore(%arg16 : memref<!tpu.dma_semaphore, #tpu.memory_space<semaphore_mem>>)
        %dma_wait3A_117 = arith.constant 0 : i32
        %dma_wait3A_118 = tpu.memref_slice %arg5[%add3A_77, %add3A, %dma_wait3A_117] : memref<26x28x50176xf32, #tpu.memory_space<hbm>> -> memref<1x1x50176xf32, #tpu.memory_space<hbm>>
        %dma_wait3A_119 = tpu.memref_squeeze %dma_wait3A_118 : memref<1x1x50176xf32, #tpu.memory_space<hbm>> -> memref<50176xf32, #tpu.memory_space<hbm>>
        %dma_wait3A_120 = arith.constant 0 : i32
        %dma_wait3A_121 = tpu.memref_slice %arg5[%add3A_77, %add3A, %dma_wait3A_120] : memref<26x28x50176xf32, #tpu.memory_space<hbm>> -> memref<1x1x50176xf32, #tpu.memory_space<hbm>>
        %dma_wait3A_122 = tpu.memref_squeeze %dma_wait3A_121 : memref<1x1x50176xf32, #tpu.memory_space<hbm>> -> memref<50176xf32, #tpu.memory_space<hbm>>
        tpu.wait_dma2 semaphore(%arg17 : memref<!tpu.dma_semaphore, #tpu.memory_space<semaphore_mem>>) src(%arg7 : memref<50176xf32, #tpu.memory_space<vmem>>) dst(%dma_wait3A_122 : memref<50176xf32, #tpu.memory_space<hbm>>)
        %parallel_loop3A_123 = arith.constant 0 : i32
        %parallel_loop3A_124 = arith.constant 3136 : i32
        %parallel_loop3A_125 = arith.constant 1 : i32
        scf.for %parallel_loop3A_126 = %parallel_loop3A_123 to %parallel_loop3A_124 step %parallel_loop3A_125  : i32 {
          %parallel_loop3A_127 = arith.constant 0.000000e+00 : f32
          %parallel_loop3A_128 = vector.broadcast %parallel_loop3A_127 : f32 to vector<16xf32>
          %parallel_loop3A_129 = arith.constant 16 : i32
          %parallel_loop3A_130 = arith.muli %parallel_loop3A_126, %parallel_loop3A_129 : i32
          %parallel_loop3A_131 = arith.index_cast %parallel_loop3A_130 : i32 to index
          %parallel_loop3A_132 = tpu.vector_load %arg7[%parallel_loop3A_131] {strides = array<i32>} : memref<50176xf32, #tpu.memory_space<vmem>>, vector<16xf32>,
          tpu.vector_store %arg7[%parallel_loop3A_131], %parallel_loop3A_128 {strides = array<i32>} : memref<50176xf32, #tpu.memory_space<vmem>>, vector<16xf32>,
        } {sc.loop_unroll_factor = 4 : i64, sc.parallel_access}
      }
      %scan3A_14 = arith.constant 12 : i32
      %dma_wait3A = arith.constant 25 : i32
      %dma_wait3A_15 = arith.constant 0 : i32
      %dma_wait3A_16 = tpu.memref_slice %arg5[%dma_wait3A, %add3A, %dma_wait3A_15] : memref<26x28x50176xf32, #tpu.memory_space<hbm>> -> memref<1x1x50176xf32, #tpu.memory_space<hbm>>
      %dma_wait3A_17 = tpu.memref_squeeze %dma_wait3A_16 : memref<1x1x50176xf32, #tpu.memory_space<hbm>> -> memref<50176xf32, #tpu.memory_space<hbm>>
      %dma_wait3A_18 = arith.constant 0 : i32
      %dma_wait3A_19 = tpu.memref_slice %arg5[%dma_wait3A, %add3A, %dma_wait3A_18] : memref<26x28x50176xf32, #tpu.memory_space<hbm>> -> memref<1x1x50176xf32, #tpu.memory_space<hbm>>
      %dma_wait3A_20 = tpu.memref_squeeze %dma_wait3A_19 : memref<1x1x50176xf32, #tpu.memory_space<hbm>> -> memref<50176xf32, #tpu.memory_space<hbm>>
      tpu.wait_dma2 semaphore(%arg16 : memref<!tpu.dma_semaphore, #tpu.memory_space<semaphore_mem>>) src(%arg6 : memref<50176xf32, #tpu.memory_space<vmem>>) dst(%dma_wait3A_20 : memref<50176xf32, #tpu.memory_space<hbm>>)
    } else {
    }
    return
  }
}

#map = affine_map<(d0, d1) -> (0)>
#map1 = affine_map<(d0, d1) -> (0, 0)>
module attributes {stable_mosaic.version = 14 : i64} {
  func.func @_deg_pack_body(%arg0: i32, %arg1: i32, %arg2: memref<1600000xi32, #tpu.memory_space<hbm>>, %arg3: memref<32x50176xf32, #tpu.memory_space<hbm>>, %arg4: memref<800000xi32, #tpu.memory_space<hbm>>, %arg5: memref<50176xf32, #tpu.memory_space<vmem>>, %arg6: memref<25016xi32, #tpu.memory_space<vmem>>, %arg7: memref<25016xi32, #tpu.memory_space<vmem>>, %arg8: memref<25016xi32, #tpu.memory_space<vmem>>) attributes {dimension_semantics = [#tpu.dimension_semantics<core_parallel>, #tpu.dimension_semantics<subcore_parallel>], iteration_bounds = array<i64: 2, 16>, scalar_prefetch = 0 : i64, scratch_operands = 4 : i64, tpu.core_type = #tpu.core_type<sc_vector_subcore>, window_params = [{transform_indices = #map}, {transform_indices = #map1}, {transform_indices = #map}]} {
    %mul3A = arith.constant 2 : i32
    %mul3A_0 = arith.muli %arg1, %mul3A : i32
    %add3A = arith.addi %mul3A_0, %arg0 : i32
    %mul3A_1 = arith.constant 25000 : i32
    %mul3A_2 = arith.muli %add3A, %mul3A_1 : i32
    %scan3A = arith.constant 0 : i32
    %scan3A_3 = arith.constant 3136 : i32
    %scan3A_4 = arith.addi %scan3A, %scan3A_3 : i32
    %scan3A_5 = arith.constant 1 : i32
    scf.for %scan3A_24 = %scan3A to %scan3A_4 step %scan3A_5  : i32 {
      %broadcast_in_dim3A_25 = arith.constant 0.000000e+00 : f32
      %broadcast_in_dim3A_26 = vector.broadcast %broadcast_in_dim3A_25 : f32 to vector<16xf32>
      %mul3A_27 = arith.constant 16 : i32
      %mul3A_28 = arith.muli %scan3A_24, %mul3A_27 : i32
      %swap3A_29 = arith.index_cast %mul3A_28 : i32 to index
      %swap3A_30 = tpu.vector_load %arg5[%swap3A_29] {strides = array<i32>} : memref<50176xf32, #tpu.memory_space<vmem>>, vector<16xf32>,
      tpu.vector_store %arg5[%swap3A_29], %broadcast_in_dim3A_26 {strides = array<i32>} : memref<50176xf32, #tpu.memory_space<vmem>>, vector<16xf32>,
    }
    %scan3A_6 = arith.constant 3136 : i32
    "tpu.region"() ({
      %run_scoped3A = tpu.sem_alloc : memref<!tpu.dma_semaphore, #tpu.memory_space<semaphore_mem>>
      %dma_start3A = arith.constant 0 : i32
      %dma_start3A_24 = tpu.memref_slice %arg6[%dma_start3A] : memref<25016xi32, #tpu.memory_space<vmem>> -> memref<25000xi32, #tpu.memory_space<vmem>>
      %dma_start3A_25 = tpu.memref_slice %arg2[%mul3A_2] : memref<1600000xi32, #tpu.memory_space<hbm>> -> memref<25000xi32, #tpu.memory_space<hbm>>
      %dma_start3A_26 = arith.constant 0 : i32
      %dma_start3A_27 = tpu.memref_slice %arg6[%dma_start3A_26] : memref<25016xi32, #tpu.memory_space<vmem>> -> memref<25000xi32, #tpu.memory_space<vmem>>
      %dma_start3A_28 = tpu.memref_slice %arg2[%mul3A_2] : memref<1600000xi32, #tpu.memory_space<hbm>> -> memref<25000xi32, #tpu.memory_space<hbm>>
      tpu.enqueue_dma source(%dma_start3A_28 : memref<25000xi32, #tpu.memory_space<hbm>>) target(%dma_start3A_27 : memref<25000xi32, #tpu.memory_space<vmem>>) target_semaphore(%run_scoped3A : memref<!tpu.dma_semaphore, #tpu.memory_space<semaphore_mem>>)
      %dma_wait3A = arith.constant 0 : i32
      %dma_wait3A_29 = tpu.memref_slice %arg6[%dma_wait3A] : memref<25016xi32, #tpu.memory_space<vmem>> -> memref<25000xi32, #tpu.memory_space<vmem>>
      %dma_wait3A_30 = tpu.memref_slice %arg2[%mul3A_2] : memref<1600000xi32, #tpu.memory_space<hbm>> -> memref<25000xi32, #tpu.memory_space<hbm>>
      %dma_wait3A_31 = arith.constant 0 : i32
      %dma_wait3A_32 = tpu.memref_slice %arg6[%dma_wait3A_31] : memref<25016xi32, #tpu.memory_space<vmem>> -> memref<25000xi32, #tpu.memory_space<vmem>>
      %dma_wait3A_33 = tpu.memref_slice %arg2[%mul3A_2] : memref<1600000xi32, #tpu.memory_space<hbm>> -> memref<25000xi32, #tpu.memory_space<hbm>>
      tpu.wait_dma2 semaphore(%run_scoped3A : memref<!tpu.dma_semaphore, #tpu.memory_space<semaphore_mem>>) src(%dma_wait3A_33 : memref<25000xi32, #tpu.memory_space<hbm>>) dst(%dma_wait3A_32 : memref<25000xi32, #tpu.memory_space<vmem>>)
      tpu.yield
    }) : () -> ()
    %add3A_7 = arith.constant 800000 : i32
    %add3A_8 = arith.addi %add3A_7, %mul3A_2 : i32
    "tpu.region"() ({
      %run_scoped3A = tpu.sem_alloc : memref<!tpu.dma_semaphore, #tpu.memory_space<semaphore_mem>>
      %dma_start3A = arith.constant 0 : i32
      %dma_start3A_24 = tpu.memref_slice %arg7[%dma_start3A] : memref<25016xi32, #tpu.memory_space<vmem>> -> memref<25000xi32, #tpu.memory_space<vmem>>
      %dma_start3A_25 = tpu.memref_slice %arg2[%add3A_8] : memref<1600000xi32, #tpu.memory_space<hbm>> -> memref<25000xi32, #tpu.memory_space<hbm>>
      %dma_start3A_26 = arith.constant 0 : i32
      %dma_start3A_27 = tpu.memref_slice %arg7[%dma_start3A_26] : memref<25016xi32, #tpu.memory_space<vmem>> -> memref<25000xi32, #tpu.memory_space<vmem>>
      %dma_start3A_28 = tpu.memref_slice %arg2[%add3A_8] : memref<1600000xi32, #tpu.memory_space<hbm>> -> memref<25000xi32, #tpu.memory_space<hbm>>
      tpu.enqueue_dma source(%dma_start3A_28 : memref<25000xi32, #tpu.memory_space<hbm>>) target(%dma_start3A_27 : memref<25000xi32, #tpu.memory_space<vmem>>) target_semaphore(%run_scoped3A : memref<!tpu.dma_semaphore, #tpu.memory_space<semaphore_mem>>)
      %dma_wait3A = arith.constant 0 : i32
      %dma_wait3A_29 = tpu.memref_slice %arg7[%dma_wait3A] : memref<25016xi32, #tpu.memory_space<vmem>> -> memref<25000xi32, #tpu.memory_space<vmem>>
      %dma_wait3A_30 = tpu.memref_slice %arg2[%add3A_8] : memref<1600000xi32, #tpu.memory_space<hbm>> -> memref<25000xi32, #tpu.memory_space<hbm>>
      %dma_wait3A_31 = arith.constant 0 : i32
      %dma_wait3A_32 = tpu.memref_slice %arg7[%dma_wait3A_31] : memref<25016xi32, #tpu.memory_space<vmem>> -> memref<25000xi32, #tpu.memory_space<vmem>>
      %dma_wait3A_33 = tpu.memref_slice %arg2[%add3A_8] : memref<1600000xi32, #tpu.memory_space<hbm>> -> memref<25000xi32, #tpu.memory_space<hbm>>
      tpu.wait_dma2 semaphore(%run_scoped3A : memref<!tpu.dma_semaphore, #tpu.memory_space<semaphore_mem>>) src(%dma_wait3A_33 : memref<25000xi32, #tpu.memory_space<hbm>>) dst(%dma_wait3A_32 : memref<25000xi32, #tpu.memory_space<vmem>>)
      tpu.yield
    }) : () -> ()
    %broadcast_in_dim3A = arith.constant 1.000000e+00 : f32
    %broadcast_in_dim3A_9 = vector.broadcast %broadcast_in_dim3A : f32 to vector<16xf32>
    %scan3A_10 = arith.constant 0 : i32
    %scan3A_11 = arith.constant 1562 : i32
    %scan3A_12 = arith.addi %scan3A_10, %scan3A_11 : i32
    %scan3A_13 = arith.constant 1 : i32
    scf.for %scan3A_24 = %scan3A_10 to %scan3A_12 step %scan3A_13  : i32 {
      %mul3A_25 = arith.constant 16 : i32
      %mul3A_26 = arith.muli %scan3A_24, %mul3A_25 : i32
      %get3A_27 = arith.index_cast %mul3A_26 : i32 to index
      %get3A_28 = tpu.vector_load %arg6[%get3A_27] {strides = array<i32>} : memref<25016xi32, #tpu.memory_space<vmem>>, vector<16xi32>,
      %get3A_29 = arith.index_cast %mul3A_26 : i32 to index
      %get3A_30 = tpu.vector_load %arg7[%get3A_29] {strides = array<i32>} : memref<25016xi32, #tpu.memory_space<vmem>>, vector<16xi32>,
      tpu.vector_store_idx %arg5[%get3A_28], %broadcast_in_dim3A_9 {add = true} : memref<50176xf32, #tpu.memory_space<vmem>>[vector<16xi32>], vector<16xf32>,
      %bitcast3A_31 = vector.bitcast %get3A_28 : vector<16xi32> to vector<16xi32>
      %shift_left3A_32 = arith.constant 16 : i32
      %shift_left3A_33 = vector.broadcast %shift_left3A_32 : i32 to vector<16xi32>
      %shift_left3A_34 = arith.shli %bitcast3A_31, %shift_left3A_33 : vector<16xi32>
      %bitcast3A_35 = vector.bitcast %get3A_30 : vector<16xi32> to vector<16xi32>
      %or3A_36 = arith.ori %shift_left3A_34, %bitcast3A_35 : vector<16xi32>
      %swap3A_37 = arith.index_cast %mul3A_26 : i32 to index
      %swap3A_38 = tpu.vector_load %arg8[%swap3A_37] {strides = array<i32>} : memref<25016xi32, #tpu.memory_space<vmem>>, vector<16xi32>,
      tpu.vector_store %arg8[%swap3A_37], %or3A_36 {strides = array<i32>} : memref<25016xi32, #tpu.memory_space<vmem>>, vector<16xi32>,
    }
    %scan3A_14 = arith.constant 1562 : i32
    %iota3A = tpu.iota {dimensions = array<i32: 0>} : vector<16xi32>
    %lt3A = arith.constant 8 : i32
    %lt3A_15 = vector.broadcast %lt3A : i32 to vector<16xi32>
    %lt3A_16 = arith.cmpi slt, %iota3A, %lt3A_15 : vector<16xi32>
    %get3A = arith.constant 24992 : index
    %get3A_17 = tpu.vector_load %arg6[%get3A] {strides = array<i32>} : memref<25016xi32, #tpu.memory_space<vmem>>, vector<16xi32>,
    %get3A_18 = arith.constant 24992 : index
    %get3A_19 = tpu.vector_load %arg7[%get3A_18] {strides = array<i32>} : memref<25016xi32, #tpu.memory_space<vmem>>, vector<16xi32>,
    tpu.vector_store_idx %arg5[%get3A_17], %broadcast_in_dim3A_9 masked %lt3A_16 {add = true} : memref<50176xf32, #tpu.memory_space<vmem>>[vector<16xi32>], vector<16xf32>, vector<16xi1>
    %bitcast3A = vector.bitcast %get3A_17 : vector<16xi32> to vector<16xi32>
    %shift_left3A = arith.constant 16 : i32
    %shift_left3A_20 = vector.broadcast %shift_left3A : i32 to vector<16xi32>
    %shift_left3A_21 = arith.shli %bitcast3A, %shift_left3A_20 : vector<16xi32>
    %bitcast3A_22 = vector.bitcast %get3A_19 : vector<16xi32> to vector<16xi32>
    %or3A = arith.ori %shift_left3A_21, %bitcast3A_22 : vector<16xi32>
    %swap3A = arith.constant 24992 : index
    %swap3A_23 = tpu.vector_load %arg8[%swap3A] {strides = array<i32>} : memref<25016xi32, #tpu.memory_space<vmem>>, vector<16xi32>,
    tpu.vector_store %arg8[%swap3A], %or3A {strides = array<i32>} : memref<25016xi32, #tpu.memory_space<vmem>>, vector<16xi32>,
    "tpu.region"() ({
      %run_scoped3A = tpu.sem_alloc : memref<!tpu.dma_semaphore, #tpu.memory_space<semaphore_mem>>
      %dma_start3A = arith.constant 0 : i32
      %dma_start3A_24 = tpu.memref_slice %arg3[%add3A, %dma_start3A] : memref<32x50176xf32, #tpu.memory_space<hbm>> -> memref<1x50176xf32, #tpu.memory_space<hbm>>
      %dma_start3A_25 = tpu.memref_squeeze %dma_start3A_24 : memref<1x50176xf32, #tpu.memory_space<hbm>> -> memref<50176xf32, #tpu.memory_space<hbm>>
      %dma_start3A_26 = arith.constant 0 : i32
      %dma_start3A_27 = tpu.memref_slice %arg3[%add3A, %dma_start3A_26] : memref<32x50176xf32, #tpu.memory_space<hbm>> -> memref<1x50176xf32, #tpu.memory_space<hbm>>
      %dma_start3A_28 = tpu.memref_squeeze %dma_start3A_27 : memref<1x50176xf32, #tpu.memory_space<hbm>> -> memref<50176xf32, #tpu.memory_space<hbm>>
      tpu.enqueue_dma source(%arg5 : memref<50176xf32, #tpu.memory_space<vmem>>) target(%dma_start3A_28 : memref<50176xf32, #tpu.memory_space<hbm>>) target_semaphore(%run_scoped3A : memref<!tpu.dma_semaphore, #tpu.memory_space<semaphore_mem>>)
      %dma_wait3A = arith.constant 0 : i32
      %dma_wait3A_29 = tpu.memref_slice %arg3[%add3A, %dma_wait3A] : memref<32x50176xf32, #tpu.memory_space<hbm>> -> memref<1x50176xf32, #tpu.memory_space<hbm>>
      %dma_wait3A_30 = tpu.memref_squeeze %dma_wait3A_29 : memref<1x50176xf32, #tpu.memory_space<hbm>> -> memref<50176xf32, #tpu.memory_space<hbm>>
      %dma_wait3A_31 = arith.constant 0 : i32
      %dma_wait3A_32 = tpu.memref_slice %arg3[%add3A, %dma_wait3A_31] : memref<32x50176xf32, #tpu.memory_space<hbm>> -> memref<1x50176xf32, #tpu.memory_space<hbm>>
      %dma_wait3A_33 = tpu.memref_squeeze %dma_wait3A_32 : memref<1x50176xf32, #tpu.memory_space<hbm>> -> memref<50176xf32, #tpu.memory_space<hbm>>
      tpu.wait_dma2 semaphore(%run_scoped3A : memref<!tpu.dma_semaphore, #tpu.memory_space<semaphore_mem>>) src(%arg5 : memref<50176xf32, #tpu.memory_space<vmem>>) dst(%dma_wait3A_33 : memref<50176xf32, #tpu.memory_space<hbm>>)
      tpu.yield
    }) : () -> ()
    "tpu.region"() ({
      %run_scoped3A = tpu.sem_alloc : memref<!tpu.dma_semaphore, #tpu.memory_space<semaphore_mem>>
      %dma_start3A = arith.constant 0 : i32
      %dma_start3A_24 = tpu.memref_slice %arg8[%dma_start3A] : memref<25016xi32, #tpu.memory_space<vmem>> -> memref<25000xi32, #tpu.memory_space<vmem>>
      %dma_start3A_25 = tpu.memref_slice %arg4[%mul3A_2] : memref<800000xi32, #tpu.memory_space<hbm>> -> memref<25000xi32, #tpu.memory_space<hbm>>
      %dma_start3A_26 = tpu.memref_slice %arg4[%mul3A_2] : memref<800000xi32, #tpu.memory_space<hbm>> -> memref<25000xi32, #tpu.memory_space<hbm>>
      %dma_start3A_27 = arith.constant 0 : i32
      %dma_start3A_28 = tpu.memref_slice %arg8[%dma_start3A_27] : memref<25016xi32, #tpu.memory_space<vmem>> -> memref<25000xi32, #tpu.memory_space<vmem>>
      tpu.enqueue_dma source(%dma_start3A_28 : memref<25000xi32, #tpu.memory_space<vmem>>) target(%dma_start3A_26 : memref<25000xi32, #tpu.memory_space<hbm>>) target_semaphore(%run_scoped3A : memref<!tpu.dma_semaphore, #tpu.memory_space<semaphore_mem>>)
      %dma_wait3A = arith.constant 0 : i32
      %dma_wait3A_29 = tpu.memref_slice %arg8[%dma_wait3A] : memref<25016xi32, #tpu.memory_space<vmem>> -> memref<25000xi32, #tpu.memory_space<vmem>>
      %dma_wait3A_30 = tpu.memref_slice %arg4[%mul3A_2] : memref<800000xi32, #tpu.memory_space<hbm>> -> memref<25000xi32, #tpu.memory_space<hbm>>
      %dma_wait3A_31 = tpu.memref_slice %arg4[%mul3A_2] : memref<800000xi32, #tpu.memory_space<hbm>> -> memref<25000xi32, #tpu.memory_space<hbm>>
      %dma_wait3A_32 = arith.constant 0 : i32
      %dma_wait3A_33 = tpu.memref_slice %arg8[%dma_wait3A_32] : memref<25016xi32, #tpu.memory_space<vmem>> -> memref<25000xi32, #tpu.memory_space<vmem>>
      tpu.wait_dma2 semaphore(%run_scoped3A : memref<!tpu.dma_semaphore, #tpu.memory_space<semaphore_mem>>) src(%dma_wait3A_33 : memref<25000xi32, #tpu.memory_space<vmem>>) dst(%dma_wait3A_31 : memref<25000xi32, #tpu.memory_space<hbm>>)
      tpu.yield
    }) : () -> ()
    return
  }
}

module attributes {stable_mosaic.version = 14 : i64} {
  func.func @_prep_body(%arg0: i32, %arg1: memref<4x1024x12xf32, #tpu.memory_space<vmem>>, %arg2: memref<32x1024xf32, #tpu.memory_space<vmem>>, %arg3: memref<12x7xf32, #tpu.memory_space<vmem>>, %arg4: memref<28x1024xf32, #tpu.memory_space<vmem>>, %arg5: memref<28x1024xf32, #tpu.memory_space<vmem>>, %arg6: memref<1x1024xf32, #tpu.memory_space<vmem>>, %arg7: memref<1x1024xf32, #tpu.memory_space<vmem>>) attributes {dimension_semantics = [#tpu.dimension_semantics<arbitrary>], iteration_bounds = array<i64: 49>, scalar_prefetch = 0 : i64, scratch_operands = 0 : i64, tpu.core_type = #tpu.core_type<tc>, window_params = [{transform_indices = @transform_0, window_bounds = array<i64: 4, 1024, 12>}, {transform_indices = @transform_1, window_bounds = array<i64: 32, 1024>}, {pipeline_mode = #tpu.pipeline_mode<synchronous>, transform_indices = @transform_2, window_bounds = array<i64: 12, 7>}, {transform_indices = @transform_3, window_bounds = array<i64: 28, 1024>}, {transform_indices = @transform_4, window_bounds = array<i64: 28, 1024>}, {transform_indices = @transform_5, window_bounds = array<i64: 1, 1024>}, {transform_indices = @transform_6, window_bounds = array<i64: 1, 1024>}]} {
    %get3A = arith.constant 0 : index
    %get3A_0 = arith.constant 0 : index
    %get3A_1 = arith.constant 0 : index
    %get3A_2 = vector.load %arg1[%get3A, %get3A_0, %get3A_1] : memref<4x1024x12xf32, #tpu.memory_space<vmem>>, vector<4x1024x12xf32>
    %get3A_3 = arith.constant 0 : index
    %get3A_4 = arith.constant 0 : index
    %get3A_5 = vector.load %arg2[%get3A_3, %get3A_4] : memref<32x1024xf32, #tpu.memory_space<vmem>>, vector<32x1024xf32>
    %reduce_sum3A = arith.constant dense<0.000000e+00> : vector<1024xf32>
    %reduce_sum3A_6 = vector.multi_reduction <add>, %get3A_5, %reduce_sum3A [0] : vector<32x1024xf32> to vector<1024xf32>
    %broadcast_in_dim3A = vector.shape_cast %reduce_sum3A_6 : vector<1024xf32> to vector<1x1024xf32>
    %swap3A = arith.constant 0 : index
    %swap3A_7 = arith.constant 0 : index
    %swap3A_8 = vector.load %arg6[%swap3A, %swap3A_7] : memref<1x1024xf32, #tpu.memory_space<vmem>>, vector<1x1024xf32>
    tpu.vector_store %arg6[%swap3A, %swap3A_7], %broadcast_in_dim3A {strides = array<i32>} : memref<1x1024xf32, #tpu.memory_space<vmem>>, vector<1x1024xf32>,
    %gt3A = arith.constant 0.000000e+00 : f32
    %gt3A_9 = vector.broadcast %gt3A : f32 to vector<1x1024xf32>
    %gt3A_10 = arith.cmpf ogt, %broadcast_in_dim3A, %gt3A_9 : vector<1x1024xf32>
    %max3A = arith.constant 1.000000e+00 : f32
    %max3A_11 = vector.broadcast %max3A : f32 to vector<1x1024xf32>
    %max3A_12 = arith.maximumf %broadcast_in_dim3A, %max3A_11 : vector<1x1024xf32>
    %div3A = arith.constant 1.000000e+00 : f32
    %div3A_13 = vector.broadcast %div3A : f32 to vector<1x1024xf32>
    %div3A_14 = arith.divf %div3A_13, %max3A_12 : vector<1x1024xf32>
    %jit3A = arith.constant 0.000000e+00 : f32
    %broadcast_in_dim3A_15 = vector.broadcast %jit3A : f32 to vector<1x1024xf32>
    %select_n3A = arith.select %gt3A_10, %div3A_14, %broadcast_in_dim3A_15 : vector<1x1024xi1>, vector<1x1024xf32>
    %swap3A_16 = arith.constant 0 : index
    %swap3A_17 = arith.constant 0 : index
    %swap3A_18 = vector.load %arg7[%swap3A_16, %swap3A_17] : memref<1x1024xf32, #tpu.memory_space<vmem>>, vector<1x1024xf32>
    tpu.vector_store %arg7[%swap3A_16, %swap3A_17], %select_n3A {strides = array<i32>} : memref<1x1024xf32, #tpu.memory_space<vmem>>, vector<1x1024xf32>,
    %rsqrt3A = math.rsqrt %max3A_12 : vector<1x1024xf32>
    %jit3A_19 = arith.constant 0.000000e+00 : f32
    %broadcast_in_dim3A_20 = vector.broadcast %jit3A_19 : f32 to vector<1x1024xf32>
    %select_n3A_21 = arith.select %gt3A_10, %rsqrt3A, %broadcast_in_dim3A_20 : vector<1x1024xi1>, vector<1x1024xf32>
    %get3A_22 = arith.constant 0 : index
    %get3A_23 = arith.constant 0 : index
    %get3A_24 = vector.load %arg3[%get3A_22, %get3A_23] : memref<12x7xf32, #tpu.memory_space<vmem>>, vector<12x7xf32>
    %dot_general3A = arith.constant dense<0.000000e+00> : vector<4x1024x7xf32>
    %dot_general3A_25 = tpu.matmul %get3A_2, %get3A_24, %dot_general3A {dimension_numbers = #tpu.dot_dimension_numbers<[2], [0], [0, 1], [1], [0, 0, 0, 1, 1, 1], [], []>, transpose_lhs_hint = false} : vector<4x1024x12xf32>, vector<12x7xf32>, vector<4x1024x7xf32> -> vector<4x1024x7xf32>
    %transpose3A = tpu.transpose %dot_general3A_25, [0, 2, 1] : vector<4x1024x7xf32> -> vector<4x7x1024xf32>
    %reshape3A = vector.shape_cast %transpose3A : vector<4x7x1024xf32> to vector<28x1024xf32>
    %swap3A_26 = arith.constant 0 : index
    %swap3A_27 = arith.constant 0 : index
    %swap3A_28 = vector.load %arg4[%swap3A_26, %swap3A_27] : memref<28x1024xf32, #tpu.memory_space<vmem>>, vector<28x1024xf32>
    tpu.vector_store %arg4[%swap3A_26, %swap3A_27], %reshape3A {strides = array<i32>} : memref<28x1024xf32, #tpu.memory_space<vmem>>, vector<28x1024xf32>,
    %reshape3A_29 = vector.shape_cast %select_n3A_21 : vector<1x1024xf32> to vector<1x1x1024xf32>
    %mul3A = vector.broadcast %reshape3A_29 : vector<1x1x1024xf32> to vector<4x7x1024xf32>
    %mul3A_30 = arith.mulf %transpose3A, %mul3A : vector<4x7x1024xf32>
    %reshape3A_31 = vector.shape_cast %mul3A_30 : vector<4x7x1024xf32> to vector<28x1024xf32>
    %swap3A_32 = arith.constant 0 : index
    %swap3A_33 = arith.constant 0 : index
    %swap3A_34 = vector.load %arg5[%swap3A_32, %swap3A_33] : memref<28x1024xf32, #tpu.memory_space<vmem>>, vector<28x1024xf32>
    tpu.vector_store %arg5[%swap3A_32, %swap3A_33], %reshape3A_31 {strides = array<i32>} : memref<28x1024xf32, #tpu.memory_space<vmem>>, vector<28x1024xf32>,
    return
  }
  func.func @transform_0(%arg0: i32) -> (i32, i32, i32) {
    %c0_i32 = arith.constant 0 : i32
    %c0_i32_0 = arith.constant 0 : i32
    %c0_i32_1 = arith.constant 0 : i32
    return %c0_i32, %arg0, %c0_i32_0 : i32, i32, i32
  }
  func.func @transform_1(%arg0: i32) -> (i32, i32) {
    %c0_i32 = arith.constant 0 : i32
    %c0_i32_0 = arith.constant 0 : i32
    return %c0_i32, %arg0 : i32, i32
  }
  func.func @transform_2(%arg0: i32) -> (i32, i32) {
    %c0_i32 = arith.constant 0 : i32
    %c0_i32_0 = arith.constant 0 : i32
    %c0_i32_1 = arith.constant 0 : i32
    return %c0_i32, %c0_i32_0 : i32, i32
  }
  func.func @transform_3(%arg0: i32) -> (i32, i32) {
    %c0_i32 = arith.constant 0 : i32
    %c0_i32_0 = arith.constant 0 : i32
    return %c0_i32, %arg0 : i32, i32
  }
  func.func @transform_4(%arg0: i32) -> (i32, i32) {
    %c0_i32 = arith.constant 0 : i32
    %c0_i32_0 = arith.constant 0 : i32
    return %c0_i32, %arg0 : i32, i32
  }
  func.func @transform_5(%arg0: i32) -> (i32, i32) {
    %c0_i32 = arith.constant 0 : i32
    %c0_i32_0 = arith.constant 0 : i32
    return %c0_i32, %arg0 : i32, i32
  }
  func.func @transform_6(%arg0: i32) -> (i32, i32) {
    %c0_i32 = arith.constant 0 : i32
    %c0_i32_0 = arith.constant 0 : i32
    return %c0_i32, %arg0 : i32, i32
  }
}

module attributes {stable_mosaic.version = 14 : i64} {
  func.func @_post_body(%arg0: i32, %arg1: memref<26x28x1024xf32, #tpu.memory_space<vmem>>, %arg2: memref<28x1024xf32, #tpu.memory_space<vmem>>, %arg3: memref<1x1024xf32, #tpu.memory_space<vmem>>, %arg4: memref<1024x1xf32, #tpu.memory_space<vmem>>, %arg5: memref<25x12x32xf32, #tpu.memory_space<vmem>>, %arg6: memref<1x32xf32, #tpu.memory_space<vmem>>, %arg7: memref<10x1024x32xf32, #tpu.memory_space<vmem>>, %arg8: memref<1x10xf32, #tpu.memory_space<vmem>>, %arg9: memref<4x10xf32, #tpu.memory_space<vmem>>, %arg10: memref<4x10x32xf32, #tpu.memory_space<vmem>>) attributes {dimension_semantics = [#tpu.dimension_semantics<arbitrary>], iteration_bounds = array<i64: 49>, scalar_prefetch = 0 : i64, scratch_operands = 1 : i64, tpu.core_type = #tpu.core_type<tc>, window_params = [{transform_indices = @transform_0, window_bounds = array<i64: 26, 28, 1024>}, {transform_indices = @transform_1, window_bounds = array<i64: 28, 1024>}, {transform_indices = @transform_2, window_bounds = array<i64: 1, 1024>}, {transform_indices = @transform_3, window_bounds = array<i64: 1024, 1>}, {pipeline_mode = #tpu.pipeline_mode<synchronous>, transform_indices = @transform_4, window_bounds = array<i64: 25, 12, 32>}, {pipeline_mode = #tpu.pipeline_mode<synchronous>, transform_indices = @transform_5, window_bounds = array<i64: 1, 32>}, {transform_indices = @transform_6, window_bounds = array<i64: 10, 1024, 32>}, {pipeline_mode = #tpu.pipeline_mode<synchronous>, transform_indices = @transform_7, window_bounds = array<i64: 1, 10>}, {pipeline_mode = #tpu.pipeline_mode<synchronous>, transform_indices = @transform_8, window_bounds = array<i64: 4, 10>}]} {
    %get3A = arith.constant 0 : index
    %get3A_0 = arith.constant 0 : index
    %get3A_1 = arith.constant 0 : index
    %get3A_2 = vector.load %arg5[%get3A, %get3A_0, %get3A_1] : memref<25x12x32xf32, #tpu.memory_space<vmem>>, vector<25x12x32xf32>
    %get3A_3 = arith.constant 0 : index
    %get3A_4 = arith.constant 0 : index
    %get3A_5 = vector.load %arg3[%get3A_3, %get3A_4] : memref<1x1024xf32, #tpu.memory_space<vmem>>, vector<1x1024xf32>
    %sqrt3A = math.sqrt %get3A_5 : vector<1x1024xf32>
    %get3A_6 = arith.constant 0 : index
    %get3A_7 = arith.constant 0 : index
    %get3A_8 = vector.load %arg4[%get3A_6, %get3A_7] : memref<1024x1xf32, #tpu.memory_space<vmem>>, vector<1024x1xf32>
    %eq3A = arith.constant 0.000000e+00 : f32
    %eq3A_9 = vector.broadcast %eq3A : f32 to vector<1024x1xf32>
    %eq3A_10 = arith.cmpf oeq, %get3A_8, %eq3A_9 : vector<1024x1xf32>
    %get3A_11 = arith.constant 0 : index
    %get3A_12 = arith.constant 0 : index
    %get3A_13 = arith.constant 0 : index
    %get3A_14 = vector.load %arg1[%get3A_11, %get3A_12, %get3A_13] : memref<26x28x1024xf32, #tpu.memory_space<vmem>>, vector<26x28x1024xf32>
    %get3A_15 = arith.constant 0 : index
    %get3A_16 = arith.constant 0 : index
    %get3A_17 = vector.load %arg2[%get3A_15, %get3A_16] : memref<28x1024xf32, #tpu.memory_space<vmem>>, vector<28x1024xf32>
    %slice3A = vector.extract_strided_slice %get3A_2 {offsets = [0, 0, 0], sizes = [25, 1, 32], strides = [1, 1, 1]} : vector<25x12x32xf32> to vector<25x1x32xf32>
    %slice3A_18 = vector.extract_strided_slice %get3A_2 {offsets = [0, 1, 0], sizes = [25, 1, 32], strides = [1, 1, 1]} : vector<25x12x32xf32> to vector<25x1x32xf32>
    %slice3A_19 = vector.extract_strided_slice %get3A_2 {offsets = [0, 11, 0], sizes = [25, 1, 32], strides = [1, 1, 1]} : vector<25x12x32xf32> to vector<25x1x32xf32>
    %add3A = arith.addf %slice3A_18, %slice3A_19 : vector<25x1x32xf32>
    %slice3A_20 = vector.extract_strided_slice %get3A_2 {offsets = [0, 2, 0], sizes = [25, 1, 32], strides = [1, 1, 1]} : vector<25x12x32xf32> to vector<25x1x32xf32>
    %slice3A_21 = vector.extract_strided_slice %get3A_2 {offsets = [0, 10, 0], sizes = [25, 1, 32], strides = [1, 1, 1]} : vector<25x12x32xf32> to vector<25x1x32xf32>
    %add3A_22 = arith.addf %slice3A_20, %slice3A_21 : vector<25x1x32xf32>
    %slice3A_23 = vector.extract_strided_slice %get3A_2 {offsets = [0, 3, 0], sizes = [25, 1, 32], strides = [1, 1, 1]} : vector<25x12x32xf32> to vector<25x1x32xf32>
    %slice3A_24 = vector.extract_strided_slice %get3A_2 {offsets = [0, 9, 0], sizes = [25, 1, 32], strides = [1, 1, 1]} : vector<25x12x32xf32> to vector<25x1x32xf32>
    %add3A_25 = arith.addf %slice3A_23, %slice3A_24 : vector<25x1x32xf32>
    %slice3A_26 = vector.extract_strided_slice %get3A_2 {offsets = [0, 4, 0], sizes = [25, 1, 32], strides = [1, 1, 1]} : vector<25x12x32xf32> to vector<25x1x32xf32>
    %slice3A_27 = vector.extract_strided_slice %get3A_2 {offsets = [0, 8, 0], sizes = [25, 1, 32], strides = [1, 1, 1]} : vector<25x12x32xf32> to vector<25x1x32xf32>
    %add3A_28 = arith.addf %slice3A_26, %slice3A_27 : vector<25x1x32xf32>
    %slice3A_29 = vector.extract_strided_slice %get3A_2 {offsets = [0, 5, 0], sizes = [25, 1, 32], strides = [1, 1, 1]} : vector<25x12x32xf32> to vector<25x1x32xf32>
    %slice3A_30 = vector.extract_strided_slice %get3A_2 {offsets = [0, 7, 0], sizes = [25, 1, 32], strides = [1, 1, 1]} : vector<25x12x32xf32> to vector<25x1x32xf32>
    %add3A_31 = arith.addf %slice3A_29, %slice3A_30 : vector<25x1x32xf32>
    %slice3A_32 = vector.extract_strided_slice %get3A_2 {offsets = [0, 6, 0], sizes = [25, 1, 32], strides = [1, 1, 1]} : vector<25x12x32xf32> to vector<25x1x32xf32>
    %concatenate3A = tpu.concatenate %slice3A, %add3A, %add3A_22, %add3A_25, %add3A_28, %add3A_31, %slice3A_32 in 1 : vector<25x1x32xf32>, vector<25x1x32xf32>, vector<25x1x32xf32>, vector<25x1x32xf32>, vector<25x1x32xf32>, vector<25x1x32xf32>, vector<25x1x32xf32> -> vector<25x7x32xf32>
    %slice3A_33 = vector.extract_strided_slice %concatenate3A {offsets = [0, 0, 0], sizes = [1, 7, 32], strides = [1, 1, 1]} : vector<25x7x32xf32> to vector<1x7x32xf32>
    %squeeze3A = vector.shape_cast %slice3A_33 : vector<1x7x32xf32> to vector<7x32xf32>
    %slice3A_34 = vector.extract_strided_slice %concatenate3A {offsets = [2, 0, 0], sizes = [1, 7, 32], strides = [1, 1, 1]} : vector<25x7x32xf32> to vector<1x7x32xf32>
    %squeeze3A_35 = vector.shape_cast %slice3A_34 : vector<1x7x32xf32> to vector<7x32xf32>
    %mul3A = arith.constant -1.000000e+00 : f32
    %mul3A_36 = vector.broadcast %mul3A : f32 to vector<7x32xf32>
    %mul3A_37 = arith.mulf %mul3A_36, %squeeze3A_35 : vector<7x32xf32>
    %add3A_38 = arith.constant 0.000000e+00 : f32
    %add3A_39 = vector.broadcast %add3A_38 : f32 to vector<7x32xf32>
    %add3A_40 = arith.addf %add3A_39, %mul3A_37 : vector<7x32xf32>
    %slice3A_41 = vector.extract_strided_slice %concatenate3A {offsets = [4, 0, 0], sizes = [1, 7, 32], strides = [1, 1, 1]} : vector<25x7x32xf32> to vector<1x7x32xf32>
    %squeeze3A_42 = vector.shape_cast %slice3A_41 : vector<1x7x32xf32> to vector<7x32xf32>
    %mul3A_43 = arith.constant 1.000000e+00 : f32
    %mul3A_44 = vector.broadcast %mul3A_43 : f32 to vector<7x32xf32>
    %mul3A_45 = arith.mulf %mul3A_44, %squeeze3A_42 : vector<7x32xf32>
    %add3A_46 = arith.addf %add3A_40, %mul3A_45 : vector<7x32xf32>
    %slice3A_47 = vector.extract_strided_slice %concatenate3A {offsets = [6, 0, 0], sizes = [1, 7, 32], strides = [1, 1, 1]} : vector<25x7x32xf32> to vector<1x7x32xf32>
    %squeeze3A_48 = vector.shape_cast %slice3A_47 : vector<1x7x32xf32> to vector<7x32xf32>
    %mul3A_49 = arith.constant -1.000000e+00 : f32
    %mul3A_50 = vector.broadcast %mul3A_49 : f32 to vector<7x32xf32>
    %mul3A_51 = arith.mulf %mul3A_50, %squeeze3A_48 : vector<7x32xf32>
    %add3A_52 = arith.addf %add3A_46, %mul3A_51 : vector<7x32xf32>
    %slice3A_53 = vector.extract_strided_slice %concatenate3A {offsets = [8, 0, 0], sizes = [1, 7, 32], strides = [1, 1, 1]} : vector<25x7x32xf32> to vector<1x7x32xf32>
    %squeeze3A_54 = vector.shape_cast %slice3A_53 : vector<1x7x32xf32> to vector<7x32xf32>
    %mul3A_55 = arith.constant 1.000000e+00 : f32
    %mul3A_56 = vector.broadcast %mul3A_55 : f32 to vector<7x32xf32>
    %mul3A_57 = arith.mulf %mul3A_56, %squeeze3A_54 : vector<7x32xf32>
    %add3A_58 = arith.addf %add3A_52, %mul3A_57 : vector<7x32xf32>
    %slice3A_59 = vector.extract_strided_slice %concatenate3A {offsets = [10, 0, 0], sizes = [1, 7, 32], strides = [1, 1, 1]} : vector<25x7x32xf32> to vector<1x7x32xf32>
    %squeeze3A_60 = vector.shape_cast %slice3A_59 : vector<1x7x32xf32> to vector<7x32xf32>
    %mul3A_61 = arith.constant -1.000000e+00 : f32
    %mul3A_62 = vector.broadcast %mul3A_61 : f32 to vector<7x32xf32>
    %mul3A_63 = arith.mulf %mul3A_62, %squeeze3A_60 : vector<7x32xf32>
    %add3A_64 = arith.addf %add3A_58, %mul3A_63 : vector<7x32xf32>
    %slice3A_65 = vector.extract_strided_slice %concatenate3A {offsets = [12, 0, 0], sizes = [1, 7, 32], strides = [1, 1, 1]} : vector<25x7x32xf32> to vector<1x7x32xf32>
    %squeeze3A_66 = vector.shape_cast %slice3A_65 : vector<1x7x32xf32> to vector<7x32xf32>
    %mul3A_67 = arith.constant 1.000000e+00 : f32
    %mul3A_68 = vector.broadcast %mul3A_67 : f32 to vector<7x32xf32>
    %mul3A_69 = arith.mulf %mul3A_68, %squeeze3A_66 : vector<7x32xf32>
    %add3A_70 = arith.addf %add3A_64, %mul3A_69 : vector<7x32xf32>
    %slice3A_71 = vector.extract_strided_slice %concatenate3A {offsets = [14, 0, 0], sizes = [1, 7, 32], strides = [1, 1, 1]} : vector<25x7x32xf32> to vector<1x7x32xf32>
    %squeeze3A_72 = vector.shape_cast %slice3A_71 : vector<1x7x32xf32> to vector<7x32xf32>
    %mul3A_73 = arith.constant -1.000000e+00 : f32
    %mul3A_74 = vector.broadcast %mul3A_73 : f32 to vector<7x32xf32>
    %mul3A_75 = arith.mulf %mul3A_74, %squeeze3A_72 : vector<7x32xf32>
    %add3A_76 = arith.addf %add3A_70, %mul3A_75 : vector<7x32xf32>
    %slice3A_77 = vector.extract_strided_slice %concatenate3A {offsets = [16, 0, 0], sizes = [1, 7, 32], strides = [1, 1, 1]} : vector<25x7x32xf32> to vector<1x7x32xf32>
    %squeeze3A_78 = vector.shape_cast %slice3A_77 : vector<1x7x32xf32> to vector<7x32xf32>
    %mul3A_79 = arith.constant 1.000000e+00 : f32
    %mul3A_80 = vector.broadcast %mul3A_79 : f32 to vector<7x32xf32>
    %mul3A_81 = arith.mulf %mul3A_80, %squeeze3A_78 : vector<7x32xf32>
    %add3A_82 = arith.addf %add3A_76, %mul3A_81 : vector<7x32xf32>
    %slice3A_83 = vector.extract_strided_slice %concatenate3A {offsets = [18, 0, 0], sizes = [1, 7, 32], strides = [1, 1, 1]} : vector<25x7x32xf32> to vector<1x7x32xf32>
    %squeeze3A_84 = vector.shape_cast %slice3A_83 : vector<1x7x32xf32> to vector<7x32xf32>
    %mul3A_85 = arith.constant -1.000000e+00 : f32
    %mul3A_86 = vector.broadcast %mul3A_85 : f32 to vector<7x32xf32>
    %mul3A_87 = arith.mulf %mul3A_86, %squeeze3A_84 : vector<7x32xf32>
    %add3A_88 = arith.addf %add3A_82, %mul3A_87 : vector<7x32xf32>
    %slice3A_89 = vector.extract_strided_slice %concatenate3A {offsets = [20, 0, 0], sizes = [1, 7, 32], strides = [1, 1, 1]} : vector<25x7x32xf32> to vector<1x7x32xf32>
    %squeeze3A_90 = vector.shape_cast %slice3A_89 : vector<1x7x32xf32> to vector<7x32xf32>
    %mul3A_91 = arith.constant 1.000000e+00 : f32
    %mul3A_92 = vector.broadcast %mul3A_91 : f32 to vector<7x32xf32>
    %mul3A_93 = arith.mulf %mul3A_92, %squeeze3A_90 : vector<7x32xf32>
    %add3A_94 = arith.addf %add3A_88, %mul3A_93 : vector<7x32xf32>
    %slice3A_95 = vector.extract_strided_slice %concatenate3A {offsets = [22, 0, 0], sizes = [1, 7, 32], strides = [1, 1, 1]} : vector<25x7x32xf32> to vector<1x7x32xf32>
    %squeeze3A_96 = vector.shape_cast %slice3A_95 : vector<1x7x32xf32> to vector<7x32xf32>
    %mul3A_97 = arith.constant -1.000000e+00 : f32
    %mul3A_98 = vector.broadcast %mul3A_97 : f32 to vector<7x32xf32>
    %mul3A_99 = arith.mulf %mul3A_98, %squeeze3A_96 : vector<7x32xf32>
    %add3A_100 = arith.addf %add3A_94, %mul3A_99 : vector<7x32xf32>
    %slice3A_101 = vector.extract_strided_slice %concatenate3A {offsets = [24, 0, 0], sizes = [1, 7, 32], strides = [1, 1, 1]} : vector<25x7x32xf32> to vector<1x7x32xf32>
    %squeeze3A_102 = vector.shape_cast %slice3A_101 : vector<1x7x32xf32> to vector<7x32xf32>
    %mul3A_103 = arith.constant 1.000000e+00 : f32
    %mul3A_104 = vector.broadcast %mul3A_103 : f32 to vector<7x32xf32>
    %mul3A_105 = arith.mulf %mul3A_104, %squeeze3A_102 : vector<7x32xf32>
    %add3A_106 = arith.addf %add3A_100, %mul3A_105 : vector<7x32xf32>
    %add3A_107 = arith.addf %squeeze3A, %add3A_106 : vector<7x32xf32>
    %reshape3A = vector.shape_cast %concatenate3A : vector<25x7x32xf32> to vector<175x32xf32>
    %iota3A = tpu.iota {dimensions = array<i32: 0>} : vector<1024x1xi32>
    %mul3A_108 = arith.constant 1024 : i32
    %mul3A_109 = arith.muli %arg0, %mul3A_108 : i32
    %add3A_110 = vector.broadcast %mul3A_109 : i32 to vector<1024x1xi32>
    %add3A_111 = arith.addi %iota3A, %add3A_110 : vector<1024x1xi32>
    %lt3A = arith.constant 50000 : i32
    %lt3A_112 = vector.broadcast %lt3A : i32 to vector<1024x1xi32>
    %lt3A_113 = arith.cmpi slt, %add3A_111, %lt3A_112 : vector<1024x1xi32>
    %get3A_114 = arith.constant 0 : index
    %get3A_115 = arith.constant 0 : index
    %get3A_116 = arith.constant 0 : index
    %get3A_117 = vector.load %arg7[%get3A_114, %get3A_115, %get3A_116] : memref<10x1024x32xf32, #tpu.memory_space<vmem>>, vector<10x1024x32xf32>
    %eq3A_118 = arith.constant 0 : i32
    %eq3A_119 = arith.cmpi eq, %arg0, %eq3A_118 : i32
    %convert_element_type3A = arith.extui %eq3A_119 : i1 to i32
    %cond3A = arith.constant 0 : i32
    %cond3A_120 = arith.cmpi ne, %convert_element_type3A, %cond3A : i32
    scf.if %cond3A_120 {
      %broadcast_in_dim3A_511 = arith.constant 0.000000e+00 : f32
      %broadcast_in_dim3A_512 = vector.broadcast %broadcast_in_dim3A_511 : f32 to vector<4x10x32xf32>
      %swap3A_513 = arith.constant 0 : index
      %swap3A_514 = arith.constant 0 : index
      %swap3A_515 = arith.constant 0 : index
      %swap3A_516 = vector.load %arg10[%swap3A_513, %swap3A_514, %swap3A_515] : memref<4x10x32xf32, #tpu.memory_space<vmem>>, vector<4x10x32xf32>
      tpu.vector_store %arg10[%swap3A_513, %swap3A_514, %swap3A_515], %broadcast_in_dim3A_512 {strides = array<i32>} : memref<4x10x32xf32, #tpu.memory_space<vmem>>, vector<4x10x32xf32>,
    } else {
    }
    %slice3A_121 = vector.extract_strided_slice %get3A_14 {offsets = [1, 0, 0], sizes = [25, 7, 1024], strides = [1, 1, 1]} : vector<26x28x1024xf32> to vector<25x7x1024xf32>
    %reshape3A_122 = vector.shape_cast %slice3A_121 : vector<25x7x1024xf32> to vector<175x1024xf32>
    %mul3A_123 = vector.broadcast %sqrt3A : vector<1x1024xf32> to vector<175x1024xf32>
    %mul3A_124 = arith.mulf %reshape3A_122, %mul3A_123 : vector<175x1024xf32>
    %dot_general3A = arith.constant dense<0.000000e+00> : vector<1024x32xf32>
    %dot_general3A_125 = tpu.matmul %mul3A_124, %reshape3A, %dot_general3A {dimension_numbers = #tpu.dot_dimension_numbers<[0], [0], [1], [1], [0, 1, 1, 1], [], []>, transpose_lhs_hint = false} : vector<175x1024xf32>, vector<175x32xf32>, vector<1024x32xf32> -> vector<1024x32xf32>
    %slice3A_126 = vector.extract_strided_slice %get3A_17 {offsets = [0, 0], sizes = [7, 1024], strides = [1, 1]} : vector<28x1024xf32> to vector<7x1024xf32>
    %dot_general3A_127 = arith.constant dense<0.000000e+00> : vector<1024x32xf32>
    %dot_general3A_128 = tpu.matmul %slice3A_126, %add3A_107, %dot_general3A_127 {dimension_numbers = #tpu.dot_dimension_numbers<[0], [0], [1], [1], [0, 1, 1, 1], [], []>, transpose_lhs_hint = false} : vector<7x1024xf32>, vector<7x32xf32>, vector<1024x32xf32> -> vector<1024x32xf32>
    %broadcast_in_dim3A = vector.shape_cast %eq3A_10 : vector<1024x1xi1> to vector<1024x1xi1>
    %broadcast_in_dim3A_129 = vector.broadcast %broadcast_in_dim3A : vector<1024x1xi1> to vector<1024x32xi1>
    %select_n3A = arith.select %broadcast_in_dim3A_129, %dot_general3A_128, %dot_general3A_125 : vector<1024x32xi1>, vector<1024x32xf32>
    %get3A_130 = arith.constant 0 : index
    %get3A_131 = arith.constant 0 : index
    %get3A_132 = vector.load %arg6[%get3A_130, %get3A_131] : memref<1x32xf32, #tpu.memory_space<vmem>>, vector<1x32xf32>
    %add3A_133 = vector.broadcast %get3A_132 : vector<1x32xf32> to vector<1024x32xf32>
    %add3A_134 = arith.addf %select_n3A, %add3A_133 : vector<1024x32xf32>
    %max3A = arith.constant 0.000000e+00 : f32
    %max3A_135 = vector.broadcast %max3A : f32 to vector<1024x32xf32>
    %max3A_136 = arith.maximumf %add3A_134, %max3A_135 : vector<1024x32xf32>
    %jit3A = arith.constant 0.000000e+00 : f32
    %broadcast_in_dim3A_137 = vector.shape_cast %lt3A_113 : vector<1024x1xi1> to vector<1024x1xi1>
    %broadcast_in_dim3A_138 = vector.broadcast %broadcast_in_dim3A_137 : vector<1024x1xi1> to vector<1024x32xi1>
    %broadcast_in_dim3A_139 = vector.broadcast %jit3A : f32 to vector<1024x32xf32>
    %select_n3A_140 = arith.select %broadcast_in_dim3A_138, %max3A_136, %broadcast_in_dim3A_139 : vector<1024x32xi1>, vector<1024x32xf32>
    %slice3A_141 = vector.extract_strided_slice %get3A_117 {offsets = [0, 0, 0], sizes = [1, 1024, 32], strides = [1, 1, 1]} : vector<10x1024x32xf32> to vector<1x1024x32xf32>
    %squeeze3A_142 = vector.shape_cast %slice3A_141 : vector<1x1024x32xf32> to vector<1024x32xf32>
    %mul3A_143 = arith.mulf %select_n3A_140, %squeeze3A_142 : vector<1024x32xf32>
    %reduce_sum3A = arith.constant dense<0.000000e+00> : vector<32xf32>
    %reduce_sum3A_144 = vector.multi_reduction <add>, %mul3A_143, %reduce_sum3A [0] : vector<1024x32xf32> to vector<32xf32>
    %broadcast_in_dim3A_145 = vector.shape_cast %reduce_sum3A_144 : vector<32xf32> to vector<1x32xf32>
    %slice3A_146 = vector.extract_strided_slice %get3A_117 {offsets = [1, 0, 0], sizes = [1, 1024, 32], strides = [1, 1, 1]} : vector<10x1024x32xf32> to vector<1x1024x32xf32>
    %squeeze3A_147 = vector.shape_cast %slice3A_146 : vector<1x1024x32xf32> to vector<1024x32xf32>
    %mul3A_148 = arith.mulf %select_n3A_140, %squeeze3A_147 : vector<1024x32xf32>
    %reduce_sum3A_149 = arith.constant dense<0.000000e+00> : vector<32xf32>
    %reduce_sum3A_150 = vector.multi_reduction <add>, %mul3A_148, %reduce_sum3A_149 [0] : vector<1024x32xf32> to vector<32xf32>
    %broadcast_in_dim3A_151 = vector.shape_cast %reduce_sum3A_150 : vector<32xf32> to vector<1x32xf32>
    %slice3A_152 = vector.extract_strided_slice %get3A_117 {offsets = [2, 0, 0], sizes = [1, 1024, 32], strides = [1, 1, 1]} : vector<10x1024x32xf32> to vector<1x1024x32xf32>
    %squeeze3A_153 = vector.shape_cast %slice3A_152 : vector<1x1024x32xf32> to vector<1024x32xf32>
    %mul3A_154 = arith.mulf %select_n3A_140, %squeeze3A_153 : vector<1024x32xf32>
    %reduce_sum3A_155 = arith.constant dense<0.000000e+00> : vector<32xf32>
    %reduce_sum3A_156 = vector.multi_reduction <add>, %mul3A_154, %reduce_sum3A_155 [0] : vector<1024x32xf32> to vector<32xf32>
    %broadcast_in_dim3A_157 = vector.shape_cast %reduce_sum3A_156 : vector<32xf32> to vector<1x32xf32>
    %slice3A_158 = vector.extract_strided_slice %get3A_117 {offsets = [3, 0, 0], sizes = [1, 1024, 32], strides = [1, 1, 1]} : vector<10x1024x32xf32> to vector<1x1024x32xf32>
    %squeeze3A_159 = vector.shape_cast %slice3A_158 : vector<1x1024x32xf32> to vector<1024x32xf32>
    %mul3A_160 = arith.mulf %select_n3A_140, %squeeze3A_159 : vector<1024x32xf32>
    %reduce_sum3A_161 = arith.constant dense<0.000000e+00> : vector<32xf32>
    %reduce_sum3A_162 = vector.multi_reduction <add>, %mul3A_160, %reduce_sum3A_161 [0] : vector<1024x32xf32> to vector<32xf32>
    %broadcast_in_dim3A_163 = vector.shape_cast %reduce_sum3A_162 : vector<32xf32> to vector<1x32xf32>
    %slice3A_164 = vector.extract_strided_slice %get3A_117 {offsets = [4, 0, 0], sizes = [1, 1024, 32], strides = [1, 1, 1]} : vector<10x1024x32xf32> to vector<1x1024x32xf32>
    %squeeze3A_165 = vector.shape_cast %slice3A_164 : vector<1x1024x32xf32> to vector<1024x32xf32>
    %mul3A_166 = arith.mulf %select_n3A_140, %squeeze3A_165 : vector<1024x32xf32>
    %reduce_sum3A_167 = arith.constant dense<0.000000e+00> : vector<32xf32>
    %reduce_sum3A_168 = vector.multi_reduction <add>, %mul3A_166, %reduce_sum3A_167 [0] : vector<1024x32xf32> to vector<32xf32>
    %broadcast_in_dim3A_169 = vector.shape_cast %reduce_sum3A_168 : vector<32xf32> to vector<1x32xf32>
    %slice3A_170 = vector.extract_strided_slice %get3A_117 {offsets = [5, 0, 0], sizes = [1, 1024, 32], strides = [1, 1, 1]} : vector<10x1024x32xf32> to vector<1x1024x32xf32>
    %squeeze3A_171 = vector.shape_cast %slice3A_170 : vector<1x1024x32xf32> to vector<1024x32xf32>
    %mul3A_172 = arith.mulf %select_n3A_140, %squeeze3A_171 : vector<1024x32xf32>
    %reduce_sum3A_173 = arith.constant dense<0.000000e+00> : vector<32xf32>
    %reduce_sum3A_174 = vector.multi_reduction <add>, %mul3A_172, %reduce_sum3A_173 [0] : vector<1024x32xf32> to vector<32xf32>
    %broadcast_in_dim3A_175 = vector.shape_cast %reduce_sum3A_174 : vector<32xf32> to vector<1x32xf32>
    %slice3A_176 = vector.extract_strided_slice %get3A_117 {offsets = [6, 0, 0], sizes = [1, 1024, 32], strides = [1, 1, 1]} : vector<10x1024x32xf32> to vector<1x1024x32xf32>
    %squeeze3A_177 = vector.shape_cast %slice3A_176 : vector<1x1024x32xf32> to vector<1024x32xf32>
    %mul3A_178 = arith.mulf %select_n3A_140, %squeeze3A_177 : vector<1024x32xf32>
    %reduce_sum3A_179 = arith.constant dense<0.000000e+00> : vector<32xf32>
    %reduce_sum3A_180 = vector.multi_reduction <add>, %mul3A_178, %reduce_sum3A_179 [0] : vector<1024x32xf32> to vector<32xf32>
    %broadcast_in_dim3A_181 = vector.shape_cast %reduce_sum3A_180 : vector<32xf32> to vector<1x32xf32>
    %slice3A_182 = vector.extract_strided_slice %get3A_117 {offsets = [7, 0, 0], sizes = [1, 1024, 32], strides = [1, 1, 1]} : vector<10x1024x32xf32> to vector<1x1024x32xf32>
    %squeeze3A_183 = vector.shape_cast %slice3A_182 : vector<1x1024x32xf32> to vector<1024x32xf32>
    %mul3A_184 = arith.mulf %select_n3A_140, %squeeze3A_183 : vector<1024x32xf32>
    %reduce_sum3A_185 = arith.constant dense<0.000000e+00> : vector<32xf32>
    %reduce_sum3A_186 = vector.multi_reduction <add>, %mul3A_184, %reduce_sum3A_185 [0] : vector<1024x32xf32> to vector<32xf32>
    %broadcast_in_dim3A_187 = vector.shape_cast %reduce_sum3A_186 : vector<32xf32> to vector<1x32xf32>
    %slice3A_188 = vector.extract_strided_slice %get3A_117 {offsets = [8, 0, 0], sizes = [1, 1024, 32], strides = [1, 1, 1]} : vector<10x1024x32xf32> to vector<1x1024x32xf32>
    %squeeze3A_189 = vector.shape_cast %slice3A_188 : vector<1x1024x32xf32> to vector<1024x32xf32>
    %mul3A_190 = arith.mulf %select_n3A_140, %squeeze3A_189 : vector<1024x32xf32>
    %reduce_sum3A_191 = arith.constant dense<0.000000e+00> : vector<32xf32>
    %reduce_sum3A_192 = vector.multi_reduction <add>, %mul3A_190, %reduce_sum3A_191 [0] : vector<1024x32xf32> to vector<32xf32>
    %broadcast_in_dim3A_193 = vector.shape_cast %reduce_sum3A_192 : vector<32xf32> to vector<1x32xf32>
    %slice3A_194 = vector.extract_strided_slice %get3A_117 {offsets = [9, 0, 0], sizes = [1, 1024, 32], strides = [1, 1, 1]} : vector<10x1024x32xf32> to vector<1x1024x32xf32>
    %squeeze3A_195 = vector.shape_cast %slice3A_194 : vector<1x1024x32xf32> to vector<1024x32xf32>
    %mul3A_196 = arith.mulf %select_n3A_140, %squeeze3A_195 : vector<1024x32xf32>
    %reduce_sum3A_197 = arith.constant dense<0.000000e+00> : vector<32xf32>
    %reduce_sum3A_198 = vector.multi_reduction <add>, %mul3A_196, %reduce_sum3A_197 [0] : vector<1024x32xf32> to vector<32xf32>
    %broadcast_in_dim3A_199 = vector.shape_cast %reduce_sum3A_198 : vector<32xf32> to vector<1x32xf32>
    %concatenate3A_200 = tpu.concatenate %broadcast_in_dim3A_145, %broadcast_in_dim3A_151, %broadcast_in_dim3A_157, %broadcast_in_dim3A_163, %broadcast_in_dim3A_169, %broadcast_in_dim3A_175, %broadcast_in_dim3A_181, %broadcast_in_dim3A_187, %broadcast_in_dim3A_193, %broadcast_in_dim3A_199 in 0 : vector<1x32xf32>, vector<1x32xf32>, vector<1x32xf32>, vector<1x32xf32>, vector<1x32xf32>, vector<1x32xf32>, vector<1x32xf32>, vector<1x32xf32>, vector<1x32xf32>, vector<1x32xf32> -> vector<10x32xf32>
    %get3A_201 = arith.constant 0 : index
    %get3A_202 = arith.constant 0 : index
    %get3A_203 = arith.constant 0 : index
    %get3A_204 = vector.load %arg10[%get3A_201, %get3A_202, %get3A_203] : memref<4x10x32xf32, #tpu.memory_space<vmem>>, vector<1x10x32xf32>
    %get3A_205 = vector.shape_cast %get3A_204 : vector<1x10x32xf32> to vector<10x32xf32>
    %add3A_206 = arith.addf %get3A_205, %concatenate3A_200 : vector<10x32xf32>
    %swap3A = arith.constant 0 : index
    %swap3A_207 = arith.constant 0 : index
    %swap3A_208 = arith.constant 0 : index
    %swap3A_209 = vector.load %arg10[%swap3A, %swap3A_207, %swap3A_208] : memref<4x10x32xf32, #tpu.memory_space<vmem>>, vector<1x10x32xf32>
    %swap3A_210 = vector.shape_cast %swap3A_209 : vector<1x10x32xf32> to vector<10x32xf32>
    %swap3A_211 = vector.shape_cast %add3A_206 : vector<10x32xf32> to vector<1x10x32xf32>
    tpu.vector_store %arg10[%swap3A, %swap3A_207, %swap3A_208], %swap3A_211 {strides = array<i32>} : memref<4x10x32xf32, #tpu.memory_space<vmem>>, vector<1x10x32xf32>,
    %slice3A_212 = vector.extract_strided_slice %get3A_14 {offsets = [1, 7, 0], sizes = [25, 7, 1024], strides = [1, 1, 1]} : vector<26x28x1024xf32> to vector<25x7x1024xf32>
    %reshape3A_213 = vector.shape_cast %slice3A_212 : vector<25x7x1024xf32> to vector<175x1024xf32>
    %mul3A_214 = vector.broadcast %sqrt3A : vector<1x1024xf32> to vector<175x1024xf32>
    %mul3A_215 = arith.mulf %reshape3A_213, %mul3A_214 : vector<175x1024xf32>
    %dot_general3A_216 = arith.constant dense<0.000000e+00> : vector<1024x32xf32>
    %dot_general3A_217 = tpu.matmul %mul3A_215, %reshape3A, %dot_general3A_216 {dimension_numbers = #tpu.dot_dimension_numbers<[0], [0], [1], [1], [0, 1, 1, 1], [], []>, transpose_lhs_hint = false} : vector<175x1024xf32>, vector<175x32xf32>, vector<1024x32xf32> -> vector<1024x32xf32>
    %slice3A_218 = vector.extract_strided_slice %get3A_17 {offsets = [7, 0], sizes = [7, 1024], strides = [1, 1]} : vector<28x1024xf32> to vector<7x1024xf32>
    %dot_general3A_219 = arith.constant dense<0.000000e+00> : vector<1024x32xf32>
    %dot_general3A_220 = tpu.matmul %slice3A_218, %add3A_107, %dot_general3A_219 {dimension_numbers = #tpu.dot_dimension_numbers<[0], [0], [1], [1], [0, 1, 1, 1], [], []>, transpose_lhs_hint = false} : vector<7x1024xf32>, vector<7x32xf32>, vector<1024x32xf32> -> vector<1024x32xf32>
    %broadcast_in_dim3A_221 = vector.shape_cast %eq3A_10 : vector<1024x1xi1> to vector<1024x1xi1>
    %broadcast_in_dim3A_222 = vector.broadcast %broadcast_in_dim3A_221 : vector<1024x1xi1> to vector<1024x32xi1>
    %select_n3A_223 = arith.select %broadcast_in_dim3A_222, %dot_general3A_220, %dot_general3A_217 : vector<1024x32xi1>, vector<1024x32xf32>
    %get3A_224 = arith.constant 0 : index
    %get3A_225 = arith.constant 0 : index
    %get3A_226 = vector.load %arg6[%get3A_224, %get3A_225] : memref<1x32xf32, #tpu.memory_space<vmem>>, vector<1x32xf32>
    %add3A_227 = vector.broadcast %get3A_226 : vector<1x32xf32> to vector<1024x32xf32>
    %add3A_228 = arith.addf %select_n3A_223, %add3A_227 : vector<1024x32xf32>
    %max3A_229 = arith.constant 0.000000e+00 : f32
    %max3A_230 = vector.broadcast %max3A_229 : f32 to vector<1024x32xf32>
    %max3A_231 = arith.maximumf %add3A_228, %max3A_230 : vector<1024x32xf32>
    %jit3A_232 = arith.constant 0.000000e+00 : f32
    %broadcast_in_dim3A_233 = vector.shape_cast %lt3A_113 : vector<1024x1xi1> to vector<1024x1xi1>
    %broadcast_in_dim3A_234 = vector.broadcast %broadcast_in_dim3A_233 : vector<1024x1xi1> to vector<1024x32xi1>
    %broadcast_in_dim3A_235 = vector.broadcast %jit3A_232 : f32 to vector<1024x32xf32>
    %select_n3A_236 = arith.select %broadcast_in_dim3A_234, %max3A_231, %broadcast_in_dim3A_235 : vector<1024x32xi1>, vector<1024x32xf32>
    %slice3A_237 = vector.extract_strided_slice %get3A_117 {offsets = [0, 0, 0], sizes = [1, 1024, 32], strides = [1, 1, 1]} : vector<10x1024x32xf32> to vector<1x1024x32xf32>
    %squeeze3A_238 = vector.shape_cast %slice3A_237 : vector<1x1024x32xf32> to vector<1024x32xf32>
    %mul3A_239 = arith.mulf %select_n3A_236, %squeeze3A_238 : vector<1024x32xf32>
    %reduce_sum3A_240 = arith.constant dense<0.000000e+00> : vector<32xf32>
    %reduce_sum3A_241 = vector.multi_reduction <add>, %mul3A_239, %reduce_sum3A_240 [0] : vector<1024x32xf32> to vector<32xf32>
    %broadcast_in_dim3A_242 = vector.shape_cast %reduce_sum3A_241 : vector<32xf32> to vector<1x32xf32>
    %slice3A_243 = vector.extract_strided_slice %get3A_117 {offsets = [1, 0, 0], sizes = [1, 1024, 32], strides = [1, 1, 1]} : vector<10x1024x32xf32> to vector<1x1024x32xf32>
    %squeeze3A_244 = vector.shape_cast %slice3A_243 : vector<1x1024x32xf32> to vector<1024x32xf32>
    %mul3A_245 = arith.mulf %select_n3A_236, %squeeze3A_244 : vector<1024x32xf32>
    %reduce_sum3A_246 = arith.constant dense<0.000000e+00> : vector<32xf32>
    %reduce_sum3A_247 = vector.multi_reduction <add>, %mul3A_245, %reduce_sum3A_246 [0] : vector<1024x32xf32> to vector<32xf32>
    %broadcast_in_dim3A_248 = vector.shape_cast %reduce_sum3A_247 : vector<32xf32> to vector<1x32xf32>
    %slice3A_249 = vector.extract_strided_slice %get3A_117 {offsets = [2, 0, 0], sizes = [1, 1024, 32], strides = [1, 1, 1]} : vector<10x1024x32xf32> to vector<1x1024x32xf32>
    %squeeze3A_250 = vector.shape_cast %slice3A_249 : vector<1x1024x32xf32> to vector<1024x32xf32>
    %mul3A_251 = arith.mulf %select_n3A_236, %squeeze3A_250 : vector<1024x32xf32>
    %reduce_sum3A_252 = arith.constant dense<0.000000e+00> : vector<32xf32>
    %reduce_sum3A_253 = vector.multi_reduction <add>, %mul3A_251, %reduce_sum3A_252 [0] : vector<1024x32xf32> to vector<32xf32>
    %broadcast_in_dim3A_254 = vector.shape_cast %reduce_sum3A_253 : vector<32xf32> to vector<1x32xf32>
    %slice3A_255 = vector.extract_strided_slice %get3A_117 {offsets = [3, 0, 0], sizes = [1, 1024, 32], strides = [1, 1, 1]} : vector<10x1024x32xf32> to vector<1x1024x32xf32>
    %squeeze3A_256 = vector.shape_cast %slice3A_255 : vector<1x1024x32xf32> to vector<1024x32xf32>
    %mul3A_257 = arith.mulf %select_n3A_236, %squeeze3A_256 : vector<1024x32xf32>
    %reduce_sum3A_258 = arith.constant dense<0.000000e+00> : vector<32xf32>
    %reduce_sum3A_259 = vector.multi_reduction <add>, %mul3A_257, %reduce_sum3A_258 [0] : vector<1024x32xf32> to vector<32xf32>
    %broadcast_in_dim3A_260 = vector.shape_cast %reduce_sum3A_259 : vector<32xf32> to vector<1x32xf32>
    %slice3A_261 = vector.extract_strided_slice %get3A_117 {offsets = [4, 0, 0], sizes = [1, 1024, 32], strides = [1, 1, 1]} : vector<10x1024x32xf32> to vector<1x1024x32xf32>
    %squeeze3A_262 = vector.shape_cast %slice3A_261 : vector<1x1024x32xf32> to vector<1024x32xf32>
    %mul3A_263 = arith.mulf %select_n3A_236, %squeeze3A_262 : vector<1024x32xf32>
    %reduce_sum3A_264 = arith.constant dense<0.000000e+00> : vector<32xf32>
    %reduce_sum3A_265 = vector.multi_reduction <add>, %mul3A_263, %reduce_sum3A_264 [0] : vector<1024x32xf32> to vector<32xf32>
    %broadcast_in_dim3A_266 = vector.shape_cast %reduce_sum3A_265 : vector<32xf32> to vector<1x32xf32>
    %slice3A_267 = vector.extract_strided_slice %get3A_117 {offsets = [5, 0, 0], sizes = [1, 1024, 32], strides = [1, 1, 1]} : vector<10x1024x32xf32> to vector<1x1024x32xf32>
    %squeeze3A_268 = vector.shape_cast %slice3A_267 : vector<1x1024x32xf32> to vector<1024x32xf32>
    %mul3A_269 = arith.mulf %select_n3A_236, %squeeze3A_268 : vector<1024x32xf32>
    %reduce_sum3A_270 = arith.constant dense<0.000000e+00> : vector<32xf32>
    %reduce_sum3A_271 = vector.multi_reduction <add>, %mul3A_269, %reduce_sum3A_270 [0] : vector<1024x32xf32> to vector<32xf32>
    %broadcast_in_dim3A_272 = vector.shape_cast %reduce_sum3A_271 : vector<32xf32> to vector<1x32xf32>
    %slice3A_273 = vector.extract_strided_slice %get3A_117 {offsets = [6, 0, 0], sizes = [1, 1024, 32], strides = [1, 1, 1]} : vector<10x1024x32xf32> to vector<1x1024x32xf32>
    %squeeze3A_274 = vector.shape_cast %slice3A_273 : vector<1x1024x32xf32> to vector<1024x32xf32>
    %mul3A_275 = arith.mulf %select_n3A_236, %squeeze3A_274 : vector<1024x32xf32>
    %reduce_sum3A_276 = arith.constant dense<0.000000e+00> : vector<32xf32>
    %reduce_sum3A_277 = vector.multi_reduction <add>, %mul3A_275, %reduce_sum3A_276 [0] : vector<1024x32xf32> to vector<32xf32>
    %broadcast_in_dim3A_278 = vector.shape_cast %reduce_sum3A_277 : vector<32xf32> to vector<1x32xf32>
    %slice3A_279 = vector.extract_strided_slice %get3A_117 {offsets = [7, 0, 0], sizes = [1, 1024, 32], strides = [1, 1, 1]} : vector<10x1024x32xf32> to vector<1x1024x32xf32>
    %squeeze3A_280 = vector.shape_cast %slice3A_279 : vector<1x1024x32xf32> to vector<1024x32xf32>
    %mul3A_281 = arith.mulf %select_n3A_236, %squeeze3A_280 : vector<1024x32xf32>
    %reduce_sum3A_282 = arith.constant dense<0.000000e+00> : vector<32xf32>
    %reduce_sum3A_283 = vector.multi_reduction <add>, %mul3A_281, %reduce_sum3A_282 [0] : vector<1024x32xf32> to vector<32xf32>
    %broadcast_in_dim3A_284 = vector.shape_cast %reduce_sum3A_283 : vector<32xf32> to vector<1x32xf32>
    %slice3A_285 = vector.extract_strided_slice %get3A_117 {offsets = [8, 0, 0], sizes = [1, 1024, 32], strides = [1, 1, 1]} : vector<10x1024x32xf32> to vector<1x1024x32xf32>
    %squeeze3A_286 = vector.shape_cast %slice3A_285 : vector<1x1024x32xf32> to vector<1024x32xf32>
    %mul3A_287 = arith.mulf %select_n3A_236, %squeeze3A_286 : vector<1024x32xf32>
    %reduce_sum3A_288 = arith.constant dense<0.000000e+00> : vector<32xf32>
    %reduce_sum3A_289 = vector.multi_reduction <add>, %mul3A_287, %reduce_sum3A_288 [0] : vector<1024x32xf32> to vector<32xf32>
    %broadcast_in_dim3A_290 = vector.shape_cast %reduce_sum3A_289 : vector<32xf32> to vector<1x32xf32>
    %slice3A_291 = vector.extract_strided_slice %get3A_117 {offsets = [9, 0, 0], sizes = [1, 1024, 32], strides = [1, 1, 1]} : vector<10x1024x32xf32> to vector<1x1024x32xf32>
    %squeeze3A_292 = vector.shape_cast %slice3A_291 : vector<1x1024x32xf32> to vector<1024x32xf32>
    %mul3A_293 = arith.mulf %select_n3A_236, %squeeze3A_292 : vector<1024x32xf32>
    %reduce_sum3A_294 = arith.constant dense<0.000000e+00> : vector<32xf32>
    %reduce_sum3A_295 = vector.multi_reduction <add>, %mul3A_293, %reduce_sum3A_294 [0] : vector<1024x32xf32> to vector<32xf32>
    %broadcast_in_dim3A_296 = vector.shape_cast %reduce_sum3A_295 : vector<32xf32> to vector<1x32xf32>
    %concatenate3A_297 = tpu.concatenate %broadcast_in_dim3A_242, %broadcast_in_dim3A_248, %broadcast_in_dim3A_254, %broadcast_in_dim3A_260, %broadcast_in_dim3A_266, %broadcast_in_dim3A_272, %broadcast_in_dim3A_278, %broadcast_in_dim3A_284, %broadcast_in_dim3A_290, %broadcast_in_dim3A_296 in 0 : vector<1x32xf32>, vector<1x32xf32>, vector<1x32xf32>, vector<1x32xf32>, vector<1x32xf32>, vector<1x32xf32>, vector<1x32xf32>, vector<1x32xf32>, vector<1x32xf32>, vector<1x32xf32> -> vector<10x32xf32>
    %get3A_298 = arith.constant 1 : index
    %get3A_299 = arith.constant 0 : index
    %get3A_300 = arith.constant 0 : index
    %get3A_301 = vector.load %arg10[%get3A_298, %get3A_299, %get3A_300] : memref<4x10x32xf32, #tpu.memory_space<vmem>>, vector<1x10x32xf32>
    %get3A_302 = vector.shape_cast %get3A_301 : vector<1x10x32xf32> to vector<10x32xf32>
    %add3A_303 = arith.addf %get3A_302, %concatenate3A_297 : vector<10x32xf32>
    %swap3A_304 = arith.constant 1 : index
    %swap3A_305 = arith.constant 0 : index
    %swap3A_306 = arith.constant 0 : index
    %swap3A_307 = vector.load %arg10[%swap3A_304, %swap3A_305, %swap3A_306] : memref<4x10x32xf32, #tpu.memory_space<vmem>>, vector<1x10x32xf32>
    %swap3A_308 = vector.shape_cast %swap3A_307 : vector<1x10x32xf32> to vector<10x32xf32>
    %swap3A_309 = vector.shape_cast %add3A_303 : vector<10x32xf32> to vector<1x10x32xf32>
    tpu.vector_store %arg10[%swap3A_304, %swap3A_305, %swap3A_306], %swap3A_309 {strides = array<i32>} : memref<4x10x32xf32, #tpu.memory_space<vmem>>, vector<1x10x32xf32>,
    %slice3A_310 = vector.extract_strided_slice %get3A_14 {offsets = [1, 14, 0], sizes = [25, 7, 1024], strides = [1, 1, 1]} : vector<26x28x1024xf32> to vector<25x7x1024xf32>
    %reshape3A_311 = vector.shape_cast %slice3A_310 : vector<25x7x1024xf32> to vector<175x1024xf32>
    %mul3A_312 = vector.broadcast %sqrt3A : vector<1x1024xf32> to vector<175x1024xf32>
    %mul3A_313 = arith.mulf %reshape3A_311, %mul3A_312 : vector<175x1024xf32>
    %dot_general3A_314 = arith.constant dense<0.000000e+00> : vector<1024x32xf32>
    %dot_general3A_315 = tpu.matmul %mul3A_313, %reshape3A, %dot_general3A_314 {dimension_numbers = #tpu.dot_dimension_numbers<[0], [0], [1], [1], [0, 1, 1, 1], [], []>, transpose_lhs_hint = false} : vector<175x1024xf32>, vector<175x32xf32>, vector<1024x32xf32> -> vector<1024x32xf32>
    %slice3A_316 = vector.extract_strided_slice %get3A_17 {offsets = [14, 0], sizes = [7, 1024], strides = [1, 1]} : vector<28x1024xf32> to vector<7x1024xf32>
    %dot_general3A_317 = arith.constant dense<0.000000e+00> : vector<1024x32xf32>
    %dot_general3A_318 = tpu.matmul %slice3A_316, %add3A_107, %dot_general3A_317 {dimension_numbers = #tpu.dot_dimension_numbers<[0], [0], [1], [1], [0, 1, 1, 1], [], []>, transpose_lhs_hint = false} : vector<7x1024xf32>, vector<7x32xf32>, vector<1024x32xf32> -> vector<1024x32xf32>
    %broadcast_in_dim3A_319 = vector.shape_cast %eq3A_10 : vector<1024x1xi1> to vector<1024x1xi1>
    %broadcast_in_dim3A_320 = vector.broadcast %broadcast_in_dim3A_319 : vector<1024x1xi1> to vector<1024x32xi1>
    %select_n3A_321 = arith.select %broadcast_in_dim3A_320, %dot_general3A_318, %dot_general3A_315 : vector<1024x32xi1>, vector<1024x32xf32>
    %get3A_322 = arith.constant 0 : index
    %get3A_323 = arith.constant 0 : index
    %get3A_324 = vector.load %arg6[%get3A_322, %get3A_323] : memref<1x32xf32, #tpu.memory_space<vmem>>, vector<1x32xf32>
    %add3A_325 = vector.broadcast %get3A_324 : vector<1x32xf32> to vector<1024x32xf32>
    %add3A_326 = arith.addf %select_n3A_321, %add3A_325 : vector<1024x32xf32>
    %max3A_327 = arith.constant 0.000000e+00 : f32
    %max3A_328 = vector.broadcast %max3A_327 : f32 to vector<1024x32xf32>
    %max3A_329 = arith.maximumf %add3A_326, %max3A_328 : vector<1024x32xf32>
    %jit3A_330 = arith.constant 0.000000e+00 : f32
    %broadcast_in_dim3A_331 = vector.shape_cast %lt3A_113 : vector<1024x1xi1> to vector<1024x1xi1>
    %broadcast_in_dim3A_332 = vector.broadcast %broadcast_in_dim3A_331 : vector<1024x1xi1> to vector<1024x32xi1>
    %broadcast_in_dim3A_333 = vector.broadcast %jit3A_330 : f32 to vector<1024x32xf32>
    %select_n3A_334 = arith.select %broadcast_in_dim3A_332, %max3A_329, %broadcast_in_dim3A_333 : vector<1024x32xi1>, vector<1024x32xf32>
    %slice3A_335 = vector.extract_strided_slice %get3A_117 {offsets = [0, 0, 0], sizes = [1, 1024, 32], strides = [1, 1, 1]} : vector<10x1024x32xf32> to vector<1x1024x32xf32>
    %squeeze3A_336 = vector.shape_cast %slice3A_335 : vector<1x1024x32xf32> to vector<1024x32xf32>
    %mul3A_337 = arith.mulf %select_n3A_334, %squeeze3A_336 : vector<1024x32xf32>
    %reduce_sum3A_338 = arith.constant dense<0.000000e+00> : vector<32xf32>
    %reduce_sum3A_339 = vector.multi_reduction <add>, %mul3A_337, %reduce_sum3A_338 [0] : vector<1024x32xf32> to vector<32xf32>
    %broadcast_in_dim3A_340 = vector.shape_cast %reduce_sum3A_339 : vector<32xf32> to vector<1x32xf32>
    %slice3A_341 = vector.extract_strided_slice %get3A_117 {offsets = [1, 0, 0], sizes = [1, 1024, 32], strides = [1, 1, 1]} : vector<10x1024x32xf32> to vector<1x1024x32xf32>
    %squeeze3A_342 = vector.shape_cast %slice3A_341 : vector<1x1024x32xf32> to vector<1024x32xf32>
    %mul3A_343 = arith.mulf %select_n3A_334, %squeeze3A_342 : vector<1024x32xf32>
    %reduce_sum3A_344 = arith.constant dense<0.000000e+00> : vector<32xf32>
    %reduce_sum3A_345 = vector.multi_reduction <add>, %mul3A_343, %reduce_sum3A_344 [0] : vector<1024x32xf32> to vector<32xf32>
    %broadcast_in_dim3A_346 = vector.shape_cast %reduce_sum3A_345 : vector<32xf32> to vector<1x32xf32>
    %slice3A_347 = vector.extract_strided_slice %get3A_117 {offsets = [2, 0, 0], sizes = [1, 1024, 32], strides = [1, 1, 1]} : vector<10x1024x32xf32> to vector<1x1024x32xf32>
    %squeeze3A_348 = vector.shape_cast %slice3A_347 : vector<1x1024x32xf32> to vector<1024x32xf32>
    %mul3A_349 = arith.mulf %select_n3A_334, %squeeze3A_348 : vector<1024x32xf32>
    %reduce_sum3A_350 = arith.constant dense<0.000000e+00> : vector<32xf32>
    %reduce_sum3A_351 = vector.multi_reduction <add>, %mul3A_349, %reduce_sum3A_350 [0] : vector<1024x32xf32> to vector<32xf32>
    %broadcast_in_dim3A_352 = vector.shape_cast %reduce_sum3A_351 : vector<32xf32> to vector<1x32xf32>
    %slice3A_353 = vector.extract_strided_slice %get3A_117 {offsets = [3, 0, 0], sizes = [1, 1024, 32], strides = [1, 1, 1]} : vector<10x1024x32xf32> to vector<1x1024x32xf32>
    %squeeze3A_354 = vector.shape_cast %slice3A_353 : vector<1x1024x32xf32> to vector<1024x32xf32>
    %mul3A_355 = arith.mulf %select_n3A_334, %squeeze3A_354 : vector<1024x32xf32>
    %reduce_sum3A_356 = arith.constant dense<0.000000e+00> : vector<32xf32>
    %reduce_sum3A_357 = vector.multi_reduction <add>, %mul3A_355, %reduce_sum3A_356 [0] : vector<1024x32xf32> to vector<32xf32>
    %broadcast_in_dim3A_358 = vector.shape_cast %reduce_sum3A_357 : vector<32xf32> to vector<1x32xf32>
    %slice3A_359 = vector.extract_strided_slice %get3A_117 {offsets = [4, 0, 0], sizes = [1, 1024, 32], strides = [1, 1, 1]} : vector<10x1024x32xf32> to vector<1x1024x32xf32>
    %squeeze3A_360 = vector.shape_cast %slice3A_359 : vector<1x1024x32xf32> to vector<1024x32xf32>
    %mul3A_361 = arith.mulf %select_n3A_334, %squeeze3A_360 : vector<1024x32xf32>
    %reduce_sum3A_362 = arith.constant dense<0.000000e+00> : vector<32xf32>
    %reduce_sum3A_363 = vector.multi_reduction <add>, %mul3A_361, %reduce_sum3A_362 [0] : vector<1024x32xf32> to vector<32xf32>
    %broadcast_in_dim3A_364 = vector.shape_cast %reduce_sum3A_363 : vector<32xf32> to vector<1x32xf32>
    %slice3A_365 = vector.extract_strided_slice %get3A_117 {offsets = [5, 0, 0], sizes = [1, 1024, 32], strides = [1, 1, 1]} : vector<10x1024x32xf32> to vector<1x1024x32xf32>
    %squeeze3A_366 = vector.shape_cast %slice3A_365 : vector<1x1024x32xf32> to vector<1024x32xf32>
    %mul3A_367 = arith.mulf %select_n3A_334, %squeeze3A_366 : vector<1024x32xf32>
    %reduce_sum3A_368 = arith.constant dense<0.000000e+00> : vector<32xf32>
    %reduce_sum3A_369 = vector.multi_reduction <add>, %mul3A_367, %reduce_sum3A_368 [0] : vector<1024x32xf32> to vector<32xf32>
    %broadcast_in_dim3A_370 = vector.shape_cast %reduce_sum3A_369 : vector<32xf32> to vector<1x32xf32>
    %slice3A_371 = vector.extract_strided_slice %get3A_117 {offsets = [6, 0, 0], sizes = [1, 1024, 32], strides = [1, 1, 1]} : vector<10x1024x32xf32> to vector<1x1024x32xf32>
    %squeeze3A_372 = vector.shape_cast %slice3A_371 : vector<1x1024x32xf32> to vector<1024x32xf32>
    %mul3A_373 = arith.mulf %select_n3A_334, %squeeze3A_372 : vector<1024x32xf32>
    %reduce_sum3A_374 = arith.constant dense<0.000000e+00> : vector<32xf32>
    %reduce_sum3A_375 = vector.multi_reduction <add>, %mul3A_373, %reduce_sum3A_374 [0] : vector<1024x32xf32> to vector<32xf32>
    %broadcast_in_dim3A_376 = vector.shape_cast %reduce_sum3A_375 : vector<32xf32> to vector<1x32xf32>
    %slice3A_377 = vector.extract_strided_slice %get3A_117 {offsets = [7, 0, 0], sizes = [1, 1024, 32], strides = [1, 1, 1]} : vector<10x1024x32xf32> to vector<1x1024x32xf32>
    %squeeze3A_378 = vector.shape_cast %slice3A_377 : vector<1x1024x32xf32> to vector<1024x32xf32>
    %mul3A_379 = arith.mulf %select_n3A_334, %squeeze3A_378 : vector<1024x32xf32>
    %reduce_sum3A_380 = arith.constant dense<0.000000e+00> : vector<32xf32>
    %reduce_sum3A_381 = vector.multi_reduction <add>, %mul3A_379, %reduce_sum3A_380 [0] : vector<1024x32xf32> to vector<32xf32>
    %broadcast_in_dim3A_382 = vector.shape_cast %reduce_sum3A_381 : vector<32xf32> to vector<1x32xf32>
    %slice3A_383 = vector.extract_strided_slice %get3A_117 {offsets = [8, 0, 0], sizes = [1, 1024, 32], strides = [1, 1, 1]} : vector<10x1024x32xf32> to vector<1x1024x32xf32>
    %squeeze3A_384 = vector.shape_cast %slice3A_383 : vector<1x1024x32xf32> to vector<1024x32xf32>
    %mul3A_385 = arith.mulf %select_n3A_334, %squeeze3A_384 : vector<1024x32xf32>
    %reduce_sum3A_386 = arith.constant dense<0.000000e+00> : vector<32xf32>
    %reduce_sum3A_387 = vector.multi_reduction <add>, %mul3A_385, %reduce_sum3A_386 [0] : vector<1024x32xf32> to vector<32xf32>
    %broadcast_in_dim3A_388 = vector.shape_cast %reduce_sum3A_387 : vector<32xf32> to vector<1x32xf32>
    %slice3A_389 = vector.extract_strided_slice %get3A_117 {offsets = [9, 0, 0], sizes = [1, 1024, 32], strides = [1, 1, 1]} : vector<10x1024x32xf32> to vector<1x1024x32xf32>
    %squeeze3A_390 = vector.shape_cast %slice3A_389 : vector<1x1024x32xf32> to vector<1024x32xf32>
    %mul3A_391 = arith.mulf %select_n3A_334, %squeeze3A_390 : vector<1024x32xf32>
    %reduce_sum3A_392 = arith.constant dense<0.000000e+00> : vector<32xf32>
    %reduce_sum3A_393 = vector.multi_reduction <add>, %mul3A_391, %reduce_sum3A_392 [0] : vector<1024x32xf32> to vector<32xf32>
    %broadcast_in_dim3A_394 = vector.shape_cast %reduce_sum3A_393 : vector<32xf32> to vector<1x32xf32>
    %concatenate3A_395 = tpu.concatenate %broadcast_in_dim3A_340, %broadcast_in_dim3A_346, %broadcast_in_dim3A_352, %broadcast_in_dim3A_358, %broadcast_in_dim3A_364, %broadcast_in_dim3A_370, %broadcast_in_dim3A_376, %broadcast_in_dim3A_382, %broadcast_in_dim3A_388, %broadcast_in_dim3A_394 in 0 : vector<1x32xf32>, vector<1x32xf32>, vector<1x32xf32>, vector<1x32xf32>, vector<1x32xf32>, vector<1x32xf32>, vector<1x32xf32>, vector<1x32xf32>, vector<1x32xf32>, vector<1x32xf32> -> vector<10x32xf32>
    %get3A_396 = arith.constant 2 : index
    %get3A_397 = arith.constant 0 : index
    %get3A_398 = arith.constant 0 : index
    %get3A_399 = vector.load %arg10[%get3A_396, %get3A_397, %get3A_398] : memref<4x10x32xf32, #tpu.memory_space<vmem>>, vector<1x10x32xf32>
    %get3A_400 = vector.shape_cast %get3A_399 : vector<1x10x32xf32> to vector<10x32xf32>
    %add3A_401 = arith.addf %get3A_400, %concatenate3A_395 : vector<10x32xf32>
    %swap3A_402 = arith.constant 2 : index
    %swap3A_403 = arith.constant 0 : index
    %swap3A_404 = arith.constant 0 : index
    %swap3A_405 = vector.load %arg10[%swap3A_402, %swap3A_403, %swap3A_404] : memref<4x10x32xf32, #tpu.memory_space<vmem>>, vector<1x10x32xf32>
    %swap3A_406 = vector.shape_cast %swap3A_405 : vector<1x10x32xf32> to vector<10x32xf32>
    %swap3A_407 = vector.shape_cast %add3A_401 : vector<10x32xf32> to vector<1x10x32xf32>
    tpu.vector_store %arg10[%swap3A_402, %swap3A_403, %swap3A_404], %swap3A_407 {strides = array<i32>} : memref<4x10x32xf32, #tpu.memory_space<vmem>>, vector<1x10x32xf32>,
    %slice3A_408 = vector.extract_strided_slice %get3A_14 {offsets = [1, 21, 0], sizes = [25, 7, 1024], strides = [1, 1, 1]} : vector<26x28x1024xf32> to vector<25x7x1024xf32>
    %reshape3A_409 = vector.shape_cast %slice3A_408 : vector<25x7x1024xf32> to vector<175x1024xf32>
    %mul3A_410 = vector.broadcast %sqrt3A : vector<1x1024xf32> to vector<175x1024xf32>
    %mul3A_411 = arith.mulf %reshape3A_409, %mul3A_410 : vector<175x1024xf32>
    %dot_general3A_412 = arith.constant dense<0.000000e+00> : vector<1024x32xf32>
    %dot_general3A_413 = tpu.matmul %mul3A_411, %reshape3A, %dot_general3A_412 {dimension_numbers = #tpu.dot_dimension_numbers<[0], [0], [1], [1], [0, 1, 1, 1], [], []>, transpose_lhs_hint = false} : vector<175x1024xf32>, vector<175x32xf32>, vector<1024x32xf32> -> vector<1024x32xf32>
    %slice3A_414 = vector.extract_strided_slice %get3A_17 {offsets = [21, 0], sizes = [7, 1024], strides = [1, 1]} : vector<28x1024xf32> to vector<7x1024xf32>
    %dot_general3A_415 = arith.constant dense<0.000000e+00> : vector<1024x32xf32>
    %dot_general3A_416 = tpu.matmul %slice3A_414, %add3A_107, %dot_general3A_415 {dimension_numbers = #tpu.dot_dimension_numbers<[0], [0], [1], [1], [0, 1, 1, 1], [], []>, transpose_lhs_hint = false} : vector<7x1024xf32>, vector<7x32xf32>, vector<1024x32xf32> -> vector<1024x32xf32>
    %broadcast_in_dim3A_417 = vector.shape_cast %eq3A_10 : vector<1024x1xi1> to vector<1024x1xi1>
    %broadcast_in_dim3A_418 = vector.broadcast %broadcast_in_dim3A_417 : vector<1024x1xi1> to vector<1024x32xi1>
    %select_n3A_419 = arith.select %broadcast_in_dim3A_418, %dot_general3A_416, %dot_general3A_413 : vector<1024x32xi1>, vector<1024x32xf32>
    %get3A_420 = arith.constant 0 : index
    %get3A_421 = arith.constant 0 : index
    %get3A_422 = vector.load %arg6[%get3A_420, %get3A_421] : memref<1x32xf32, #tpu.memory_space<vmem>>, vector<1x32xf32>
    %add3A_423 = vector.broadcast %get3A_422 : vector<1x32xf32> to vector<1024x32xf32>
    %add3A_424 = arith.addf %select_n3A_419, %add3A_423 : vector<1024x32xf32>
    %max3A_425 = arith.constant 0.000000e+00 : f32
    %max3A_426 = vector.broadcast %max3A_425 : f32 to vector<1024x32xf32>
    %max3A_427 = arith.maximumf %add3A_424, %max3A_426 : vector<1024x32xf32>
    %jit3A_428 = arith.constant 0.000000e+00 : f32
    %broadcast_in_dim3A_429 = vector.shape_cast %lt3A_113 : vector<1024x1xi1> to vector<1024x1xi1>
    %broadcast_in_dim3A_430 = vector.broadcast %broadcast_in_dim3A_429 : vector<1024x1xi1> to vector<1024x32xi1>
    %broadcast_in_dim3A_431 = vector.broadcast %jit3A_428 : f32 to vector<1024x32xf32>
    %select_n3A_432 = arith.select %broadcast_in_dim3A_430, %max3A_427, %broadcast_in_dim3A_431 : vector<1024x32xi1>, vector<1024x32xf32>
    %slice3A_433 = vector.extract_strided_slice %get3A_117 {offsets = [0, 0, 0], sizes = [1, 1024, 32], strides = [1, 1, 1]} : vector<10x1024x32xf32> to vector<1x1024x32xf32>
    %squeeze3A_434 = vector.shape_cast %slice3A_433 : vector<1x1024x32xf32> to vector<1024x32xf32>
    %mul3A_435 = arith.mulf %select_n3A_432, %squeeze3A_434 : vector<1024x32xf32>
    %reduce_sum3A_436 = arith.constant dense<0.000000e+00> : vector<32xf32>
    %reduce_sum3A_437 = vector.multi_reduction <add>, %mul3A_435, %reduce_sum3A_436 [0] : vector<1024x32xf32> to vector<32xf32>
    %broadcast_in_dim3A_438 = vector.shape_cast %reduce_sum3A_437 : vector<32xf32> to vector<1x32xf32>
    %slice3A_439 = vector.extract_strided_slice %get3A_117 {offsets = [1, 0, 0], sizes = [1, 1024, 32], strides = [1, 1, 1]} : vector<10x1024x32xf32> to vector<1x1024x32xf32>
    %squeeze3A_440 = vector.shape_cast %slice3A_439 : vector<1x1024x32xf32> to vector<1024x32xf32>
    %mul3A_441 = arith.mulf %select_n3A_432, %squeeze3A_440 : vector<1024x32xf32>
    %reduce_sum3A_442 = arith.constant dense<0.000000e+00> : vector<32xf32>
    %reduce_sum3A_443 = vector.multi_reduction <add>, %mul3A_441, %reduce_sum3A_442 [0] : vector<1024x32xf32> to vector<32xf32>
    %broadcast_in_dim3A_444 = vector.shape_cast %reduce_sum3A_443 : vector<32xf32> to vector<1x32xf32>
    %slice3A_445 = vector.extract_strided_slice %get3A_117 {offsets = [2, 0, 0], sizes = [1, 1024, 32], strides = [1, 1, 1]} : vector<10x1024x32xf32> to vector<1x1024x32xf32>
    %squeeze3A_446 = vector.shape_cast %slice3A_445 : vector<1x1024x32xf32> to vector<1024x32xf32>
    %mul3A_447 = arith.mulf %select_n3A_432, %squeeze3A_446 : vector<1024x32xf32>
    %reduce_sum3A_448 = arith.constant dense<0.000000e+00> : vector<32xf32>
    %reduce_sum3A_449 = vector.multi_reduction <add>, %mul3A_447, %reduce_sum3A_448 [0] : vector<1024x32xf32> to vector<32xf32>
    %broadcast_in_dim3A_450 = vector.shape_cast %reduce_sum3A_449 : vector<32xf32> to vector<1x32xf32>
    %slice3A_451 = vector.extract_strided_slice %get3A_117 {offsets = [3, 0, 0], sizes = [1, 1024, 32], strides = [1, 1, 1]} : vector<10x1024x32xf32> to vector<1x1024x32xf32>
    %squeeze3A_452 = vector.shape_cast %slice3A_451 : vector<1x1024x32xf32> to vector<1024x32xf32>
    %mul3A_453 = arith.mulf %select_n3A_432, %squeeze3A_452 : vector<1024x32xf32>
    %reduce_sum3A_454 = arith.constant dense<0.000000e+00> : vector<32xf32>
    %reduce_sum3A_455 = vector.multi_reduction <add>, %mul3A_453, %reduce_sum3A_454 [0] : vector<1024x32xf32> to vector<32xf32>
    %broadcast_in_dim3A_456 = vector.shape_cast %reduce_sum3A_455 : vector<32xf32> to vector<1x32xf32>
    %slice3A_457 = vector.extract_strided_slice %get3A_117 {offsets = [4, 0, 0], sizes = [1, 1024, 32], strides = [1, 1, 1]} : vector<10x1024x32xf32> to vector<1x1024x32xf32>
    %squeeze3A_458 = vector.shape_cast %slice3A_457 : vector<1x1024x32xf32> to vector<1024x32xf32>
    %mul3A_459 = arith.mulf %select_n3A_432, %squeeze3A_458 : vector<1024x32xf32>
    %reduce_sum3A_460 = arith.constant dense<0.000000e+00> : vector<32xf32>
    %reduce_sum3A_461 = vector.multi_reduction <add>, %mul3A_459, %reduce_sum3A_460 [0] : vector<1024x32xf32> to vector<32xf32>
    %broadcast_in_dim3A_462 = vector.shape_cast %reduce_sum3A_461 : vector<32xf32> to vector<1x32xf32>
    %slice3A_463 = vector.extract_strided_slice %get3A_117 {offsets = [5, 0, 0], sizes = [1, 1024, 32], strides = [1, 1, 1]} : vector<10x1024x32xf32> to vector<1x1024x32xf32>
    %squeeze3A_464 = vector.shape_cast %slice3A_463 : vector<1x1024x32xf32> to vector<1024x32xf32>
    %mul3A_465 = arith.mulf %select_n3A_432, %squeeze3A_464 : vector<1024x32xf32>
    %reduce_sum3A_466 = arith.constant dense<0.000000e+00> : vector<32xf32>
    %reduce_sum3A_467 = vector.multi_reduction <add>, %mul3A_465, %reduce_sum3A_466 [0] : vector<1024x32xf32> to vector<32xf32>
    %broadcast_in_dim3A_468 = vector.shape_cast %reduce_sum3A_467 : vector<32xf32> to vector<1x32xf32>
    %slice3A_469 = vector.extract_strided_slice %get3A_117 {offsets = [6, 0, 0], sizes = [1, 1024, 32], strides = [1, 1, 1]} : vector<10x1024x32xf32> to vector<1x1024x32xf32>
    %squeeze3A_470 = vector.shape_cast %slice3A_469 : vector<1x1024x32xf32> to vector<1024x32xf32>
    %mul3A_471 = arith.mulf %select_n3A_432, %squeeze3A_470 : vector<1024x32xf32>
    %reduce_sum3A_472 = arith.constant dense<0.000000e+00> : vector<32xf32>
    %reduce_sum3A_473 = vector.multi_reduction <add>, %mul3A_471, %reduce_sum3A_472 [0] : vector<1024x32xf32> to vector<32xf32>
    %broadcast_in_dim3A_474 = vector.shape_cast %reduce_sum3A_473 : vector<32xf32> to vector<1x32xf32>
    %slice3A_475 = vector.extract_strided_slice %get3A_117 {offsets = [7, 0, 0], sizes = [1, 1024, 32], strides = [1, 1, 1]} : vector<10x1024x32xf32> to vector<1x1024x32xf32>
    %squeeze3A_476 = vector.shape_cast %slice3A_475 : vector<1x1024x32xf32> to vector<1024x32xf32>
    %mul3A_477 = arith.mulf %select_n3A_432, %squeeze3A_476 : vector<1024x32xf32>
    %reduce_sum3A_478 = arith.constant dense<0.000000e+00> : vector<32xf32>
    %reduce_sum3A_479 = vector.multi_reduction <add>, %mul3A_477, %reduce_sum3A_478 [0] : vector<1024x32xf32> to vector<32xf32>
    %broadcast_in_dim3A_480 = vector.shape_cast %reduce_sum3A_479 : vector<32xf32> to vector<1x32xf32>
    %slice3A_481 = vector.extract_strided_slice %get3A_117 {offsets = [8, 0, 0], sizes = [1, 1024, 32], strides = [1, 1, 1]} : vector<10x1024x32xf32> to vector<1x1024x32xf32>
    %squeeze3A_482 = vector.shape_cast %slice3A_481 : vector<1x1024x32xf32> to vector<1024x32xf32>
    %mul3A_483 = arith.mulf %select_n3A_432, %squeeze3A_482 : vector<1024x32xf32>
    %reduce_sum3A_484 = arith.constant dense<0.000000e+00> : vector<32xf32>
    %reduce_sum3A_485 = vector.multi_reduction <add>, %mul3A_483, %reduce_sum3A_484 [0] : vector<1024x32xf32> to vector<32xf32>
    %broadcast_in_dim3A_486 = vector.shape_cast %reduce_sum3A_485 : vector<32xf32> to vector<1x32xf32>
    %slice3A_487 = vector.extract_strided_slice %get3A_117 {offsets = [9, 0, 0], sizes = [1, 1024, 32], strides = [1, 1, 1]} : vector<10x1024x32xf32> to vector<1x1024x32xf32>
    %squeeze3A_488 = vector.shape_cast %slice3A_487 : vector<1x1024x32xf32> to vector<1024x32xf32>
    %mul3A_489 = arith.mulf %select_n3A_432, %squeeze3A_488 : vector<1024x32xf32>
    %reduce_sum3A_490 = arith.constant dense<0.000000e+00> : vector<32xf32>
    %reduce_sum3A_491 = vector.multi_reduction <add>, %mul3A_489, %reduce_sum3A_490 [0] : vector<1024x32xf32> to vector<32xf32>
    %broadcast_in_dim3A_492 = vector.shape_cast %reduce_sum3A_491 : vector<32xf32> to vector<1x32xf32>
    %concatenate3A_493 = tpu.concatenate %broadcast_in_dim3A_438, %broadcast_in_dim3A_444, %broadcast_in_dim3A_450, %broadcast_in_dim3A_456, %broadcast_in_dim3A_462, %broadcast_in_dim3A_468, %broadcast_in_dim3A_474, %broadcast_in_dim3A_480, %broadcast_in_dim3A_486, %broadcast_in_dim3A_492 in 0 : vector<1x32xf32>, vector<1x32xf32>, vector<1x32xf32>, vector<1x32xf32>, vector<1x32xf32>, vector<1x32xf32>, vector<1x32xf32>, vector<1x32xf32>, vector<1x32xf32>, vector<1x32xf32> -> vector<10x32xf32>
    %get3A_494 = arith.constant 3 : index
    %get3A_495 = arith.constant 0 : index
    %get3A_496 = arith.constant 0 : index
    %get3A_497 = vector.load %arg10[%get3A_494, %get3A_495, %get3A_496] : memref<4x10x32xf32, #tpu.memory_space<vmem>>, vector<1x10x32xf32>
    %get3A_498 = vector.shape_cast %get3A_497 : vector<1x10x32xf32> to vector<10x32xf32>
    %add3A_499 = arith.addf %get3A_498, %concatenate3A_493 : vector<10x32xf32>
    %swap3A_500 = arith.constant 3 : index
    %swap3A_501 = arith.constant 0 : index
    %swap3A_502 = arith.constant 0 : index
    %swap3A_503 = vector.load %arg10[%swap3A_500, %swap3A_501, %swap3A_502] : memref<4x10x32xf32, #tpu.memory_space<vmem>>, vector<1x10x32xf32>
    %swap3A_504 = vector.shape_cast %swap3A_503 : vector<1x10x32xf32> to vector<10x32xf32>
    %swap3A_505 = vector.shape_cast %add3A_499 : vector<10x32xf32> to vector<1x10x32xf32>
    tpu.vector_store %arg10[%swap3A_500, %swap3A_501, %swap3A_502], %swap3A_505 {strides = array<i32>} : memref<4x10x32xf32, #tpu.memory_space<vmem>>, vector<1x10x32xf32>,
    %eq3A_506 = arith.constant 48 : i32
    %eq3A_507 = arith.cmpi eq, %arg0, %eq3A_506 : i32
    %convert_element_type3A_508 = arith.extui %eq3A_507 : i1 to i32
    %cond3A_509 = arith.constant 0 : i32
    %cond3A_510 = arith.cmpi ne, %convert_element_type3A_508, %cond3A_509 : i32
    scf.if %cond3A_510 {
      %get3A_511 = arith.constant 0 : index
      %get3A_512 = arith.constant 0 : index
      %get3A_513 = arith.constant 0 : index
      %get3A_514 = vector.load %arg10[%get3A_511, %get3A_512, %get3A_513] : memref<4x10x32xf32, #tpu.memory_space<vmem>>, vector<4x10x32xf32>
      %reduce_sum3A_515 = arith.constant dense<0.000000e+00> : vector<4x10xf32>
      %reduce_sum3A_516 = vector.multi_reduction <add>, %get3A_514, %reduce_sum3A_515 [2] : vector<4x10x32xf32> to vector<4x10xf32>
      %get3A_517 = arith.constant 0 : index
      %get3A_518 = arith.constant 0 : index
      %get3A_519 = vector.load %arg8[%get3A_517, %get3A_518] : memref<1x10xf32, #tpu.memory_space<vmem>>, vector<1x10xf32>
      %add3A_520 = vector.broadcast %get3A_519 : vector<1x10xf32> to vector<4x10xf32>
      %add3A_521 = arith.addf %reduce_sum3A_516, %add3A_520 : vector<4x10xf32>
      %reduce_max3A = arith.constant dense<0xFF800000> : vector<4xf32>
      %reduce_max3A_522 = vector.multi_reduction <maximumf>, %add3A_521, %reduce_max3A [1] : vector<4x10xf32> to vector<4xf32>
      %broadcast_in_dim3A_523 = vector.shape_cast %reduce_max3A_522 : vector<4xf32> to vector<4x1xf32>
      %sub3A = vector.broadcast %broadcast_in_dim3A_523 : vector<4x1xf32> to vector<4x10xf32>
      %sub3A_524 = arith.subf %add3A_521, %sub3A : vector<4x10xf32>
      %exp3A = math.exp %sub3A_524 : vector<4x10xf32>
      %reduce_sum3A_525 = arith.constant dense<0.000000e+00> : vector<4xf32>
      %reduce_sum3A_526 = vector.multi_reduction <add>, %exp3A, %reduce_sum3A_525 [1] : vector<4x10xf32> to vector<4xf32>
      %broadcast_in_dim3A_527 = vector.shape_cast %reduce_sum3A_526 : vector<4xf32> to vector<4x1xf32>
      %log3A = math.log %broadcast_in_dim3A_527 : vector<4x1xf32>
      %sub3A_528 = vector.broadcast %log3A : vector<4x1xf32> to vector<4x10xf32>
      %sub3A_529 = arith.subf %sub3A_524, %sub3A_528 : vector<4x10xf32>
      %swap3A_530 = arith.constant 0 : index
      %swap3A_531 = arith.constant 0 : index
      %swap3A_532 = vector.load %arg9[%swap3A_530, %swap3A_531] : memref<4x10xf32, #tpu.memory_space<vmem>>, vector<4x10xf32>
      tpu.vector_store %arg9[%swap3A_530, %swap3A_531], %sub3A_529 {strides = array<i32>} : memref<4x10xf32, #tpu.memory_space<vmem>>, vector<4x10xf32>,
    } else {
    }
    return
  }
  func.func @transform_0(%arg0: i32) -> (i32, i32, i32) {
    %c0_i32 = arith.constant 0 : i32
    %c0_i32_0 = arith.constant 0 : i32
    %c0_i32_1 = arith.constant 0 : i32
    return %c0_i32, %c0_i32_0, %arg0 : i32, i32, i32
  }
  func.func @transform_1(%arg0: i32) -> (i32, i32) {
    %c0_i32 = arith.constant 0 : i32
    %c0_i32_0 = arith.constant 0 : i32
    return %c0_i32, %arg0 : i32, i32
  }
  func.func @transform_2(%arg0: i32) -> (i32, i32) {
    %c0_i32 = arith.constant 0 : i32
    %c0_i32_0 = arith.constant 0 : i32
    return %c0_i32, %arg0 : i32, i32
  }
  func.func @transform_3(%arg0: i32) -> (i32, i32) {
    %c0_i32 = arith.constant 0 : i32
    %c0_i32_0 = arith.constant 0 : i32
    return %arg0, %c0_i32 : i32, i32
  }
  func.func @transform_4(%arg0: i32) -> (i32, i32, i32) {
    %c0_i32 = arith.constant 0 : i32
    %c0_i32_0 = arith.constant 0 : i32
    %c0_i32_1 = arith.constant 0 : i32
    %c0_i32_2 = arith.constant 0 : i32
    return %c0_i32, %c0_i32_0, %c0_i32_1 : i32, i32, i32
  }
  func.func @transform_5(%arg0: i32) -> (i32, i32) {
    %c0_i32 = arith.constant 0 : i32
    %c0_i32_0 = arith.constant 0 : i32
    %c0_i32_1 = arith.constant 0 : i32
    return %c0_i32, %c0_i32_0 : i32, i32
  }
  func.func @transform_6(%arg0: i32) -> (i32, i32, i32) {
    %c0_i32 = arith.constant 0 : i32
    %c0_i32_0 = arith.constant 0 : i32
    %c0_i32_1 = arith.constant 0 : i32
    return %c0_i32, %arg0, %c0_i32_0 : i32, i32, i32
  }
  func.func @transform_7(%arg0: i32) -> (i32, i32) {
    %c0_i32 = arith.constant 0 : i32
    %c0_i32_0 = arith.constant 0 : i32
    %c0_i32_1 = arith.constant 0 : i32
    return %c0_i32, %c0_i32_0 : i32, i32
  }
  func.func @transform_8(%arg0: i32) -> (i32, i32) {
    %c0_i32 = arith.constant 0 : i32
    %c0_i32_0 = arith.constant 0 : i32
    %c0_i32_1 = arith.constant 0 : i32
    return %c0_i32, %c0_i32_0 : i32, i32
  }
}

</mosaic_0001>

<sc_bundles>
// kernel: kernel.6.cloned.1.call-start
scs
__scs_entry_jumppad:
0x0: {  	(pc) =	sbr.rel $0x88, $3  }
0x1: {  	(tag) =	ssettag $0x0;
	lr =	simm.s32 $0x1  }
0x2: {  	[smem:$0x3F9B] =	sst lr;
	_ =	strace $0xD0000000  }
0x3: {  	_ = 	snop  }
0x4: {  	_ = 	snop  }
0x5: {  	_ = 	snop  }
0x6: {  	_ = 	snop  }
0x7: {  	_ = 	snop  }
__scs_overlays_trampoline_lowered:
0x8: {  	[smem:$0x3FAA] =	sst s0  }
0x9: {  	[smem:$0x3FAB] =	sst s1  }
0xa: {  	[smem:$0x3FAC] =	sst s2  }
0xb: {  	[smem:$0x3FAD] =	sst s3  }
0xc: {  	[smem:$0x3FAE] =	sst s4  }
0xd: {  	[smem:$0x3FAF] =	sst s5  }
0xe: {  	[smem:$0x3FB0] =	sst s6  }
0xf: {  	[smem:$0x3FB1] =	sst s7  }
0x10: {  	[smem:$0x3FB2] =	sst s8  }
0x11: {  	[smem:$0x3FB3] =	sst s9;
	s0 =	simm.s32 @!p0 $0x0  }
0x12: {  	s1 =	sld [smem:$0x3F99];
	s0 =	simm.s32 @p0 $0x1  }
0x13: {  	[smem:$0x3FB4] =	sst s0;
	s0 =	simm.s32 @!p1 $0x0  }
0x14: {  	s2 =	sld [smem:$0x3F98];
	s0 =	simm.s32 @p1 $0x1  }
0x15: {  	[smem:$0x3FB5] =	sst s0;
	s0 =	simm.s32 @!p2 $0x0  }
0x16: {  	s3 =	sld [smem:$0x3FDB];
	s0 =	simm.s32 @p2 $0x1  }
0x17: {  	s4 =	simm.s32 $0x1BF5;
	[smem:$0x3FB7] =	sst s0  }
0x18: {  	s0 =	sld [smem:$0x3F9A];
	_ =	swait.ge [sflag:s4], $0x0  }
0x19: {  	s7 =	sld [smem:$0x3F9B]  }
0x1a: {  	s8 =	sadd.s32 $0xFFFFE003, lr  }
0x1b: {  	s9 =	sadd.s32 $0xFFFFFEF7, lr;
	s5 =	simm.s32 $0xFFFFFFFF;
	p2 =	slt.u32 s8, $0xFFFFF086  }
0x1c: {  	p1 =	slt.u32 s9, $0xF7A;
	s5 =	simm.s32 @!p2 $0x0  }
0x1d: {  	s5 =	simm.s32 @p1 $0x1;
	p0 =	seq.s32 s7, s2  }
0x1e: {  	s7 =	smul.u32 @!p0 $0xF7A, s2;
	p2 =	seq.s32 @!p0 s5, $0x0  }
0x1f: {  	s9 =	smul.u32 $0xF7A, s1;
	s8 =	simm.s32 @!p0 $0x1BF5;
	p2 =	por !p2, p0  }
0x20: {  	[sflag:s8] =	ssyncset.s32 @!p0 $0xFFFFF086;
	s6 =	sadd.s32 @!p0 s3, s7;
	s7 =	simm.s32 @!p0 $0x108  }
0x21: {  	s3 =	sadd.s32 s3, s9;
	s6 =	sadd.s32 @!p0 $0x88, s6;
	s7 =	simm.s32 @p2 $0x1082  }
0x22: {  	[simem:s7], [sflag:s8] =	dma.local @!p0 [hbm:s6], $0xF7A  }
0x23: {  	s9 =	sor.u32 $0xD0000000, s2;
	s6 =	simm.s32 $0x108;
	_ =	swait.ge @!p0 [sflag:s8], $0x0  }
0x24: {  	s3 =	sadd.s32 $0x88, s3;
	s6 =	simm.s32 @!p1 $0x1082;
	[sflag:s4] =	ssyncset.s32 $0xFFFFF086  }
0x25: {  	[simem:s6], [sflag:s4] =	dma.local [hbm:s3], $0xF7A  }
0x26: {  	[smem:$0x3F9B] =	sst s1;
	(tag) =	ssettag s2;
	_ =	strace s9  }
0x27: {  	s1 =	sld [smem:$0x3FAB]  }
0x28: {  	s2 =	sld [smem:$0x3FAC]  }
0x29: {  	s4 =	sld [smem:$0x3FAE]  }
0x2a: {  	p0 =	seq.s32 s5, $0x0;
	s5 =	sld [smem:$0x3FAF]  }
0x2b: {  	s6 =	sld [smem:$0x3FB0]  }
0x2c: {  	s7 =	sld [smem:$0x3FB1]  }
0x2d: {  	s3 =	simm.s32 $0x108;
	s8 =	sld [smem:$0x3FB2]  }
0x2e: {  	s3 =	simm.s32 @!p0 $0x1082;
	s9 =	sld [smem:$0x3FB3]  }
0x2f: {  	lr =	sadd.s32 s0, s3;
	s0 =	sld [smem:$0x3FAA]  }
0x30: {  	s3 =	sld [smem:$0x3FAD]  }
0x31: {  	[smem:$0x3FB6] =	sst s10  }
0x32: {  	s10 =	sld [smem:$0x3FB4];
	_ =	sdelay $0x3  }
0x33: {  	p0 =	seq.s32 s10, $0x1;
	s10 =	sld [smem:$0x3FB6];
	_ =	sdelay $0x3  }
0x34: {  	[smem:$0x3FB6] =	sst s10  }
0x35: {  	s10 =	sld [smem:$0x3FB5];
	_ =	sdelay $0x3  }
0x36: {  	p1 =	seq.s32 s10, $0x1;
	s10 =	sld [smem:$0x3FB6];
	_ =	sdelay $0x3  }
0x37: {  	[smem:$0x3FB6] =	sst s10  }
0x38: {  	s10 =	sld [smem:$0x3FB7]  }
0x39: {  	_ = 	snop;
	(pc) =	sbr.ind lr, $3  }
0x3a: {  	_ = 	snop  }
0x3b: {  	_ = 	snop  }
0x3c: {  	p2 =	seq.s32 s10, $0x1;
	s10 =	sld [smem:$0x3FB6]  }
0x3d: {  	_ =	shalt  }
0x3e: {  	_ =	shalt  }
0x3f: {  	_ =	shalt  }
0x40: {  	_ =	shalt  }
0x41: {  	_ =	shalt  }
0x42: {  	_ =	shalt  }
0x43: {  	_ =	shalt  }
0x44: {  	_ =	shalt  }
0x45: {  	_ =	shalt  }
0x46: {  	_ =	shalt  }
0x47: {  	_ =	shalt  }
0x48: {  	_ =	shalt  }
0x49: {  	_ =	shalt  }
0x4a: {  	_ =	shalt  }
0x4b: {  	_ =	shalt  }
0x4c: {  	_ =	shalt  }
0x4d: {  	_ =	shalt  }
0x4e: {  	_ =	shalt  }
0x4f: {  	_ =	shalt  }
0x50: {  	_ =	shalt  }
0x51: {  	_ =	shalt  }
0x52: {  	_ =	shalt  }
0x53: {  	_ =	shalt  }
0x54: {  	_ =	shalt  }
0x55: {  	_ =	shalt  }
0x56: {  	_ =	shalt  }
0x57: {  	_ =	shalt  }
0x58: {  	_ =	shalt  }
0x59: {  	_ =	shalt  }
0x5a: {  	_ =	shalt  }
0x5b: {  	_ =	shalt  }
0x5c: {  	_ =	shalt  }
0x5d: {  	_ =	shalt  }
0x5e: {  	_ =	shalt  }
0x5f: {  	_ =	shalt  }
0x60: {  	_ =	shalt  }
0x61: {  	_ =	shalt  }
0x62: {  	_ =	shalt  }
0x63: {  	_ =	shalt  }
0x64: {  	_ =	shalt  }
0x65: {  	_ =	shalt  }
0x66: {  	_ =	shalt  }
0x67: {  	_ =	shalt  }
0x68: {  	_ =	shalt  }
0x69: {  	_ =	shalt  }
0x6a: {  	_ =	shalt  }
0x6b: {  	_ =	shalt  }
0x6c: {  	_ =	shalt  }
0x6d: {  	_ =	shalt  }
0x6e: {  	_ =	shalt  }
0x6f: {  	_ =	shalt  }
0x70: {  	_ =	shalt  }
0x71: {  	_ =	shalt  }
0x72: {  	_ =	shalt  }
0x73: {  	_ =	shalt  }
0x74: {  	_ =	shalt  }
0x75: {  	_ =	shalt  }
0x76: {  	_ =	shalt  }
0x77: {  	_ =	shalt  }
0x78: {  	_ =	shalt  }
0x79: {  	_ =	shalt  }
0x7a: {  	_ =	shalt  }
0x7b: {  	_ =	shalt  }
0x7c: {  	_ =	shalt  }
0x7d: {  	_ =	shalt  }
0x7e: {  	_ =	shalt  }
0x7f: {  	_ =	shalt  }
0x80: {  	_ =	shalt  }
0x81: {  	_ =	shalt  }
0x82: {  	_ =	shalt  }
0x83: {  	_ =	shalt  }
0x84: {  	_ =	shalt  }
0x85: {  	_ =	shalt  }
0x86: {  	_ =	shalt  }
0x87: {  	_ =	shalt  }
.Lfunc_end0:
.L_simem_size_0:
called_computation_lowered:
.L_overlay_start_0:
0x88: {  	s2 =	sld [smem:$0x3FD9]  }
0x89: {  	s3 =	sld [smem:$0x3FFE];
	_ =	sdelay $0x1  }
0x8a: {  	s1 =	srdreg.scid  }
0x8b: {  	s0 =	sand.u32 $0x1, s1  }
0x8c: {  	s16 =	sshll.u32 s0, $0xA;
	s2 =	sadd.s32 s3, s2  }
0x8d: {  	s2 =	sadd.s32 s2, s16  }
0x8e: {  	[smem:$0x3FC2] =	sst s2  }
0x8f: {  	_ = 	snop  }
0x90: {  	(tm) =	ssettm $0x1  }
0x91: {  	s17 =	sld [smem:$0x3FFB];
	_ =	sdelay $0x3  }
0x92: {  	_ =	strace s17  }
0x93: {  	s2 =	sld [smem:$0x3FFC];
	_ =	sdelay $0x3  }
0x94: {  	_ =	strace s2  }
0x95: {  	s2 =	sld [smem:$0x3FFD];
	_ =	sdelay $0x3  }
0x96: {  	_ =	strace s2  }
0x97: {  	_ =	strace $0x8FFFFFFF  }
0x98: {  	s18 =	sld [smem:$0x3FDB];
	_ =	sdelay $0x1  }
0x99: {  	s19 =	simm.s32 $_scs_section_size  }
0x9a: {  	s4 =	simm.s32 $_size__tile_overlayer_lowered;
	s5 =	simm.s32 $_tile_overlayer_lowered  }
0x9b: {  	s22 =	simm.s32 $0x1BFF;
	s21 =	sshll.u32 s5, $0x1;
	s2 =	sadd.s32 s19, s18  }
0x9c: {  	s6 =	simm.s32 $0x0;
	s20 =	sshll.u32 s4, $0x1;
	s4 =	sadd.s32 s21, s2  }
0x9d: {  	[timem:s6], [sflag:s22] =	dma.local [hbm:s4], s20  }
0x9e: {  	_ =	swait.ge [sflag:s22], s20  }
0x9f: {  	s3 =	ssub.s32 $0x0, s20;
	[sflag:s22] =	ssyncset.done $0x0  }
0xa0: {  	[sflag:s22] =	ssyncadd.s32 s3;
	_ =	sdelay $0x1  }
0xa1: {  	s23 =	simm.s32 $0x1B8B  }
0xa2: {  	_ =	swait.ge [sflag:s23], $0x1  }
0xa3: {  	[sflag:s23] =	ssyncset.done $0x0  }
0xa4: {  	s25 =	simm.s32 $0x1B8E;
	s24 =	sld [smem:$0x3FFE];
	[sflag:s23] =	ssyncadd.s32 $0xFFFFFFFF  }
0xa5: {  	s26 =	simm.s32 $execute0_lowered;
	[smem:$0x3FD2] =	sst s25  }
0xa6: {  	s4 =	sshll.u32 s26, $0x1;
	_ =	strace $0x80000046;
	[dreg:$0x1] =	wrdreg $0xFFFFFFFF  }
0xa7: {  	s28 =	simm.s32 $_size_execute0_lowered;
	s2 =	sadd.s32 s2, s4;
	[dreg:$0x0] =	wrdreg $0x0  }
0xa8: {  	s4 =	sshll.u32 s28, $0x1;
	[dreg:$0x2] =	wrdreg s2  }
0xa9: {  	[dreg:$0x3] =	wrdreg s4  }
0xaa: {  	[dreg:$0x4] =	wrdreg $0xC0  }
0xab: {  	_ =	task [dreg:s6], $0x5FFFF  }
0xac: {  	[dreg:$0x1] =	wrdreg $0xFFFFFFFF  }
0xad: {  	[dreg:$0x0] =	wrdreg $0x60  }
0xae: {  	[dreg:$0x2] =	wrdreg s24  }
0xaf: {  	[dreg:$0x3] =	wrdreg $0x9  }
0xb0: {  	_ =	task.clear_ibuf [dreg:s6], $0x4FFFF;
	_ =	strace $0x90000046  }
0xb1: {  	s29 =	simm.s32 $0x9;
	_ =	strace $0x80000048  }
0xb2: {  	_ =	swait.ge [sflag:s29], $0x1  }
0xb3: {  	[sflag:s29] =	ssyncadd.s32 $0xFFFFFFFF  }
0xb4: {  	_ =	strace $0x90000048  }
0xb5: {  	_ =	sfence  }
0xb6: {  	s30 =	sld [smem:$0x0];
	_ =	sdelay $0x2  }
0xb7: {  	s31 =	sshll.u32 s1, $0xD;
	s1 =	sshrl.u32 s1, $0x2  }
0xb8: {  	s3 =	sand.u32 $0x4000, s31;
	s1 =	sadd.s32 s1, s30  }
0xb9: {  	s0 =	sor.u32 s3, s0;
	s1 =	sshll.u32 s1, $0x11  }
0xba: {  	s0 =	sor.u32 s1, s0  }
0xbb: {  	s0 =	sadd.s32 $0x8F2B, s0  }
0xbc: {  	[sflag:s0] =	ssyncadd.remote.s32 $0x1  }
0xbd: {  	_ =	sfence.sel $0xFFFF  }
0xbe: {  	[dreg:$0x0] =	wrdreg $0xFFFFFFFF;
	(pc) =	sbr.abs _section_cstart, $3  }
0xbf: {  	[dreg:$0x1] =	wrdreg $0xFFFFFFFF  }
0xc0: {  	_ =	task.clear_ibuf [dreg:s6], $0x2FFFF;
	_ =	strace $0x9FFFFFFF  }
0xc1: {  	(tm) =	ssettm $0x7FFFFFFF  }
tec
execute0_lowered:
.L_overlay_start_1:
0x0: {  	(tag) =	ssettag $0x1  }
0x1: {  	s1 =	srdreg.scid  }
0x2: {  	s0 =	stileid.u32;
	s4 =	rddreg [dreg:$0x0];
	s2 =	simm.s32 $0x0  }
0x3: {  	s8 =	simm.s32 $0xC400;
	s3 =	sand.u32 $0x1, s1;
	s31 =	sshll.u32 s0, $0x1  }
0x4: {  	s9 =	simm.s32 $0x1;
	s10 =	simm.s32 $0x125B8;
	s5 =	sor.u32 s3, s31  }
0x5: {  	s11 =	simm.s32 $0x18770;
	s12 =	simm.s32 $0x0;
	s6 =	smul.u32 $0x61A8, s5  }
0x6: {  	[smem:$0x7FF] =	sst s2;
	s3 =	ssub.s32 $0x2, s3;
	s5 =	smul.u32 $0x1880, s5  }
0x7: {  	s1 =	rddreg [dreg:$0x1];
	_ =	strace $0x80000047;
	s7 =	sshrl.u32 s3, $0x1  }
0x8: {  	s7 =	ssub.s32 s3, s7;
	s6 =	sshrl.u32 s6, $0x3;
	s5 =	sadd.s32 s5, s4  }
0x9: {  	s7 =	smax.u32 s7, $0x1;
	s6 =	sadd.s32 s6, s4;
	s5 =	sadd.s32 $0x33E00, s5  }
0xa: {  	v0 =	vimm.f32 $0.0e+00;
	v1 =	vimm.f32 $1.000000000e+00;
	s3 =	sadd.s32 $0x3000, s6;
	s4 =	sadd.s32 $0x1B6A0, s6;
	s6 =	sadd.s32 $0x64E00, s6  }
.LBB2_1:
0xb: {  	s13 =	simm.s32 $0x40;
	s14 =	simm.s32 $0x0  }
.LBB2_2:
0xc: {  	p0 =	sne.s32 s13, $0x30FC0;
	[tilespmem:s14+$0x0] =	vst v0;
	s14 =	smov.u32 s13;
	s13 =	sadd.s32 $0x40, s13  }
.Ltmp0:
0xd: {  	(pc) =	sbr.rel @p0 .LBB2_2-.Ltmp0, $2  }
0xe: {  	_ =	sdelay $0x2  }
0xf: {  	s14 =	sshra.s32 s14, $0x2  }
0x10: {  	[tilespmem:s14+$0x0] =	vst v0;
	s13 =	simm.s32 $0x0  }
0x11: {  	[tilespmem:s8], [sflag:$0x1] =	stream.linear.gather [hbm4b:s3+s13], $0x61A8, $0x38;
	[tilespmem:$0x1E928] =	vst v63  }
0x12: {  	_ =	swait.ge [sflag:s9], $0x61A8  }
0x13: {  	[sflag:s9] =	ssyncset.done $0x0  }
0x14: {  	[sflag:s9] =	ssyncadd.s32 $0xFFFF9E58  }
0x15: {  	[tilespmem:s10], [sflag:$0x1] =	stream.linear.gather [hbm4b:s4+s13], $0x61A8, $0x38;
	[tilespmem:$0x1E928] =	vst v63  }
0x16: {  	_ =	swait.ge [sflag:s9], $0x61A8  }
0x17: {  	[sflag:s9] =	ssyncset.done $0x0  }
0x18: {  	s13 =	simm.s32 $0x0;
	[sflag:s9] =	ssyncadd.s32 $0xFFFF9E58  }
0x19: {  	s14 =	simm.s32 $0x40;
	v2 =	vld [tilespmem:s13+$0xC400]  }
.LBB2_4:
0x1a: {  	p0 =	sne.s32 s14, $0x18640;
	_ =	sdelay $0x1  }
0x1b: {  	v3 =	vld [tilespmem:s13+$0x125B8];
	_ =	sdelay $0x1  }
.Ltmp1:
0x1c: {  	(pc) =	sbr.rel @p0 .LBB2_4-.Ltmp1, $4  }
0x1d: {  	_ = 	snop  }
0x1e: {  	v4 =	vshll.u32 v2, $0x10  }
0x1f: {  	s15 =	sshra.s32 s14, $0x2;
	[tilespmem:v2+s2+$0x0] =	vst.idx.add.f32.msk $0xffff, v1;
	v3 =	vor.u32 v3, v4  }
0x20: {  	s14 =	sadd.s32 $0x40, s14;
	v2 =	vld [tilespmem:s15+$0xC400];
	[tilespmem:s13+$0x18770] =	vst v3;
	s13 =	smov.u32 s15  }
0x21: {  	_ =	sdelay $0x2  }
0x22: {  	v3 =	vld [tilespmem:s13+$0x125B8];
	_ =	sdelay $0x3  }
0x23: {  	v4 =	vshll.u32 v2, $0x10  }
0x24: {  	[tilespmem:v2+s2+$0x0] =	vst.idx.add.f32.msk $0xffff, v1;
	v2 =	vor.u32 v3, v4  }
0x25: {  	[tilespmem:s13+$0x18770] =	vst v2  }
0x26: {  	v2 =	vld [tilespmem:$0x125A0];
	_ =	sdelay $0x2  }
0x27: {  	v3 =	vld [tilespmem:$0x18758];
	_ =	sdelay $0x3  }
0x28: {  	v63 =	vshll.u32 v2, $0x10  }
0x29: {  	[tilespmem:v2+s2+$0x0] =	vst.idx.add.f32.msk $0xff, v1;
	v2 =	vor.u32 v3, v63  }
0x2a: {  	[tilespmem:$0x1E910] =	vst v2  }
0x2b: {  	[hbm4b:s5+s2] =	stream.linear.scatter [tilespmem:s2], [sflag:$0x1], $0xC400, $0x38;
	[tilespmem:$0x1E928] =	vst v63  }
0x2c: {  	s12 =	sadd.s32 $0x1, s12;
	_ =	swait.ge [sflag:s9], $0xC400  }
0x2d: {  	p0 =	sne.s32 s12, s7;
	[sflag:s9] =	ssyncset.done $0x0  }
.Ltmp2:
0x2e: {  	[sflag:s9] =	ssyncadd.s32 $0xFFFF3C00;
	(pc) =	sbr.rel @p0 .LBB2_1-.Ltmp2, $4  }
0x2f: {  	[hbm4b:s6+s2] =	stream.linear.scatter [tilespmem:s11], [sflag:$0x1], $0x61A8, $0x38;
	[tilespmem:$0x1E928] =	vst v63  }
0x30: {  	_ =	swait.ge [sflag:s9], $0x61A8  }
0x31: {  	[sflag:s9] =	ssyncset.done $0x0  }
0x32: {  	[sflag:s9] =	ssyncadd.s32 $0xFFFF9E58  }
0x33: {  	_ =	sfence.sel $0x180000  }
0x34: {  	[bflag:$0x0] =	sbarrier.arrive $0xFFFF  }
0x35: {  	p0 =	sne.s32 s0, $0x0;
	_ =	strace $0x90000047  }
0x36: {  	s0 =	sadd.s32 @!p0 $0x100000, s1;
	[bflag:$0x2] =	sbarrier.arrive $0xFFFF  }
0x37: {  	[sflag:s0] =	ssyncadd.tile.s32 @!p0 $0x1;
	_ =	shalt  }
.Lfunc_end2:
_tile_overlayer_lowered:
.L_overlay_start_2:
0x38: {  	(tag) =	ssettag $0x2  }
0x39: {  	s0 =	rddreg [dreg:$0x0];
	s2 =	stileid.u32  }
0x3a: {  	s1 =	rddreg [dreg:$0x1];
	p0 =	sne.s32 s2, $0x0  }
0x3b: {  	s3 =	rddreg [dreg:$0x2];
	[bflag:$0x3] =	sbarrier.arrive $0xFFFF;
	s2 =	simm.s32 @!p0 $0x1C01  }
0x3c: {  	[timem:s3], [sflag:s2] =	dma.local @!p0 [hbm:s0], s1  }
0x3d: {  	s0 =	simm.s32 @!p0 $0x1  }
0x3e: {  	_ =	swait.ge @!p0 [sflag:s0], s1  }
0x3f: {  	s1 =	ssub.s32 @!p0 $0x0, s1;
	[sflag:s0] =	ssyncset.done @!p0 $0x0  }
0x40: {  	[sflag:s0] =	ssyncadd.s32 @!p0 s1  }
0x41: {  	[bflag:$0x3] =	sbarrier.arrive $0xFFFF  }
0x42: {  	_ =	shalt  }

// kernel: kernel.9.cloned.1.call-start
scs
__scs_entry_jumppad:
0x0: {  	(pc) =	sbr.rel $0x88, $3  }
0x1: {  	(tag) =	ssettag $0x0;
	lr =	simm.s32 $0x1  }
0x2: {  	[smem:$0x3F9B] =	sst lr;
	_ =	strace $0xD0000000  }
0x3: {  	_ = 	snop  }
0x4: {  	_ = 	snop  }
0x5: {  	_ = 	snop  }
0x6: {  	_ = 	snop  }
0x7: {  	_ = 	snop  }
__scs_overlays_trampoline_lowered:
0x8: {  	[smem:$0x3FAA] =	sst s0  }
0x9: {  	[smem:$0x3FAB] =	sst s1  }
0xa: {  	[smem:$0x3FAC] =	sst s2  }
0xb: {  	[smem:$0x3FAD] =	sst s3  }
0xc: {  	[smem:$0x3FAE] =	sst s4  }
0xd: {  	[smem:$0x3FAF] =	sst s5  }
0xe: {  	[smem:$0x3FB0] =	sst s6  }
0xf: {  	[smem:$0x3FB1] =	sst s7  }
0x10: {  	[smem:$0x3FB2] =	sst s8  }
0x11: {  	[smem:$0x3FB3] =	sst s9;
	s0 =	simm.s32 @!p0 $0x0  }
0x12: {  	s1 =	sld [smem:$0x3F99];
	s0 =	simm.s32 @p0 $0x1  }
0x13: {  	[smem:$0x3FB4] =	sst s0;
	s0 =	simm.s32 @!p1 $0x0  }
0x14: {  	s2 =	sld [smem:$0x3F98];
	s0 =	simm.s32 @p1 $0x1  }
0x15: {  	[smem:$0x3FB5] =	sst s0;
	s0 =	simm.s32 @!p2 $0x0  }
0x16: {  	s3 =	sld [smem:$0x3FDB];
	s0 =	simm.s32 @p2 $0x1  }
0x17: {  	s4 =	simm.s32 $0x1BF5;
	[smem:$0x3FB7] =	sst s0  }
0x18: {  	s0 =	sld [smem:$0x3F9A];
	_ =	swait.ge [sflag:s4], $0x0  }
0x19: {  	s7 =	sld [smem:$0x3F9B]  }
0x1a: {  	s8 =	sadd.s32 $0xFFFFE003, lr  }
0x1b: {  	s9 =	sadd.s32 $0xFFFFFEF7, lr;
	s5 =	simm.s32 $0xFFFFFFFF;
	p2 =	slt.u32 s8, $0xFFFFF086  }
0x1c: {  	p1 =	slt.u32 s9, $0xF7A;
	s5 =	simm.s32 @!p2 $0x0  }
0x1d: {  	s5 =	simm.s32 @p1 $0x1;
	p0 =	seq.s32 s7, s2  }
0x1e: {  	s7 =	smul.u32 @!p0 $0xF7A, s2;
	p2 =	seq.s32 @!p0 s5, $0x0  }
0x1f: {  	s9 =	smul.u32 $0xF7A, s1;
	s8 =	simm.s32 @!p0 $0x1BF5;
	p2 =	por !p2, p0  }
0x20: {  	[sflag:s8] =	ssyncset.s32 @!p0 $0xFFFFF086;
	s6 =	sadd.s32 @!p0 s3, s7;
	s7 =	simm.s32 @!p0 $0x108  }
0x21: {  	s3 =	sadd.s32 s3, s9;
	s6 =	sadd.s32 @!p0 $0x88, s6;
	s7 =	simm.s32 @p2 $0x1082  }
0x22: {  	[simem:s7], [sflag:s8] =	dma.local @!p0 [hbm:s6], $0xF7A  }
0x23: {  	s9 =	sor.u32 $0xD0000000, s2;
	s6 =	simm.s32 $0x108;
	_ =	swait.ge @!p0 [sflag:s8], $0x0  }
0x24: {  	s3 =	sadd.s32 $0x88, s3;
	s6 =	simm.s32 @!p1 $0x1082;
	[sflag:s4] =	ssyncset.s32 $0xFFFFF086  }
0x25: {  	[simem:s6], [sflag:s4] =	dma.local [hbm:s3], $0xF7A  }
0x26: {  	[smem:$0x3F9B] =	sst s1;
	(tag) =	ssettag s2;
	_ =	strace s9  }
0x27: {  	s1 =	sld [smem:$0x3FAB]  }
0x28: {  	s2 =	sld [smem:$0x3FAC]  }
0x29: {  	s4 =	sld [smem:$0x3FAE]  }
0x2a: {  	p0 =	seq.s32 s5, $0x0;
	s5 =	sld [smem:$0x3FAF]  }
0x2b: {  	s6 =	sld [smem:$0x3FB0]  }
0x2c: {  	s7 =	sld [smem:$0x3FB1]  }
0x2d: {  	s3 =	simm.s32 $0x108;
	s8 =	sld [smem:$0x3FB2]  }
0x2e: {  	s3 =	simm.s32 @!p0 $0x1082;
	s9 =	sld [smem:$0x3FB3]  }
0x2f: {  	lr =	sadd.s32 s0, s3;
	s0 =	sld [smem:$0x3FAA]  }
0x30: {  	s3 =	sld [smem:$0x3FAD]  }
0x31: {  	[smem:$0x3FB6] =	sst s10  }
0x32: {  	s10 =	sld [smem:$0x3FB4];
	_ =	sdelay $0x3  }
0x33: {  	p0 =	seq.s32 s10, $0x1;
	s10 =	sld [smem:$0x3FB6];
	_ =	sdelay $0x3  }
0x34: {  	[smem:$0x3FB6] =	sst s10  }
0x35: {  	s10 =	sld [smem:$0x3FB5];
	_ =	sdelay $0x3  }
0x36: {  	p1 =	seq.s32 s10, $0x1;
	s10 =	sld [smem:$0x3FB6];
	_ =	sdelay $0x3  }
0x37: {  	[smem:$0x3FB6] =	sst s10  }
0x38: {  	s10 =	sld [smem:$0x3FB7]  }
0x39: {  	_ = 	snop;
	(pc) =	sbr.ind lr, $3  }
0x3a: {  	_ = 	snop  }
0x3b: {  	_ = 	snop  }
0x3c: {  	p2 =	seq.s32 s10, $0x1;
	s10 =	sld [smem:$0x3FB6]  }
0x3d: {  	_ =	shalt  }
0x3e: {  	_ =	shalt  }
0x3f: {  	_ =	shalt  }
0x40: {  	_ =	shalt  }
0x41: {  	_ =	shalt  }
0x42: {  	_ =	shalt  }
0x43: {  	_ =	shalt  }
0x44: {  	_ =	shalt  }
0x45: {  	_ =	shalt  }
0x46: {  	_ =	shalt  }
0x47: {  	_ =	shalt  }
0x48: {  	_ =	shalt  }
0x49: {  	_ =	shalt  }
0x4a: {  	_ =	shalt  }
0x4b: {  	_ =	shalt  }
0x4c: {  	_ =	shalt  }
0x4d: {  	_ =	shalt  }
0x4e: {  	_ =	shalt  }
0x4f: {  	_ =	shalt  }
0x50: {  	_ =	shalt  }
0x51: {  	_ =	shalt  }
0x52: {  	_ =	shalt  }
0x53: {  	_ =	shalt  }
0x54: {  	_ =	shalt  }
0x55: {  	_ =	shalt  }
0x56: {  	_ =	shalt  }
0x57: {  	_ =	shalt  }
0x58: {  	_ =	shalt  }
0x59: {  	_ =	shalt  }
0x5a: {  	_ =	shalt  }
0x5b: {  	_ =	shalt  }
0x5c: {  	_ =	shalt  }
0x5d: {  	_ =	shalt  }
0x5e: {  	_ =	shalt  }
0x5f: {  	_ =	shalt  }
0x60: {  	_ =	shalt  }
0x61: {  	_ =	shalt  }
0x62: {  	_ =	shalt  }
0x63: {  	_ =	shalt  }
0x64: {  	_ =	shalt  }
0x65: {  	_ =	shalt  }
0x66: {  	_ =	shalt  }
0x67: {  	_ =	shalt  }
0x68: {  	_ =	shalt  }
0x69: {  	_ =	shalt  }
0x6a: {  	_ =	shalt  }
0x6b: {  	_ =	shalt  }
0x6c: {  	_ =	shalt  }
0x6d: {  	_ =	shalt  }
0x6e: {  	_ =	shalt  }
0x6f: {  	_ =	shalt  }
0x70: {  	_ =	shalt  }
0x71: {  	_ =	shalt  }
0x72: {  	_ =	shalt  }
0x73: {  	_ =	shalt  }
0x74: {  	_ =	shalt  }
0x75: {  	_ =	shalt  }
0x76: {  	_ =	shalt  }
0x77: {  	_ =	shalt  }
0x78: {  	_ =	shalt  }
0x79: {  	_ =	shalt  }
0x7a: {  	_ =	shalt  }
0x7b: {  	_ =	shalt  }
0x7c: {  	_ =	shalt  }
0x7d: {  	_ =	shalt  }
0x7e: {  	_ =	shalt  }
0x7f: {  	_ =	shalt  }
0x80: {  	_ =	shalt  }
0x81: {  	_ =	shalt  }
0x82: {  	_ =	shalt  }
0x83: {  	_ =	shalt  }
0x84: {  	_ =	shalt  }
0x85: {  	_ =	shalt  }
0x86: {  	_ =	shalt  }
0x87: {  	_ =	shalt  }
.Lfunc_end0:
.L_simem_size_0:
called_computation.1_lowered:
.L_overlay_start_0:
0x88: {  	s2 =	sld [smem:$0x3FD9]  }
0x89: {  	s3 =	sld [smem:$0x3FFE];
	_ =	sdelay $0x1  }
0x8a: {  	s1 =	srdreg.scid  }
0x8b: {  	s0 =	sand.u32 $0x1, s1  }
0x8c: {  	s16 =	sshll.u32 s0, $0xA;
	s2 =	sadd.s32 s3, s2  }
0x8d: {  	s2 =	sadd.s32 s2, s16  }
0x8e: {  	[smem:$0x3FC2] =	sst s2  }
0x8f: {  	_ = 	snop  }
0x90: {  	(tm) =	ssettm $0x1  }
0x91: {  	s17 =	sld [smem:$0x3FFB];
	_ =	sdelay $0x3  }
0x92: {  	_ =	strace s17  }
0x93: {  	s2 =	sld [smem:$0x3FFC];
	_ =	sdelay $0x3  }
0x94: {  	_ =	strace s2  }
0x95: {  	s2 =	sld [smem:$0x3FFD];
	_ =	sdelay $0x3  }
0x96: {  	_ =	strace s2  }
0x97: {  	_ =	strace $0x8FFFFFFF  }
0x98: {  	s18 =	sld [smem:$0x3FDB];
	_ =	sdelay $0x1  }
0x99: {  	s19 =	simm.s32 $_scs_section_size  }
0x9a: {  	s4 =	simm.s32 $_size__tile_overlayer_lowered;
	s5 =	simm.s32 $_tile_overlayer_lowered  }
0x9b: {  	s22 =	simm.s32 $0x1BFF;
	s21 =	sshll.u32 s5, $0x1;
	s2 =	sadd.s32 s19, s18  }
0x9c: {  	s6 =	simm.s32 $0x0;
	s20 =	sshll.u32 s4, $0x1;
	s4 =	sadd.s32 s21, s2  }
0x9d: {  	[timem:s6], [sflag:s22] =	dma.local [hbm:s4], s20  }
0x9e: {  	_ =	swait.ge [sflag:s22], s20  }
0x9f: {  	s3 =	ssub.s32 $0x0, s20;
	[sflag:s22] =	ssyncset.done $0x0  }
0xa0: {  	[sflag:s22] =	ssyncadd.s32 s3;
	_ =	sdelay $0x1  }
0xa1: {  	s23 =	simm.s32 $0x1B8B  }
0xa2: {  	_ =	swait.ge [sflag:s23], $0x1  }
0xa3: {  	[sflag:s23] =	ssyncset.done $0x0  }
0xa4: {  	s25 =	simm.s32 $0x1B8E;
	s24 =	sld [smem:$0x3FFE];
	[sflag:s23] =	ssyncadd.s32 $0xFFFFFFFF  }
0xa5: {  	s26 =	simm.s32 $execute0_lowered;
	[smem:$0x3FD2] =	sst s25  }
0xa6: {  	s4 =	sshll.u32 s26, $0x1;
	_ =	strace $0x80000049;
	[dreg:$0x1] =	wrdreg $0xFFFFFFFF  }
0xa7: {  	s28 =	simm.s32 $_size_execute0_lowered;
	s2 =	sadd.s32 s2, s4;
	[dreg:$0x0] =	wrdreg $0x0  }
0xa8: {  	s4 =	sshll.u32 s28, $0x1;
	[dreg:$0x2] =	wrdreg s2  }
0xa9: {  	[dreg:$0x3] =	wrdreg s4  }
0xaa: {  	[dreg:$0x4] =	wrdreg $0xC0  }
0xab: {  	_ =	task [dreg:s6], $0x5FFFF  }
0xac: {  	[dreg:$0x1] =	wrdreg $0xFFFFFFFF  }
0xad: {  	[dreg:$0x0] =	wrdreg $0x60  }
0xae: {  	[dreg:$0x2] =	wrdreg s24  }
0xaf: {  	[dreg:$0x3] =	wrdreg $0x9  }
0xb0: {  	_ =	task.clear_ibuf [dreg:s6], $0x4FFFF;
	_ =	strace $0x90000049  }
0xb1: {  	s29 =	simm.s32 $0x9;
	_ =	strace $0x8000004B  }
0xb2: {  	_ =	swait.ge [sflag:s29], $0x1  }
0xb3: {  	[sflag:s29] =	ssyncadd.s32 $0xFFFFFFFF  }
0xb4: {  	_ =	strace $0x9000004B  }
0xb5: {  	_ =	sfence  }
0xb6: {  	s30 =	sld [smem:$0x0];
	_ =	sdelay $0x2  }
0xb7: {  	s31 =	sshll.u32 s1, $0xD;
	s1 =	sshrl.u32 s1, $0x2  }
0xb8: {  	s3 =	sand.u32 $0x4000, s31;
	s1 =	sadd.s32 s1, s30  }
0xb9: {  	s0 =	sor.u32 s3, s0;
	s1 =	sshll.u32 s1, $0x11  }
0xba: {  	s0 =	sor.u32 s1, s0  }
0xbb: {  	s0 =	sadd.s32 $0x8F2B, s0  }
0xbc: {  	[sflag:s0] =	ssyncadd.remote.s32 $0x1  }
0xbd: {  	_ =	sfence.sel $0xFFFF  }
0xbe: {  	[dreg:$0x0] =	wrdreg $0xFFFFFFFF;
	(pc) =	sbr.abs _section_cstart, $3  }
0xbf: {  	[dreg:$0x1] =	wrdreg $0xFFFFFFFF  }
0xc0: {  	_ =	task.clear_ibuf [dreg:s6], $0x2FFFF;
	_ =	strace $0x9FFFFFFF  }
0xc1: {  	(tm) =	ssettm $0x7FFFFFFF  }
tec
execute0_lowered:
.L_overlay_start_1:
0x0: {  	(tag) =	ssettag $0x1  }
0x1: {  	s1 =	stileid.u32  }
0x2: {  	p0 =	sgt.u32 s1, $0xD  }
.Ltmp0:
0x3: {  	_ = 	snop;
	(pc) =	sbr.rel @p0 .LBB2_43-.Ltmp0, $4  }
0x4: {  	_ = 	snop  }
0x5: {  	s2 =	simm.s32 $0x0  }
0x6: {  	[smem:$0x7FF] =	sst s2  }
0x7: {  	s0 =	rddreg [dreg:$0x0];
	_ =	strace $0x8000004A  }
0x8: {  	s1 =	srdreg.scid;
	s3 =	stileid.u32;
	s4 =	sadd.s32 $0x64E00, s0  }
0x9: {  	s5 =	sadd.s32 $0x3000, s0;
	s6 =	sadd.s32 $0x7D600, s0;
	s14 =	simm.s32 $0xC400  }
0xa: {  	s17 =	simm.s32 $0x197A0;
	s18 =	simm.s32 $0x1;
	s19 =	simm.s32 $0x2  }
0xb: {  	s20 =	simm.s32 $0x1A740;
	s1 =	sand.u32 $0x1, s1;
	s3 =	sshll.u32 s3, $0x1  }
0xc: {  	s21 =	simm.s32 $0x1B380;
	s22 =	simm.s32 $0x1BFC0;
	s3 =	sor.u32 s1, s3  }
0xd: {  	s28 =	simm.s32 $0x8;
	s1 =	ssub.s32 $0x2, s1;
	s8 =	smul.u32 $0xC400, s3  }
0xe: {  	s29 =	simm.s32 $0x3;
	s30 =	simm.s32 $0x4;
	s25 =	sshrl.u32 s1, $0x1  }
0xf: {  	s3 =	sshrl.u32 s8, $0x3;
	s23 =	sadd.s32 $0x157000, s8;
	s24 =	sadd.s32 $0x2AE000, s8  }
0x10: {  	s16 =	smov.u32 s8;
	s26 =	sadd.s32 $0x405000, s8;
	[dreg:$0x2] =	wrdreg s23  }
0x11: {  	s7 =	sadd.s32 s3, s0;
	s0 =	sshrl.u32 s23, $0x3;
	[dreg:$0x5] =	wrdreg s24  }
0x12: {  	[dreg:$0x6] =	wrdreg s26;
	s31 =	sadd.s32 s6, s3;
	s23 =	simm.s32 $0x1CC00  }
0x13: {  	s24 =	simm.s32 $0x5;
	s0 =	sadd.s32 s6, s0;
	[dreg:$0x7] =	wrdreg s31  }
0x14: {  	s7 =	sadd.s32 $0x37400, s7;
	[dreg:$0x4] =	wrdreg s0;
	s0 =	ssub.s32 s1, s25  }
0x15: {  	s26 =	simm.s32 $0x7;
	[dreg:$0x3] =	wrdreg s7;
	s0 =	smax.u32 s0, $0x1  }
0x16: {  	v0 =	vimm.f32 $0.0e+00;
	s25 =	simm.s32 $0x6;
	s1 =	simm.s32 $0x0;
	[dreg:$0x8] =	wrdreg s0  }
.LBB2_2:
0x17: {  	[dreg:$0x9] =	wrdreg s1;
	s0 =	simm.s32 $0xC420  }
0x18: {  	[tilespmem:s0+$0xFFFFFFE0] =	vst v0  }
0x19: {  	[tilespmem:s0+$0x10] =	vst v0  }
0x1a: {  	s1 =	simm.s32 $0x0;
	[tilespmem:s0+$0x0] =	vst v0  }
.LBB2_3:
0x1b: {  	s1 =	sadd.s32 $0x4, s1  }
0x1c: {  	[tilespmem:s0+$0xFFFFFFF0] =	vst v0;
	s0 =	sadd.s32 $0x40, s0;
	p0 =	slt.u32 s1, $0xC3C  }
.Ltmp1:
0x1d: {  	[tilespmem:s0+$0xFFFFFFE0] =	vst v0;
	(pc) =	sbr.rel @p0 .LBB2_3-.Ltmp1, $3  }
0x1e: {  	_ =	sdelay $0x1  }
0x1f: {  	[tilespmem:s0+$0x10] =	vst v0  }
0x20: {  	[tilespmem:s0+$0x0] =	vst v0  }
0x21: {  	[tilespmem:s0+$0xFFFFFFF0] =	vst v0  }
0x22: {  	s3 =	simm.s32 $0x0;
	s1 =	simm.s32 $0x9;
	s0 =	rddreg [dreg:$0x7]  }
0x23: {  	[hbm4b:s0+s3] =	stream.linear.scatter [tilespmem:s14], [sflag:$0x9], $0xC400, $0x38;
	[tilespmem:$0x1D840] =	vst v63  }
0x24: {  	_ =	swait.ge [sflag:s1], $0xC400  }
0x25: {  	[sflag:s1] =	ssyncset.done $0x0  }
0x26: {  	s15 =	rddreg [dreg:$0x3];
	[sflag:s1] =	ssyncadd.s32 $0xFFFF3C00  }
0x27: {  	[tilespmem:s3], [sflag:$0x9] =	stream.linear.gather [hbm4b:s15+s3], $0xC400, $0x38;
	[tilespmem:$0x1D840] =	vst v63  }
0x28: {  	_ =	swait.ge [sflag:s1], $0xC400  }
0x29: {  	[sflag:s1] =	ssyncset.done $0x0  }
0x2a: {  	s31 =	rddreg [dreg:$0x4];
	[sflag:s1] =	ssyncadd.s32 $0xFFFF3C00;
	s1 =	simm.s32 $0x0  }
0x2b: {  	[hbm4b:s31+s3] =	stream.linear.scatter [tilespmem:s3], [sflag:$0x3], $0xC400, $0x38;
	[tilespmem:$0x1D840] =	vst v63  }
.LBB2_5:
0x2c: {  	s0 =	simm.s32 $0x18800;
	s3 =	simm.s32 $0x0;
	s8 =	simm.s32 $0x0  }
0x2d: {  	[tilespmem:s0], [sflag:$0x1] =	stream.linear.gather [hbm4b:s4+s3], $0xFA0, $0x38;
	[tilespmem:$0x1D840] =	vst v63  }
.LBB2_6:
0x2e: {  	s9 =	smul.u32 $0x1F40, s8;
	_ =	sdelay $0x1  }
0x2f: {  	s0 =	sshrl.u32 s9, $0x3  }
0x30: {  	s0 =	sadd.s32 s4, s0  }
0x31: {  	s0 =	sadd.s32 $0x1F4, s0  }
0x32: {  	[tilespmem:s17], [sflag:$0x2] =	stream.linear.gather [hbm4b:s0+s2], $0xFA0, $0x38;
	[tilespmem:$0x1D840] =	vst v63  }
0x33: {  	_ =	swait.ge [sflag:s18], $0xFA0  }
0x34: {  	[sflag:s18] =	ssyncset.done $0x0  }
0x35: {  	s31 =	simm.s32 $0x18840;
	[sflag:s18] =	ssyncadd.s32 $0xFFFFF060  }
0x36: {  	v1 =	vld [tilespmem:s31+$0x30]  }
0x37: {  	v2 =	vld [tilespmem:s31+$0xFFFFFFD0]  }
0x38: {  	v3 =	vld [tilespmem:s31+$0xFFFFFFE0]  }
0x39: {  	v4 =	vld [tilespmem:s31+$0xFFFFFFF0]  }
0x3a: {  	v5 =	vld [tilespmem:s31+$0x0]  }
0x3b: {  	v6 =	vld [tilespmem:s31+$0x10];
	v7 =	vshrl.u32 v1, $0x10  }
0x3c: {  	v11 =	vld [tilespmem:s31+$0x20];
	v8 =	vshrl.u32 v2, $0x10  }
0x3d: {  	v10 =	vshrl.u32 v3, $0x10  }
0x3e: {  	v9 =	vld [tilespmem:s31+$0xFFFFFFC0];
	v12 =	vshrl.u32 v4, $0x10  }
0x3f: {  	s12 =	simm.s32 $0x0;
	v13 =	vshrl.u32 v5, $0x10  }
0x40: {  	v14 =	vshrl.u32 v6, $0x10;
	v7 =	vld.idx.msk [tilespmem:v7+s12+$0x0], $0xffff  }
0x41: {  	v16 =	vshrl.u32 v11, $0x10;
	v8 =	vld.idx.msk [tilespmem:v8+s12+$0x0], $0xffff  }
0x42: {  	v1 =	vand.u32 $0xFFFF, v1;
	v10 =	vld.idx.msk [tilespmem:v10+s12+$0x0], $0xffff  }
0x43: {  	v15 =	vshrl.u32 v9, $0x10;
	v12 =	vld.idx.msk [tilespmem:v12+s12+$0x0], $0xffff  }
0x44: {  	v2 =	vand.u32 $0xFFFF, v2;
	v13 =	vld.idx.msk [tilespmem:v13+s12+$0x0], $0xffff  }
0x45: {  	v17 =	vand.u32 $0xFFFF, v3;
	v3 =	vld.idx.msk [tilespmem:v14+s12+$0x0], $0xffff  }
0x46: {  	v63 =	vand.u32 $0xFFFF, v4;
	v4 =	vld.idx.msk [tilespmem:v16+s12+$0x0], $0xffff  }
0x47: {  	[tilespmem:v1+s14+$0x0] =	vst.idx.add.f32.msk $0xffff, v7;
	v1 =	vand.u32 $0xFFFF, v5  }
0x48: {  	v5 =	vld.idx.msk [tilespmem:v15+s12+$0x0], $0xffff;
	v7 =	vand.u32 $0xFFFF, v9  }
0x49: {  	[tilespmem:v2+s14+$0x0] =	vst.idx.add.f32.msk $0xffff, v8  }
0x4a: {  	[tilespmem:v17+s14+$0x0] =	vst.idx.add.f32.msk $0xffff, v10  }
0x4b: {  	[tilespmem:v63+s14+$0x0] =	vst.idx.add.f32.msk $0xffff, v12  }
0x4c: {  	[tilespmem:v1+s14+$0x0] =	vst.idx.add.f32.msk $0xffff, v13  }
0x4d: {  	s13 =	simm.s32 $0x0;
	s15 =	simm.s32 $0x188C0;
	v2 =	vand.u32 $0xFFFF, v11;
	v1 =	vand.u32 $0xFFFF, v6;
	[tilespmem:v7+s14+$0x0] =	vst.idx.add.f32.msk $0xffff, v5  }
.LBB2_7:
0x4e: {  	v5 =	vld [tilespmem:s15+$0x30];
	s13 =	sadd.s32 $0x8, s13  }
0x4f: {  	v6 =	vld [tilespmem:s15+$0xFFFFFFD0];
	p0 =	slt.u32 s13, $0xF0  }
0x50: {  	v7 =	vld [tilespmem:s15+$0xFFFFFFE0]  }
0x51: {  	v8 =	vld [tilespmem:s15+$0xFFFFFFF0]  }
0x52: {  	v9 =	vld [tilespmem:s15+$0x0]  }
0x53: {  	v10 =	vld [tilespmem:s15+$0x10];
	v11 =	vshrl.u32 v5, $0x10  }
0x54: {  	v12 =	vshrl.u32 v6, $0x10;
	v6 =	vand.u32 $0xFFFF, v6;
	v13 =	vld [tilespmem:s15+$0x20]  }
0x55: {  	v14 =	vld [tilespmem:s15+$0xFFFFFFC0];
	v15 =	vshrl.u32 v7, $0x10;
	v7 =	vand.u32 $0xFFFF, v7  }
0x56: {  	v16 =	vshrl.u32 v8, $0x10;
	v8 =	vand.u32 $0xFFFF, v8;
	[tilespmem:v1+s14+$0x0] =	vst.idx.add.f32.msk $0xffff, v3  }
0x57: {  	v3 =	vshrl.u32 v9, $0x10;
	v9 =	vand.u32 $0xFFFF, v9;
	[tilespmem:v2+s14+$0x0] =	vst.idx.add.f32.msk $0xffff, v4  }
0x58: {  	v4 =	vshrl.u32 v10, $0x10;
	v1 =	vand.u32 $0xFFFF, v10;
	v10 =	vld.idx.msk [tilespmem:v11+s12+$0x0], $0xffff  }
0x59: {  	v5 =	vand.u32 $0xFFFF, v5;
	v11 =	vld.idx.msk [tilespmem:v12+s12+$0x0], $0xffff;
	v12 =	vshrl.u32 v13, $0x10;
	v2 =	vand.u32 $0xFFFF, v13  }
0x5a: {  	v13 =	vshrl.u32 v14, $0x10;
	v14 =	vand.u32 $0xFFFF, v14;
	v15 =	vld.idx.msk [tilespmem:v15+s12+$0x0], $0xffff  }
0x5b: {  	v16 =	vld.idx.msk [tilespmem:v16+s12+$0x0], $0xffff  }
0x5c: {  	v17 =	vld.idx.msk [tilespmem:v3+s12+$0x0], $0xffff  }
0x5d: {  	v3 =	vld.idx.msk [tilespmem:v4+s12+$0x0], $0xffff  }
0x5e: {  	[tilespmem:v5+s14+$0x0] =	vst.idx.add.f32.msk $0xffff, v10  }
0x5f: {  	v5 =	vld.idx.msk [tilespmem:v13+s12+$0x0], $0xffff  }
0x60: {  	v4 =	vld.idx.msk [tilespmem:v12+s12+$0x0], $0xffff  }
.Ltmp2:
0x61: {  	[tilespmem:v6+s14+$0x0] =	vst.idx.add.f32.msk $0xffff, v11;
	(pc) =	sbr.rel @p0 .LBB2_7-.Ltmp2, $4  }
0x62: {  	[tilespmem:v7+s14+$0x0] =	vst.idx.add.f32.msk $0xffff, v15  }
0x63: {  	[tilespmem:v8+s14+$0x0] =	vst.idx.add.f32.msk $0xffff, v16  }
0x64: {  	[tilespmem:v9+s14+$0x0] =	vst.idx.add.f32.msk $0xffff, v17  }
0x65: {  	s15 =	sadd.s32 $0x80, s15;
	[tilespmem:v14+s14+$0x0] =	vst.idx.add.f32.msk $0xffff, v5  }
0x66: {  	_ =	sdelay $0x3  }
0x67: {  	[tilespmem:v1+s14+$0x0] =	vst.idx.add.f32.msk $0xffff, v3  }
0x68: {  	[tilespmem:v2+s14+$0x0] =	vst.idx.add.f32.msk $0xffff, v4  }
.LBB2_9:
0x69: {  	s0 =	sshra.s32 s12, $0x2  }
0x6a: {  	v1 =	vld [tilespmem:s0+$0x19780];
	_ =	sdelay $0x4  }
0x6b: {  	v2 =	vshrl.u32 v1, $0x10;
	_ =	sdelay $0x4  }
0x6c: {  	p0 =	sne.s32 s12, $0x40;
	v1 =	vand.u32 $0xFFFF, v1;
	v2 =	vld.idx.msk [tilespmem:v2+s2+$0x0], $0xffff  }
.Ltmp3:
0x6d: {  	_ = 	snop;
	(pc) =	sbr.rel @p0 .LBB2_9-.Ltmp3, $2  }
0x6e: {  	_ =	sdelay $0x2  }
0x6f: {  	s12 =	sadd.s32 $0x40, s12;
	[tilespmem:v1+s14+$0x0] =	vst.idx.add.f32.msk $0xffff, v2  }
0x70: {  	p0 =	seq.s32 s8, $0x63  }
0x71: {  	s0 =	sshrl.u32 @!p0 s9, $0x3  }
0x72: {  	s0 =	sadd.s32 @!p0 s4, s0  }
0x73: {  	s3 =	simm.s32 @!p0 $0x0;
	s7 =	simm.s32 @!p0 $0x18800;
	s0 =	sadd.s32 @!p0 $0x3E8, s0  }
0x74: {  	[tilespmem:s7], [sflag:$0x1] =	stream.linear.gather @!p0 [hbm4b:s0+s3], $0xFA0, $0x38;
	[tilespmem:$0x1D840] =	vst v63  }
0x75: {  	_ =	swait.ge [sflag:s19], $0xFA0  }
0x76: {  	[sflag:s19] =	ssyncset.done $0x0  }
0x77: {  	s31 =	simm.s32 $0x197E0;
	[sflag:s19] =	ssyncadd.s32 $0xFFFFF060  }
0x78: {  	v1 =	vld [tilespmem:s31+$0x30]  }
0x79: {  	v2 =	vld [tilespmem:s31+$0xFFFFFFD0]  }
0x7a: {  	v3 =	vld [tilespmem:s31+$0xFFFFFFE0]  }
0x7b: {  	v4 =	vld [tilespmem:s31+$0xFFFFFFF0]  }
0x7c: {  	v5 =	vld [tilespmem:s31+$0x0]  }
0x7d: {  	v6 =	vld [tilespmem:s31+$0x10];
	v7 =	vshrl.u32 v1, $0x10  }
0x7e: {  	v11 =	vld [tilespmem:s31+$0x20];
	v8 =	vshrl.u32 v2, $0x10  }
0x7f: {  	v10 =	vshrl.u32 v3, $0x10  }
0x80: {  	v9 =	vld [tilespmem:s31+$0xFFFFFFC0];
	v12 =	vshrl.u32 v4, $0x10  }
0x81: {  	s9 =	simm.s32 $0x0;
	v13 =	vshrl.u32 v5, $0x10  }
0x82: {  	v14 =	vshrl.u32 v6, $0x10;
	v7 =	vld.idx.msk [tilespmem:v7+s9+$0x0], $0xffff  }
0x83: {  	v16 =	vshrl.u32 v11, $0x10;
	v8 =	vld.idx.msk [tilespmem:v8+s9+$0x0], $0xffff  }
0x84: {  	v1 =	vand.u32 $0xFFFF, v1;
	v10 =	vld.idx.msk [tilespmem:v10+s9+$0x0], $0xffff  }
0x85: {  	v15 =	vshrl.u32 v9, $0x10;
	v12 =	vld.idx.msk [tilespmem:v12+s9+$0x0], $0xffff  }
0x86: {  	v2 =	vand.u32 $0xFFFF, v2;
	v13 =	vld.idx.msk [tilespmem:v13+s9+$0x0], $0xffff  }
0x87: {  	v17 =	vand.u32 $0xFFFF, v3;
	v3 =	vld.idx.msk [tilespmem:v14+s9+$0x0], $0xffff  }
0x88: {  	v63 =	vand.u32 $0xFFFF, v4;
	v4 =	vld.idx.msk [tilespmem:v16+s9+$0x0], $0xffff  }
0x89: {  	[tilespmem:v1+s14+$0x0] =	vst.idx.add.f32.msk $0xffff, v7;
	v1 =	vand.u32 $0xFFFF, v5  }
0x8a: {  	v5 =	vld.idx.msk [tilespmem:v15+s9+$0x0], $0xffff;
	v7 =	vand.u32 $0xFFFF, v9  }
0x8b: {  	[tilespmem:v2+s14+$0x0] =	vst.idx.add.f32.msk $0xffff, v8  }
0x8c: {  	[tilespmem:v17+s14+$0x0] =	vst.idx.add.f32.msk $0xffff, v10  }
0x8d: {  	[tilespmem:v63+s14+$0x0] =	vst.idx.add.f32.msk $0xffff, v12  }
0x8e: {  	[tilespmem:v1+s14+$0x0] =	vst.idx.add.f32.msk $0xffff, v13  }
0x8f: {  	s12 =	simm.s32 $0x0;
	s13 =	simm.s32 $0x19860;
	v2 =	vand.u32 $0xFFFF, v11;
	v1 =	vand.u32 $0xFFFF, v6;
	[tilespmem:v7+s14+$0x0] =	vst.idx.add.f32.msk $0xffff, v5  }
.LBB2_11:
0x90: {  	v5 =	vld [tilespmem:s13+$0x30];
	s12 =	sadd.s32 $0x8, s12  }
0x91: {  	v6 =	vld [tilespmem:s13+$0xFFFFFFD0];
	p0 =	slt.u32 s12, $0xF0  }
0x92: {  	v7 =	vld [tilespmem:s13+$0xFFFFFFE0]  }
0x93: {  	v8 =	vld [tilespmem:s13+$0xFFFFFFF0]  }
0x94: {  	v9 =	vld [tilespmem:s13+$0x0]  }
0x95: {  	v10 =	vld [tilespmem:s13+$0x10];
	v11 =	vshrl.u32 v5, $0x10  }
0x96: {  	v12 =	vshrl.u32 v6, $0x10;
	v6 =	vand.u32 $0xFFFF, v6;
	v13 =	vld [tilespmem:s13+$0x20]  }
0x97: {  	v14 =	vld [tilespmem:s13+$0xFFFFFFC0];
	v15 =	vshrl.u32 v7, $0x10;
	v7 =	vand.u32 $0xFFFF, v7  }
0x98: {  	v16 =	vshrl.u32 v8, $0x10;
	v8 =	vand.u32 $0xFFFF, v8;
	[tilespmem:v1+s14+$0x0] =	vst.idx.add.f32.msk $0xffff, v3  }
0x99: {  	v3 =	vshrl.u32 v9, $0x10;
	v9 =	vand.u32 $0xFFFF, v9;
	[tilespmem:v2+s14+$0x0] =	vst.idx.add.f32.msk $0xffff, v4  }
0x9a: {  	v4 =	vshrl.u32 v10, $0x10;
	v1 =	vand.u32 $0xFFFF, v10;
	v10 =	vld.idx.msk [tilespmem:v11+s9+$0x0], $0xffff  }
0x9b: {  	v5 =	vand.u32 $0xFFFF, v5;
	v11 =	vld.idx.msk [tilespmem:v12+s9+$0x0], $0xffff;
	v12 =	vshrl.u32 v13, $0x10;
	v2 =	vand.u32 $0xFFFF, v13  }
0x9c: {  	v13 =	vshrl.u32 v14, $0x10;
	v14 =	vand.u32 $0xFFFF, v14;
	v15 =	vld.idx.msk [tilespmem:v15+s9+$0x0], $0xffff  }
0x9d: {  	v16 =	vld.idx.msk [tilespmem:v16+s9+$0x0], $0xffff  }
0x9e: {  	v17 =	vld.idx.msk [tilespmem:v3+s9+$0x0], $0xffff  }
0x9f: {  	v3 =	vld.idx.msk [tilespmem:v4+s9+$0x0], $0xffff  }
0xa0: {  	[tilespmem:v5+s14+$0x0] =	vst.idx.add.f32.msk $0xffff, v10  }
0xa1: {  	v5 =	vld.idx.msk [tilespmem:v13+s9+$0x0], $0xffff  }
0xa2: {  	v4 =	vld.idx.msk [tilespmem:v12+s9+$0x0], $0xffff  }
.Ltmp4:
0xa3: {  	[tilespmem:v6+s14+$0x0] =	vst.idx.add.f32.msk $0xffff, v11;
	(pc) =	sbr.rel @p0 .LBB2_11-.Ltmp4, $4  }
0xa4: {  	[tilespmem:v7+s14+$0x0] =	vst.idx.add.f32.msk $0xffff, v15  }
0xa5: {  	[tilespmem:v8+s14+$0x0] =	vst.idx.add.f32.msk $0xffff, v16  }
0xa6: {  	[tilespmem:v9+s14+$0x0] =	vst.idx.add.f32.msk $0xffff, v17  }
0xa7: {  	s13 =	sadd.s32 $0x80, s13;
	[tilespmem:v14+s14+$0x0] =	vst.idx.add.f32.msk $0xffff, v5  }
0xa8: {  	_ =	sdelay $0x3  }
0xa9: {  	[tilespmem:v1+s14+$0x0] =	vst.idx.add.f32.msk $0xffff, v3  }
0xaa: {  	[tilespmem:v2+s14+$0x0] =	vst.idx.add.f32.msk $0xffff, v4  }
.LBB2_13:
0xab: {  	s0 =	sshra.s32 s9, $0x2  }
0xac: {  	v1 =	vld [tilespmem:s0+$0x1A720];
	_ =	sdelay $0x4  }
0xad: {  	v2 =	vshrl.u32 v1, $0x10;
	_ =	sdelay $0x4  }
0xae: {  	p0 =	sne.s32 s9, $0x40;
	v1 =	vand.u32 $0xFFFF, v1;
	v2 =	vld.idx.msk [tilespmem:v2+s2+$0x0], $0xffff  }
.Ltmp5:
0xaf: {  	_ = 	snop;
	(pc) =	sbr.rel @p0 .LBB2_13-.Ltmp5, $2  }
0xb0: {  	_ =	sdelay $0x2  }
0xb1: {  	s9 =	sadd.s32 $0x40, s9;
	[tilespmem:v1+s14+$0x0] =	vst.idx.add.f32.msk $0xffff, v2  }
0xb2: {  	s8 =	sadd.s32 $0x1, s8  }
0xb3: {  	p0 =	sne.s32 s8, $0x64  }
.Ltmp6:
0xb4: {  	_ = 	snop;
	(pc) =	sbr.rel @p0 .LBB2_6-.Ltmp6, $1  }
0xb5: {  	_ =	sdelay $0x3  }
0xb6: {  	s8 =	smul.u32 $0x2AE000, s1;
	_ =	sdelay $0x1  }
0xb7: {  	s9 =	sadd.s32 s16, s8  }
0xb8: {  	s0 =	sshrl.u32 s9, $0x3  }
0xb9: {  	s12 =	simm.s32 $0x0;
	s0 =	sadd.s32 s6, s0  }
0xba: {  	[tilespmem:s20], [sflag:$0x5] =	stream.linear.gather [hbm4b:s0+s12], $0xC40, $0x38;
	[tilespmem:$0x1D840] =	vst v63  }
0xbb: {  	p0 =	seq.s32 s1, $0x0;
	s0 =	simm.f32 $-1.000000000e+00  }
0xbc: {  	s11 =	simm.s32 $0xC420;
	s15 =	simm.s32 $0xD070;
	s0 =	simm.s32 @!p0 $0xC0000000  }
0xbd: {  	[tilespmem:s21], [sflag:$0x6] =	stream.linear.gather [hbm4b:s5+s12], $0xC40, $0x38;
	v1 =	vmov s0;
	[tilespmem:$0x1D840] =	vst v63  }
.LBB2_16:
0xbe: {  	s31 =	smul.u32 $0x1880, s12;
	_ =	sdelay $0x1  }
0xbf: {  	s0 =	sadd.s32 $0xC40, s31  }
0xc0: {  	s3 =	sadd.s32 s9, s0  }
0xc1: {  	s3 =	sshrl.u32 s3, $0x3  }
0xc2: {  	s0 =	sshrl.u32 s0, $0x3;
	s3 =	sadd.s32 s6, s3  }
0xc3: {  	[tilespmem:s22], [sflag:$0x7] =	stream.linear.gather [hbm4b:s3+s2], $0xC40, $0x38;
	[tilespmem:$0x1D840] =	vst v63  }
0xc4: {  	s0 =	sadd.s32 s5, s0  }
0xc5: {  	[tilespmem:s23], [sflag:$0x8] =	stream.linear.gather [hbm4b:s0+s2], $0xC40, $0x38;
	[tilespmem:$0x1D840] =	vst v63  }
0xc6: {  	_ =	swait.ge [sflag:s24], $0xC40  }
0xc7: {  	[sflag:s24] =	ssyncset.done $0x0  }
0xc8: {  	[sflag:s24] =	ssyncadd.s32 $0xFFFFF3C0  }
0xc9: {  	_ =	swait.ge [sflag:s25], $0xC40  }
0xca: {  	[sflag:s25] =	ssyncset.done $0x0  }
0xcb: {  	s13 =	simm.s32 $0x1B3A0;
	[sflag:s25] =	ssyncadd.s32 $0xFFFFF3C0  }
0xcc: {  	v2 =	vld [tilespmem:s13+$0x10]  }
0xcd: {  	v6 =	vld [tilespmem:s13+$0xFFFFFFE0]  }
0xce: {  	v4 =	vld [tilespmem:s11+$0x10]  }
0xcf: {  	s0 =	simm.s32 $0x1A760;
	v7 =	vld [tilespmem:s13+$0xFFFFFFF0]  }
0xd0: {  	v8 =	vld [tilespmem:s0+$0x10]  }
0xd1: {  	v9 =	vld [tilespmem:s13+$0x0];
	v2 =	vmul.f32 v2, v1  }
0xd2: {  	v10 =	vld [tilespmem:s11+$0xFFFFFFF0]  }
0xd3: {  	v3 =	vld [tilespmem:s11+$0x0];
	v2 =	vmul.f32 v2, v4  }
0xd4: {  	v5 =	vld [tilespmem:s11+$0xFFFFFFE0]  }
0xd5: {  	v7 =	vmul.f32 v7, v1;
	v4 =	vld [tilespmem:s0+$0xFFFFFFE0];
	v11 =	vsub.f32 v2, v8  }
0xd6: {  	s7 =	simm.s32 $0x0;
	v9 =	vmul.f32 v9, v1;
	v2 =	vmul.f32 v6, v1;
	v6 =	vld [tilespmem:s0+$0xFFFFFFF0]  }
0xd7: {  	s10 =	simm.s32 $0x1B3E0;
	s3 =	smov.u32 s11;
	s13 =	smov.u32 s11;
	v8 =	vmul.f32 v7, v10;
	v7 =	vld [tilespmem:s0+$0x0];
	[tilespmem:s11+$0x10] =	vst v11  }
.LBB2_17:
0xd8: {  	v10 =	vld [tilespmem:s10+$0x10];
	s7 =	sadd.s32 $0x4, s7;
	v3 =	vmul.f32 v9, v3  }
0xd9: {  	s3 =	sadd.s32 $0x40, s3;
	v9 =	vld [tilespmem:s10+$0xFFFFFFE0];
	p0 =	slt.u32 s7, $0xC0;
	v2 =	vmul.f32 v2, v5  }
0xda: {  	v5 =	vld [tilespmem:s3+$0x10]  }
0xdb: {  	s0 =	sadd.s32 $0x40, s0;
	v11 =	vld [tilespmem:s10+$0xFFFFFFF0];
	v2 =	vsub.f32 v2, v4;
	v4 =	vsub.f32 v8, v6  }
0xdc: {  	v6 =	vld [tilespmem:s0+$0x10];
	v7 =	vsub.f32 v3, v7  }
0xdd: {  	v8 =	vld [tilespmem:s10+$0x0];
	v10 =	vmul.f32 v10, v1;
	[tilespmem:s13+$0xFFFFFFE0] =	vst v2  }
0xde: {  	v2 =	vmul.f32 v9, v1;
	v12 =	vld [tilespmem:s3+$0xFFFFFFF0];
	[tilespmem:s13+$0xFFFFFFF0] =	vst v4  }
.Ltmp7:
0xdf: {  	v3 =	vld [tilespmem:s3+$0x0];
	v9 =	vmul.f32 v10, v5;
	[tilespmem:s13+$0x0] =	vst v7;
	s13 =	smov.u32 s3;
	(pc) =	sbr.rel @p0 .LBB2_17-.Ltmp7, $4  }
0xe0: {  	v5 =	vld [tilespmem:s3+$0xFFFFFFE0];
	v7 =	vmul.f32 v11, v1  }
0xe1: {  	v4 =	vld [tilespmem:s0+$0xFFFFFFE0];
	v10 =	vsub.f32 v9, v6  }
0xe2: {  	v6 =	vld [tilespmem:s0+$0xFFFFFFF0];
	v9 =	vmul.f32 v8, v1  }
0xe3: {  	s10 =	sadd.s32 $0x40, s10;
	v8 =	vmul.f32 v7, v12;
	v7 =	vld [tilespmem:s0+$0x0];
	[tilespmem:s3+$0x10] =	vst v10  }
0xe4: {  	_ = 	snop  }
0xe5: {  	v2 =	vmul.f32 v2, v5;
	_ =	sdelay $0x1  }
0xe6: {  	v3 =	vmul.f32 v9, v3;
	p0 =	seq.s32 s12, $0x7;
	v2 =	vsub.f32 v2, v4  }
0xe7: {  	s0 =	sadd.s32 @!p0 $0x1880, s31;
	v4 =	vsub.f32 v8, v6  }
0xe8: {  	s3 =	sadd.s32 @!p0 s9, s0;
	v3 =	vsub.f32 v3, v7;
	[tilespmem:s13+$0xFFFFFFE0] =	vst v2  }
0xe9: {  	s7 =	simm.s32 @!p0 $0x0;
	s3 =	sshrl.u32 @!p0 s3, $0x3;
	[tilespmem:s13+$0xFFFFFFF0] =	vst v4  }
0xea: {  	s10 =	simm.s32 @!p0 $0x1A740;
	s0 =	sshrl.u32 @!p0 s0, $0x3;
	s3 =	sadd.s32 @!p0 s6, s3;
	[tilespmem:s13+$0x0] =	vst v3  }
0xeb: {  	[tilespmem:s10], [sflag:$0x5] =	stream.linear.gather @!p0 [hbm4b:s3+s7], $0xC40, $0x38;
	[tilespmem:$0x1D840] =	vst v63  }
0xec: {  	s0 =	sadd.s32 @!p0 s5, s0;
	s3 =	simm.s32 @!p0 $0x1B380  }
0xed: {  	[tilespmem:s3], [sflag:$0x6] =	stream.linear.gather @!p0 [hbm4b:s0+s7], $0xC40, $0x38;
	[tilespmem:$0x1D840] =	vst v63  }
0xee: {  	_ =	swait.ge [sflag:s26], $0xC40  }
0xef: {  	[sflag:s26] =	ssyncset.done $0x0  }
0xf0: {  	[sflag:s26] =	ssyncadd.s32 $0xFFFFF3C0  }
0xf1: {  	_ =	swait.ge [sflag:s28], $0xC40  }
0xf2: {  	[sflag:s28] =	ssyncset.done $0x0  }
0xf3: {  	s31 =	simm.s32 $0x1CC20;
	[sflag:s28] =	ssyncadd.s32 $0xFFFFF3C0  }
0xf4: {  	v2 =	vld [tilespmem:s31+$0x10]  }
0xf5: {  	v6 =	vld [tilespmem:s31+$0xFFFFFFE0]  }
0xf6: {  	v4 =	vld [tilespmem:s15+$0x0]  }
0xf7: {  	s0 =	simm.s32 $0x1BFE0;
	v7 =	vld [tilespmem:s31+$0xFFFFFFF0]  }
0xf8: {  	v8 =	vld [tilespmem:s0+$0x10]  }
0xf9: {  	v9 =	vld [tilespmem:s31+$0x0];
	v2 =	vmul.f32 v2, v1  }
0xfa: {  	v10 =	vld [tilespmem:s15+$0xFFFFFFE0]  }
0xfb: {  	v3 =	vld [tilespmem:s15+$0xFFFFFFF0];
	v2 =	vmul.f32 v2, v4  }
0xfc: {  	v5 =	vld [tilespmem:s15+$0xFFFFFFD0]  }
0xfd: {  	v7 =	vmul.f32 v7, v1;
	v4 =	vld [tilespmem:s0+$0xFFFFFFE0];
	v11 =	vsub.f32 v2, v8  }
0xfe: {  	s13 =	smov.u32 s15;
	v9 =	vmul.f32 v9, v1;
	v2 =	vmul.f32 v6, v1;
	v6 =	vld [tilespmem:s0+$0xFFFFFFF0]  }
0xff: {  	s10 =	simm.s32 $0x1CC60;
	s7 =	simm.s32 $0x0;
	s3 =	smov.u32 s15;
	v8 =	vmul.f32 v7, v10;
	v7 =	vld [tilespmem:s0+$0x0];
	[tilespmem:s15+$0x0] =	vst v11  }
.LBB2_19:
0x100: {  	v10 =	vld [tilespmem:s10+$0x10];
	s7 =	sadd.s32 $0x4, s7;
	v3 =	vmul.f32 v9, v3  }
0x101: {  	s3 =	sadd.s32 $0x40, s3;
	v9 =	vld [tilespmem:s10+$0xFFFFFFE0];
	p0 =	slt.u32 s7, $0xC0;
	v2 =	vmul.f32 v2, v5  }
0x102: {  	v5 =	vld [tilespmem:s3+$0x0]  }
0x103: {  	s0 =	sadd.s32 $0x40, s0;
	v11 =	vld [tilespmem:s10+$0xFFFFFFF0];
	v2 =	vsub.f32 v2, v4;
	v4 =	vsub.f32 v8, v6  }
0x104: {  	v6 =	vld [tilespmem:s0+$0x10];
	v7 =	vsub.f32 v3, v7  }
0x105: {  	v8 =	vld [tilespmem:s10+$0x0];
	v10 =	vmul.f32 v10, v1;
	[tilespmem:s13+$0xFFFFFFD0] =	vst v2  }
0x106: {  	v2 =	vmul.f32 v9, v1;
	v12 =	vld [tilespmem:s3+$0xFFFFFFE0];
	[tilespmem:s13+$0xFFFFFFE0] =	vst v4  }
.Ltmp8:
0x107: {  	v3 =	vld [tilespmem:s3+$0xFFFFFFF0];
	v9 =	vmul.f32 v10, v5;
	[tilespmem:s13+$0xFFFFFFF0] =	vst v7;
	s13 =	smov.u32 s3;
	(pc) =	sbr.rel @p0 .LBB2_19-.Ltmp8, $4  }
0x108: {  	v5 =	vld [tilespmem:s3+$0xFFFFFFD0];
	v7 =	vmul.f32 v11, v1  }
0x109: {  	v4 =	vld [tilespmem:s0+$0xFFFFFFE0];
	v10 =	vsub.f32 v9, v6  }
0x10a: {  	v6 =	vld [tilespmem:s0+$0xFFFFFFF0];
	v9 =	vmul.f32 v8, v1  }
0x10b: {  	s10 =	sadd.s32 $0x40, s10;
	v8 =	vmul.f32 v7, v12;
	v7 =	vld [tilespmem:s0+$0x0];
	[tilespmem:s3+$0x0] =	vst v10  }
0x10c: {  	_ = 	snop  }
0x10d: {  	s12 =	sadd.s32 $0x1, s12;
	v2 =	vmul.f32 v2, v5  }
0x10e: {  	p0 =	sne.s32 s12, $0x8  }
.Ltmp9:
0x10f: {  	v3 =	vmul.f32 v9, v3;
	v2 =	vsub.f32 v2, v4;
	(pc) =	sbr.rel @p0 .LBB2_16-.Ltmp9, $4  }
0x110: {  	v63 =	vsub.f32 v8, v6  }
0x111: {  	v3 =	vsub.f32 v3, v7;
	[tilespmem:s13+$0xFFFFFFD0] =	vst v2  }
0x112: {  	[tilespmem:s13+$0xFFFFFFE0] =	vst v63  }
0x113: {  	s11 =	sadd.s32 $0x1880, s11;
	s15 =	sadd.s32 $0x1880, s15;
	[tilespmem:s13+$0xFFFFFFF0] =	vst v3  }
0x114: {  	s0 =	rddreg [dreg:$0x5]  }
0x115: {  	s0 =	sadd.s32 s8, s0  }
0x116: {  	s0 =	sshrl.u32 s0, $0x3  }
0x117: {  	s0 =	sadd.s32 s6, s0  }
0x118: {  	[hbm4b:s0+s2] =	stream.linear.scatter [tilespmem:s14], [sflag:$0x4], $0xC400, $0x38;
	[tilespmem:$0x1D840] =	vst v63  }
0x119: {  	_ =	swait.ge [sflag:s29], $0xC400  }
0x11a: {  	[sflag:s29] =	ssyncset.done $0x0  }
0x11b: {  	s0 =	simm.s32 $0x20;
	[sflag:s29] =	ssyncadd.s32 $0xFFFF3C00  }
0x11c: {  	[tilespmem:s0+$0xFFFFFFE0] =	vst v0  }
0x11d: {  	[tilespmem:s0+$0x10] =	vst v0  }
0x11e: {  	s3 =	simm.s32 $0x0;
	[tilespmem:s0+$0x0] =	vst v0  }
.LBB2_22:
0x11f: {  	s3 =	sadd.s32 $0x4, s3  }
0x120: {  	[tilespmem:s0+$0xFFFFFFF0] =	vst v0;
	s0 =	sadd.s32 $0x40, s0;
	p0 =	slt.u32 s3, $0xC3C  }
.Ltmp10:
0x121: {  	[tilespmem:s0+$0xFFFFFFE0] =	vst v0;
	(pc) =	sbr.rel @p0 .LBB2_22-.Ltmp10, $3  }
0x122: {  	_ =	sdelay $0x1  }
0x123: {  	[tilespmem:s0+$0x10] =	vst v0  }
0x124: {  	[tilespmem:s0+$0x0] =	vst v0  }
0x125: {  	[tilespmem:s0+$0xFFFFFFF0] =	vst v0;
	s9 =	simm.s32 $0x0;
	s31 =	simm.s32 $0x18800;
	s12 =	simm.s32 $0x0  }
0x126: {  	[tilespmem:s31], [sflag:$0x1] =	stream.linear.gather [hbm4b:s4+s9], $0xFA0, $0x38;
	[tilespmem:$0x1D840] =	vst v63  }
.LBB2_24:
0x127: {  	s13 =	smul.u32 $0x1F40, s12;
	_ =	sdelay $0x1  }
0x128: {  	s0 =	sshrl.u32 s13, $0x3  }
0x129: {  	s0 =	sadd.s32 s4, s0  }
0x12a: {  	s0 =	sadd.s32 $0x1F4, s0  }
0x12b: {  	[tilespmem:s17], [sflag:$0x2] =	stream.linear.gather [hbm4b:s0+s2], $0xFA0, $0x38;
	[tilespmem:$0x1D840] =	vst v63  }
0x12c: {  	_ =	swait.ge [sflag:s18], $0xFA0  }
0x12d: {  	[sflag:s18] =	ssyncset.done $0x0  }
0x12e: {  	s15 =	simm.s32 $0x18840;
	[sflag:s18] =	ssyncadd.s32 $0xFFFFF060  }
0x12f: {  	v1 =	vld [tilespmem:s15+$0x30]  }
0x130: {  	v2 =	vld [tilespmem:s15+$0xFFFFFFD0]  }
0x131: {  	v3 =	vld [tilespmem:s15+$0xFFFFFFE0]  }
0x132: {  	v4 =	vld [tilespmem:s15+$0xFFFFFFF0]  }
0x133: {  	v5 =	vld [tilespmem:s15+$0x0]  }
0x134: {  	v6 =	vld [tilespmem:s15+$0x10];
	v7 =	vshrl.u32 v1, $0x10  }
0x135: {  	v11 =	vld [tilespmem:s15+$0x20];
	v8 =	vshrl.u32 v2, $0x10  }
0x136: {  	v10 =	vshrl.u32 v3, $0x10  }
0x137: {  	v9 =	vld [tilespmem:s15+$0xFFFFFFC0];
	v12 =	vshrl.u32 v4, $0x10  }
0x138: {  	v13 =	vshrl.u32 v5, $0x10  }
0x139: {  	v14 =	vshrl.u32 v6, $0x10;
	v7 =	vld.idx.msk [tilespmem:v7+s14+$0x0], $0xffff  }
0x13a: {  	v16 =	vshrl.u32 v11, $0x10;
	v8 =	vld.idx.msk [tilespmem:v8+s14+$0x0], $0xffff  }
0x13b: {  	v1 =	vand.u32 $0xFFFF, v1;
	v10 =	vld.idx.msk [tilespmem:v10+s14+$0x0], $0xffff  }
0x13c: {  	v15 =	vshrl.u32 v9, $0x10;
	v12 =	vld.idx.msk [tilespmem:v12+s14+$0x0], $0xffff  }
0x13d: {  	v2 =	vand.u32 $0xFFFF, v2;
	v13 =	vld.idx.msk [tilespmem:v13+s14+$0x0], $0xffff  }
0x13e: {  	v17 =	vand.u32 $0xFFFF, v3;
	v3 =	vld.idx.msk [tilespmem:v14+s14+$0x0], $0xffff  }
0x13f: {  	v63 =	vand.u32 $0xFFFF, v4;
	v4 =	vld.idx.msk [tilespmem:v16+s14+$0x0], $0xffff  }
0x140: {  	[tilespmem:v1+s9+$0x0] =	vst.idx.add.f32.msk $0xffff, v7;
	v1 =	vand.u32 $0xFFFF, v5  }
0x141: {  	v5 =	vld.idx.msk [tilespmem:v15+s14+$0x0], $0xffff;
	v7 =	vand.u32 $0xFFFF, v9  }
0x142: {  	[tilespmem:v2+s9+$0x0] =	vst.idx.add.f32.msk $0xffff, v8  }
0x143: {  	[tilespmem:v17+s9+$0x0] =	vst.idx.add.f32.msk $0xffff, v10  }
0x144: {  	[tilespmem:v63+s9+$0x0] =	vst.idx.add.f32.msk $0xffff, v12  }
0x145: {  	[tilespmem:v1+s9+$0x0] =	vst.idx.add.f32.msk $0xffff, v13  }
0x146: {  	s31 =	simm.s32 $0x188C0;
	s0 =	simm.s32 $0x0;
	s15 =	simm.s32 $0x0;
	v2 =	vand.u32 $0xFFFF, v11;
	v1 =	vand.u32 $0xFFFF, v6;
	[tilespmem:v7+s9+$0x0] =	vst.idx.add.f32.msk $0xffff, v5  }
.LBB2_25:
0x147: {  	v5 =	vld [tilespmem:s31+$0x30];
	s15 =	sadd.s32 $0x8, s15  }
0x148: {  	v6 =	vld [tilespmem:s31+$0xFFFFFFD0];
	p0 =	slt.u32 s15, $0xF0  }
0x149: {  	v7 =	vld [tilespmem:s31+$0xFFFFFFE0]  }
0x14a: {  	v8 =	vld [tilespmem:s31+$0xFFFFFFF0]  }
0x14b: {  	v9 =	vld [tilespmem:s31+$0x0]  }
0x14c: {  	v10 =	vld [tilespmem:s31+$0x10];
	v11 =	vshrl.u32 v5, $0x10  }
0x14d: {  	v12 =	vshrl.u32 v6, $0x10;
	v6 =	vand.u32 $0xFFFF, v6;
	v13 =	vld [tilespmem:s31+$0x20]  }
0x14e: {  	v14 =	vld [tilespmem:s31+$0xFFFFFFC0];
	v15 =	vshrl.u32 v7, $0x10;
	v7 =	vand.u32 $0xFFFF, v7  }
0x14f: {  	v16 =	vshrl.u32 v8, $0x10;
	v8 =	vand.u32 $0xFFFF, v8;
	[tilespmem:v1+s0+$0x0] =	vst.idx.add.f32.msk $0xffff, v3  }
0x150: {  	v3 =	vshrl.u32 v9, $0x10;
	v9 =	vand.u32 $0xFFFF, v9;
	[tilespmem:v2+s0+$0x0] =	vst.idx.add.f32.msk $0xffff, v4  }
0x151: {  	v4 =	vshrl.u32 v10, $0x10;
	v1 =	vand.u32 $0xFFFF, v10;
	v10 =	vld.idx.msk [tilespmem:v11+s14+$0x0], $0xffff  }
0x152: {  	v5 =	vand.u32 $0xFFFF, v5;
	v11 =	vld.idx.msk [tilespmem:v12+s14+$0x0], $0xffff;
	v12 =	vshrl.u32 v13, $0x10;
	v2 =	vand.u32 $0xFFFF, v13  }
0x153: {  	v13 =	vshrl.u32 v14, $0x10;
	v14 =	vand.u32 $0xFFFF, v14;
	v15 =	vld.idx.msk [tilespmem:v15+s14+$0x0], $0xffff  }
0x154: {  	v16 =	vld.idx.msk [tilespmem:v16+s14+$0x0], $0xffff  }
0x155: {  	v17 =	vld.idx.msk [tilespmem:v3+s14+$0x0], $0xffff  }
0x156: {  	s0 =	simm.s32 $0x0;
	v3 =	vld.idx.msk [tilespmem:v4+s14+$0x0], $0xffff  }
0x157: {  	[tilespmem:v5+s0+$0x0] =	vst.idx.add.f32.msk $0xffff, v10  }
0x158: {  	v5 =	vld.idx.msk [tilespmem:v13+s14+$0x0], $0xffff  }
0x159: {  	v4 =	vld.idx.msk [tilespmem:v12+s14+$0x0], $0xffff  }
.Ltmp11:
0x15a: {  	[tilespmem:v6+s0+$0x0] =	vst.idx.add.f32.msk $0xffff, v11;
	(pc) =	sbr.rel @p0 .LBB2_25-.Ltmp11, $4  }
0x15b: {  	[tilespmem:v7+s0+$0x0] =	vst.idx.add.f32.msk $0xffff, v15  }
0x15c: {  	[tilespmem:v8+s0+$0x0] =	vst.idx.add.f32.msk $0xffff, v16  }
0x15d: {  	[tilespmem:v9+s0+$0x0] =	vst.idx.add.f32.msk $0xffff, v17  }
0x15e: {  	s31 =	sadd.s32 $0x80, s31;
	[tilespmem:v14+s0+$0x0] =	vst.idx.add.f32.msk $0xffff, v5  }
0x15f: {  	_ =	sdelay $0x3  }
0x160: {  	[tilespmem:v1+s0+$0x0] =	vst.idx.add.f32.msk $0xffff, v3  }
0x161: {  	[tilespmem:v2+s0+$0x0] =	vst.idx.add.f32.msk $0xffff, v4  }
.LBB2_27:
0x162: {  	s3 =	sshra.s32 s0, $0x2  }
0x163: {  	v1 =	vld [tilespmem:s3+$0x19780];
	_ =	sdelay $0x4  }
0x164: {  	v2 =	vshrl.u32 v1, $0x10;
	_ =	sdelay $0x4  }
0x165: {  	p0 =	sne.s32 s0, $0x40;
	v1 =	vand.u32 $0xFFFF, v1;
	v2 =	vld.idx.msk [tilespmem:v2+s14+$0x0], $0xffff  }
.Ltmp12:
0x166: {  	_ = 	snop;
	(pc) =	sbr.rel @p0 .LBB2_27-.Ltmp12, $2  }
0x167: {  	_ =	sdelay $0x2  }
0x168: {  	s0 =	sadd.s32 $0x40, s0;
	[tilespmem:v1+s2+$0x0] =	vst.idx.add.f32.msk $0xffff, v2  }
0x169: {  	p0 =	seq.s32 s12, $0x63  }
0x16a: {  	s0 =	sshrl.u32 @!p0 s13, $0x3  }
0x16b: {  	s0 =	sadd.s32 @!p0 s4, s0  }
0x16c: {  	s3 =	simm.s32 @!p0 $0x0;
	s7 =	simm.s32 @!p0 $0x18800;
	s0 =	sadd.s32 @!p0 $0x3E8, s0  }
0x16d: {  	[tilespmem:s7], [sflag:$0x1] =	stream.linear.gather @!p0 [hbm4b:s0+s3], $0xFA0, $0x38;
	[tilespmem:$0x1D840] =	vst v63  }
0x16e: {  	_ =	swait.ge [sflag:s19], $0xFA0  }
0x16f: {  	[sflag:s19] =	ssyncset.done $0x0  }
0x170: {  	s31 =	simm.s32 $0x197E0;
	[sflag:s19] =	ssyncadd.s32 $0xFFFFF060  }
0x171: {  	v1 =	vld [tilespmem:s31+$0x30]  }
0x172: {  	v2 =	vld [tilespmem:s31+$0xFFFFFFD0]  }
0x173: {  	v3 =	vld [tilespmem:s31+$0xFFFFFFE0]  }
0x174: {  	v4 =	vld [tilespmem:s31+$0xFFFFFFF0]  }
0x175: {  	v5 =	vld [tilespmem:s31+$0x0]  }
0x176: {  	v6 =	vld [tilespmem:s31+$0x10];
	v7 =	vshrl.u32 v1, $0x10  }
0x177: {  	v11 =	vld [tilespmem:s31+$0x20];
	v8 =	vshrl.u32 v2, $0x10  }
0x178: {  	v10 =	vshrl.u32 v3, $0x10  }
0x179: {  	v9 =	vld [tilespmem:s31+$0xFFFFFFC0];
	v12 =	vshrl.u32 v4, $0x10  }
0x17a: {  	v13 =	vshrl.u32 v5, $0x10  }
0x17b: {  	v14 =	vshrl.u32 v6, $0x10;
	v7 =	vld.idx.msk [tilespmem:v7+s14+$0x0], $0xffff  }
0x17c: {  	v16 =	vshrl.u32 v11, $0x10;
	v8 =	vld.idx.msk [tilespmem:v8+s14+$0x0], $0xffff  }
0x17d: {  	v1 =	vand.u32 $0xFFFF, v1;
	v10 =	vld.idx.msk [tilespmem:v10+s14+$0x0], $0xffff  }
0x17e: {  	v15 =	vshrl.u32 v9, $0x10;
	v12 =	vld.idx.msk [tilespmem:v12+s14+$0x0], $0xffff  }
0x17f: {  	v2 =	vand.u32 $0xFFFF, v2;
	v13 =	vld.idx.msk [tilespmem:v13+s14+$0x0], $0xffff  }
0x180: {  	v17 =	vand.u32 $0xFFFF, v3;
	v3 =	vld.idx.msk [tilespmem:v14+s14+$0x0], $0xffff  }
0x181: {  	s13 =	simm.s32 $0x0;
	v63 =	vand.u32 $0xFFFF, v4;
	v4 =	vld.idx.msk [tilespmem:v16+s14+$0x0], $0xffff  }
0x182: {  	[tilespmem:v1+s13+$0x0] =	vst.idx.add.f32.msk $0xffff, v7;
	v1 =	vand.u32 $0xFFFF, v5  }
0x183: {  	v5 =	vld.idx.msk [tilespmem:v15+s14+$0x0], $0xffff;
	v7 =	vand.u32 $0xFFFF, v9  }
0x184: {  	[tilespmem:v2+s13+$0x0] =	vst.idx.add.f32.msk $0xffff, v8  }
0x185: {  	[tilespmem:v17+s13+$0x0] =	vst.idx.add.f32.msk $0xffff, v10  }
0x186: {  	[tilespmem:v63+s13+$0x0] =	vst.idx.add.f32.msk $0xffff, v12  }
0x187: {  	[tilespmem:v1+s13+$0x0] =	vst.idx.add.f32.msk $0xffff, v13  }
0x188: {  	s15 =	simm.s32 $0x0;
	s0 =	simm.s32 $0x19860;
	v2 =	vand.u32 $0xFFFF, v11;
	v1 =	vand.u32 $0xFFFF, v6;
	[tilespmem:v7+s13+$0x0] =	vst.idx.add.f32.msk $0xffff, v5  }
.LBB2_29:
0x189: {  	v5 =	vld [tilespmem:s0+$0x30];
	s15 =	sadd.s32 $0x8, s15  }
0x18a: {  	v6 =	vld [tilespmem:s0+$0xFFFFFFD0];
	p0 =	slt.u32 s15, $0xF0  }
0x18b: {  	v7 =	vld [tilespmem:s0+$0xFFFFFFE0]  }
0x18c: {  	v8 =	vld [tilespmem:s0+$0xFFFFFFF0]  }
0x18d: {  	v9 =	vld [tilespmem:s0+$0x0]  }
0x18e: {  	v10 =	vld [tilespmem:s0+$0x10];
	v11 =	vshrl.u32 v5, $0x10  }
0x18f: {  	v12 =	vshrl.u32 v6, $0x10;
	v6 =	vand.u32 $0xFFFF, v6;
	v13 =	vld [tilespmem:s0+$0x20]  }
0x190: {  	v14 =	vld [tilespmem:s0+$0xFFFFFFC0];
	v15 =	vshrl.u32 v7, $0x10;
	v7 =	vand.u32 $0xFFFF, v7  }
0x191: {  	v16 =	vshrl.u32 v8, $0x10;
	v8 =	vand.u32 $0xFFFF, v8;
	[tilespmem:v1+s13+$0x0] =	vst.idx.add.f32.msk $0xffff, v3  }
0x192: {  	v3 =	vshrl.u32 v9, $0x10;
	v9 =	vand.u32 $0xFFFF, v9;
	[tilespmem:v2+s13+$0x0] =	vst.idx.add.f32.msk $0xffff, v4  }
0x193: {  	v4 =	vshrl.u32 v10, $0x10;
	v1 =	vand.u32 $0xFFFF, v10;
	v10 =	vld.idx.msk [tilespmem:v11+s14+$0x0], $0xffff  }
0x194: {  	v5 =	vand.u32 $0xFFFF, v5;
	v11 =	vld.idx.msk [tilespmem:v12+s14+$0x0], $0xffff;
	v12 =	vshrl.u32 v13, $0x10;
	v2 =	vand.u32 $0xFFFF, v13  }
0x195: {  	v13 =	vshrl.u32 v14, $0x10;
	v14 =	vand.u32 $0xFFFF, v14;
	v15 =	vld.idx.msk [tilespmem:v15+s14+$0x0], $0xffff  }
0x196: {  	v16 =	vld.idx.msk [tilespmem:v16+s14+$0x0], $0xffff  }
0x197: {  	v17 =	vld.idx.msk [tilespmem:v3+s14+$0x0], $0xffff  }
0x198: {  	v3 =	vld.idx.msk [tilespmem:v4+s14+$0x0], $0xffff  }
0x199: {  	[tilespmem:v5+s13+$0x0] =	vst.idx.add.f32.msk $0xffff, v10  }
0x19a: {  	v5 =	vld.idx.msk [tilespmem:v13+s14+$0x0], $0xffff  }
0x19b: {  	v4 =	vld.idx.msk [tilespmem:v12+s14+$0x0], $0xffff  }
.Ltmp13:
0x19c: {  	[tilespmem:v6+s13+$0x0] =	vst.idx.add.f32.msk $0xffff, v11;
	(pc) =	sbr.rel @p0 .LBB2_29-.Ltmp13, $4  }
0x19d: {  	[tilespmem:v7+s13+$0x0] =	vst.idx.add.f32.msk $0xffff, v15  }
0x19e: {  	[tilespmem:v8+s13+$0x0] =	vst.idx.add.f32.msk $0xffff, v16  }
0x19f: {  	[tilespmem:v9+s13+$0x0] =	vst.idx.add.f32.msk $0xffff, v17  }
0x1a0: {  	s0 =	sadd.s32 $0x80, s0;
	[tilespmem:v14+s13+$0x0] =	vst.idx.add.f32.msk $0xffff, v5  }
0x1a1: {  	_ =	sdelay $0x3  }
0x1a2: {  	[tilespmem:v1+s13+$0x0] =	vst.idx.add.f32.msk $0xffff, v3  }
0x1a3: {  	[tilespmem:v2+s13+$0x0] =	vst.idx.add.f32.msk $0xffff, v4  }
.LBB2_31:
0x1a4: {  	s0 =	sshra.s32 s13, $0x2  }
0x1a5: {  	v1 =	vld [tilespmem:s0+$0x1A720];
	_ =	sdelay $0x4  }
0x1a6: {  	v2 =	vshrl.u32 v1, $0x10;
	_ =	sdelay $0x4  }
0x1a7: {  	p0 =	sne.s32 s13, $0x40;
	v1 =	vand.u32 $0xFFFF, v1;
	v2 =	vld.idx.msk [tilespmem:v2+s14+$0x0], $0xffff  }
.Ltmp14:
0x1a8: {  	_ = 	snop;
	(pc) =	sbr.rel @p0 .LBB2_31-.Ltmp14, $2  }
0x1a9: {  	_ =	sdelay $0x2  }
0x1aa: {  	s13 =	sadd.s32 $0x40, s13;
	[tilespmem:v1+s2+$0x0] =	vst.idx.add.f32.msk $0xffff, v2  }
0x1ab: {  	s12 =	sadd.s32 $0x1, s12  }
0x1ac: {  	p0 =	sne.s32 s12, $0x64  }
.Ltmp15:
0x1ad: {  	_ = 	snop;
	(pc) =	sbr.rel @p0 .LBB2_24-.Ltmp15, $1  }
0x1ae: {  	_ =	sdelay $0x3  }
0x1af: {  	s0 =	rddreg [dreg:$0x2]  }
0x1b0: {  	s9 =	sadd.s32 s8, s0  }
0x1b1: {  	s0 =	sshrl.u32 s9, $0x3  }
0x1b2: {  	s12 =	simm.s32 $0x0;
	s0 =	sadd.s32 s6, s0  }
0x1b3: {  	[tilespmem:s20], [sflag:$0x5] =	stream.linear.gather [hbm4b:s0+s12], $0xC40, $0x38;
	[tilespmem:$0x1D840] =	vst v63  }
0x1b4: {  	s13 =	simm.s32 $0x20;
	s15 =	simm.s32 $0xC70  }
0x1b5: {  	[tilespmem:s21], [sflag:$0x6] =	stream.linear.gather [hbm4b:s5+s12], $0xC40, $0x38;
	[tilespmem:$0x1D840] =	vst v63  }
.LBB2_34:
0x1b6: {  	s31 =	smul.u32 $0x1880, s12;
	_ =	sdelay $0x1  }
0x1b7: {  	s0 =	sadd.s32 $0xC40, s31  }
0x1b8: {  	s3 =	sadd.s32 s9, s0  }
0x1b9: {  	s3 =	sshrl.u32 s3, $0x3  }
0x1ba: {  	s0 =	sshrl.u32 s0, $0x3;
	s3 =	sadd.s32 s6, s3  }
0x1bb: {  	[tilespmem:s22], [sflag:$0x7] =	stream.linear.gather [hbm4b:s3+s2], $0xC40, $0x38;
	[tilespmem:$0x1D840] =	vst v63  }
0x1bc: {  	s0 =	sadd.s32 s5, s0  }
0x1bd: {  	[tilespmem:s23], [sflag:$0x8] =	stream.linear.gather [hbm4b:s0+s2], $0xC40, $0x38;
	[tilespmem:$0x1D840] =	vst v63  }
0x1be: {  	_ =	swait.ge [sflag:s24], $0xC40  }
0x1bf: {  	[sflag:s24] =	ssyncset.done $0x0  }
0x1c0: {  	[sflag:s24] =	ssyncadd.s32 $0xFFFFF3C0  }
0x1c1: {  	_ =	swait.ge [sflag:s25], $0xC40  }
0x1c2: {  	[sflag:s25] =	ssyncset.done $0x0  }
0x1c3: {  	s11 =	simm.s32 $0x1B3A0;
	[sflag:s25] =	ssyncadd.s32 $0xFFFFF3C0  }
0x1c4: {  	v1 =	vld [tilespmem:s11+$0x10]  }
0x1c5: {  	v5 =	vld [tilespmem:s11+$0xFFFFFFE0]  }
0x1c6: {  	v3 =	vld [tilespmem:s13+$0x10]  }
0x1c7: {  	s0 =	simm.s32 $0x1A760;
	v6 =	vld [tilespmem:s11+$0xFFFFFFF0]  }
0x1c8: {  	v7 =	vld [tilespmem:s0+$0x10]  }
0x1c9: {  	v8 =	vld [tilespmem:s11+$0x0];
	v1 =	vmul.f32 $-2.000000000e+00, v1  }
0x1ca: {  	v9 =	vld [tilespmem:s13+$0xFFFFFFF0]  }
0x1cb: {  	v2 =	vld [tilespmem:s13+$0x0];
	v1 =	vmul.f32 v1, v3  }
0x1cc: {  	v4 =	vld [tilespmem:s13+$0xFFFFFFE0]  }
0x1cd: {  	v6 =	vmul.f32 $-2.000000000e+00, v6;
	v3 =	vld [tilespmem:s0+$0xFFFFFFE0];
	v10 =	vsub.f32 v1, v7  }
0x1ce: {  	s7 =	simm.s32 $0x0;
	v8 =	vmul.f32 $-2.000000000e+00, v8;
	v1 =	vmul.f32 $-2.000000000e+00, v5;
	v5 =	vld [tilespmem:s0+$0xFFFFFFF0]  }
0x1cf: {  	s10 =	simm.s32 $0x1B3E0;
	s3 =	smov.u32 s13;
	s11 =	smov.u32 s13;
	v7 =	vmul.f32 v6, v9;
	v6 =	vld [tilespmem:s0+$0x0];
	[tilespmem:s13+$0x10] =	vst v10  }
.LBB2_35:
0x1d0: {  	v9 =	vld [tilespmem:s10+$0x10];
	s7 =	sadd.s32 $0x4, s7;
	v2 =	vmul.f32 v8, v2  }
0x1d1: {  	s11 =	sadd.s32 $0x40, s11;
	v8 =	vld [tilespmem:s10+$0xFFFFFFE0];
	p0 =	slt.u32 s7, $0xC0;
	v1 =	vmul.f32 v1, v4  }
0x1d2: {  	v4 =	vld [tilespmem:s11+$0x10]  }
0x1d3: {  	s0 =	sadd.s32 $0x40, s0;
	v10 =	vld [tilespmem:s10+$0xFFFFFFF0];
	v1 =	vsub.f32 v1, v3;
	v3 =	vsub.f32 v7, v5  }
0x1d4: {  	v5 =	vld [tilespmem:s0+$0x10];
	v6 =	vsub.f32 v2, v6  }
0x1d5: {  	v7 =	vld [tilespmem:s10+$0x0];
	v9 =	vmul.f32 $-2.000000000e+00, v9;
	[tilespmem:s3+$0xFFFFFFE0] =	vst v1  }
0x1d6: {  	v1 =	vmul.f32 $-2.000000000e+00, v8;
	v11 =	vld [tilespmem:s11+$0xFFFFFFF0];
	[tilespmem:s3+$0xFFFFFFF0] =	vst v3  }
.Ltmp16:
0x1d7: {  	v2 =	vld [tilespmem:s11+$0x0];
	v8 =	vmul.f32 v9, v4;
	[tilespmem:s3+$0x0] =	vst v6;
	s3 =	smov.u32 s11;
	(pc) =	sbr.rel @p0 .LBB2_35-.Ltmp16, $4  }
0x1d8: {  	v4 =	vld [tilespmem:s11+$0xFFFFFFE0];
	v6 =	vmul.f32 $-2.000000000e+00, v10  }
0x1d9: {  	v3 =	vld [tilespmem:s0+$0xFFFFFFE0];
	v9 =	vsub.f32 v8, v5  }
0x1da: {  	v5 =	vld [tilespmem:s0+$0xFFFFFFF0];
	v8 =	vmul.f32 $-2.000000000e+00, v7  }
0x1db: {  	s10 =	sadd.s32 $0x40, s10;
	v7 =	vmul.f32 v6, v11;
	v6 =	vld [tilespmem:s0+$0x0];
	[tilespmem:s11+$0x10] =	vst v9  }
0x1dc: {  	_ = 	snop  }
0x1dd: {  	v1 =	vmul.f32 v1, v4;
	_ =	sdelay $0x1  }
0x1de: {  	v2 =	vmul.f32 v8, v2;
	p0 =	seq.s32 s12, $0x7;
	v1 =	vsub.f32 v1, v3  }
0x1df: {  	s0 =	sadd.s32 @!p0 $0x1880, s31;
	v3 =	vsub.f32 v7, v5  }
0x1e0: {  	s7 =	sadd.s32 @!p0 s9, s0;
	v2 =	vsub.f32 v2, v6;
	[tilespmem:s3+$0xFFFFFFE0] =	vst v1  }
0x1e1: {  	s10 =	simm.s32 @!p0 $0x1A740;
	s7 =	sshrl.u32 @!p0 s7, $0x3;
	[tilespmem:s3+$0xFFFFFFF0] =	vst v3  }
0x1e2: {  	s0 =	sshrl.u32 @!p0 s0, $0x3;
	[tilespmem:s3+$0x0] =	vst v2;
	s3 =	sadd.s32 @!p0 s6, s7;
	s7 =	simm.s32 @!p0 $0x0  }
0x1e3: {  	[tilespmem:s10], [sflag:$0x5] =	stream.linear.gather @!p0 [hbm4b:s3+s7], $0xC40, $0x38;
	[tilespmem:$0x1D840] =	vst v63  }
0x1e4: {  	s0 =	sadd.s32 @!p0 s5, s0;
	s3 =	simm.s32 @!p0 $0x1B380  }
0x1e5: {  	[tilespmem:s3], [sflag:$0x6] =	stream.linear.gather @!p0 [hbm4b:s0+s7], $0xC40, $0x38;
	[tilespmem:$0x1D840] =	vst v63  }
0x1e6: {  	_ =	swait.ge [sflag:s26], $0xC40  }
0x1e7: {  	[sflag:s26] =	ssyncset.done $0x0  }
0x1e8: {  	[sflag:s26] =	ssyncadd.s32 $0xFFFFF3C0  }
0x1e9: {  	_ =	swait.ge [sflag:s28], $0xC40  }
0x1ea: {  	[sflag:s28] =	ssyncset.done $0x0  }
0x1eb: {  	s31 =	simm.s32 $0x1CC20;
	[sflag:s28] =	ssyncadd.s32 $0xFFFFF3C0  }
0x1ec: {  	v1 =	vld [tilespmem:s31+$0x10]  }
0x1ed: {  	v5 =	vld [tilespmem:s31+$0xFFFFFFE0]  }
0x1ee: {  	v3 =	vld [tilespmem:s15+$0x0]  }
0x1ef: {  	s0 =	simm.s32 $0x1BFE0;
	v6 =	vld [tilespmem:s31+$0xFFFFFFF0]  }
0x1f0: {  	v7 =	vld [tilespmem:s0+$0x10]  }
0x1f1: {  	v8 =	vld [tilespmem:s31+$0x0];
	v1 =	vmul.f32 $-2.000000000e+00, v1  }
0x1f2: {  	v9 =	vld [tilespmem:s15+$0xFFFFFFE0]  }
0x1f3: {  	v2 =	vld [tilespmem:s15+$0xFFFFFFF0];
	v1 =	vmul.f32 v1, v3  }
0x1f4: {  	v4 =	vld [tilespmem:s15+$0xFFFFFFD0]  }
0x1f5: {  	v6 =	vmul.f32 $-2.000000000e+00, v6;
	v3 =	vld [tilespmem:s0+$0xFFFFFFE0];
	v10 =	vsub.f32 v1, v7  }
0x1f6: {  	s11 =	smov.u32 s15;
	v8 =	vmul.f32 $-2.000000000e+00, v8;
	v1 =	vmul.f32 $-2.000000000e+00, v5;
	v5 =	vld [tilespmem:s0+$0xFFFFFFF0]  }
0x1f7: {  	s10 =	simm.s32 $0x1CC60;
	s7 =	simm.s32 $0x0;
	s3 =	smov.u32 s15;
	v7 =	vmul.f32 v6, v9;
	v6 =	vld [tilespmem:s0+$0x0];
	[tilespmem:s15+$0x0] =	vst v10  }
.LBB2_37:
0x1f8: {  	v9 =	vld [tilespmem:s10+$0x10];
	s7 =	sadd.s32 $0x4, s7;
	v2 =	vmul.f32 v8, v2  }
0x1f9: {  	s11 =	sadd.s32 $0x40, s11;
	v8 =	vld [tilespmem:s10+$0xFFFFFFE0];
	p0 =	slt.u32 s7, $0xC0;
	v1 =	vmul.f32 v1, v4  }
0x1fa: {  	v4 =	vld [tilespmem:s11+$0x0]  }
0x1fb: {  	s0 =	sadd.s32 $0x40, s0;
	v10 =	vld [tilespmem:s10+$0xFFFFFFF0];
	v1 =	vsub.f32 v1, v3;
	v3 =	vsub.f32 v7, v5  }
0x1fc: {  	v5 =	vld [tilespmem:s0+$0x10];
	v6 =	vsub.f32 v2, v6  }
0x1fd: {  	v7 =	vld [tilespmem:s10+$0x0];
	v9 =	vmul.f32 $-2.000000000e+00, v9;
	[tilespmem:s3+$0xFFFFFFD0] =	vst v1  }
0x1fe: {  	v1 =	vmul.f32 $-2.000000000e+00, v8;
	v11 =	vld [tilespmem:s11+$0xFFFFFFE0];
	[tilespmem:s3+$0xFFFFFFE0] =	vst v3  }
.Ltmp17:
0x1ff: {  	v2 =	vld [tilespmem:s11+$0xFFFFFFF0];
	v8 =	vmul.f32 v9, v4;
	[tilespmem:s3+$0xFFFFFFF0] =	vst v6;
	s3 =	smov.u32 s11;
	(pc) =	sbr.rel @p0 .LBB2_37-.Ltmp17, $4  }
0x200: {  	v4 =	vld [tilespmem:s11+$0xFFFFFFD0];
	v6 =	vmul.f32 $-2.000000000e+00, v10  }
0x201: {  	v3 =	vld [tilespmem:s0+$0xFFFFFFE0];
	v9 =	vsub.f32 v8, v5  }
0x202: {  	v5 =	vld [tilespmem:s0+$0xFFFFFFF0];
	v8 =	vmul.f32 $-2.000000000e+00, v7  }
0x203: {  	s10 =	sadd.s32 $0x40, s10;
	v7 =	vmul.f32 v6, v11;
	v6 =	vld [tilespmem:s0+$0x0];
	[tilespmem:s11+$0x0] =	vst v9  }
0x204: {  	_ = 	snop  }
0x205: {  	s12 =	sadd.s32 $0x1, s12;
	v1 =	vmul.f32 v1, v4  }
0x206: {  	p0 =	sne.s32 s12, $0x8  }
.Ltmp18:
0x207: {  	v2 =	vmul.f32 v8, v2;
	v1 =	vsub.f32 v1, v3;
	(pc) =	sbr.rel @p0 .LBB2_34-.Ltmp18, $4  }
0x208: {  	v3 =	vsub.f32 v7, v5  }
0x209: {  	v2 =	vsub.f32 v2, v6;
	[tilespmem:s3+$0xFFFFFFD0] =	vst v1  }
0x20a: {  	[tilespmem:s3+$0xFFFFFFE0] =	vst v3  }
0x20b: {  	s13 =	sadd.s32 $0x1880, s13;
	s15 =	sadd.s32 $0x1880, s15;
	[tilespmem:s3+$0xFFFFFFF0] =	vst v2  }
0x20c: {  	s0 =	rddreg [dreg:$0x6]  }
0x20d: {  	s0 =	sadd.s32 s8, s0  }
0x20e: {  	s0 =	sshrl.u32 s0, $0x3  }
0x20f: {  	s0 =	sadd.s32 s6, s0  }
0x210: {  	[hbm4b:s0+s2] =	stream.linear.scatter [tilespmem:s2], [sflag:$0x3], $0xC400, $0x38;
	[tilespmem:$0x1D840] =	vst v63  }
0x211: {  	_ =	swait.ge [sflag:s30], $0xC400  }
0x212: {  	[sflag:s30] =	ssyncset.done $0x0  }
0x213: {  	s0 =	simm.s32 $0xC420;
	[sflag:s30] =	ssyncadd.s32 $0xFFFF3C00  }
0x214: {  	[tilespmem:s0+$0xFFFFFFE0] =	vst v0  }
0x215: {  	[tilespmem:s0+$0x10] =	vst v0  }
0x216: {  	s3 =	simm.s32 $0x0;
	[tilespmem:s0+$0x0] =	vst v0  }
.LBB2_40:
0x217: {  	s3 =	sadd.s32 $0x4, s3  }
0x218: {  	[tilespmem:s0+$0xFFFFFFF0] =	vst v0;
	s0 =	sadd.s32 $0x40, s0;
	p0 =	slt.u32 s3, $0xC3C  }
.Ltmp19:
0x219: {  	[tilespmem:s0+$0xFFFFFFE0] =	vst v0;
	(pc) =	sbr.rel @p0 .LBB2_40-.Ltmp19, $3  }
0x21a: {  	_ =	sdelay $0x1  }
0x21b: {  	[tilespmem:s0+$0x10] =	vst v0  }
0x21c: {  	[tilespmem:s0+$0x0] =	vst v0  }
0x21d: {  	s1 =	sadd.s32 $0x1, s1  }
0x21e: {  	p0 =	sne.s32 s1, $0xC  }
.Ltmp20:
0x21f: {  	_ = 	snop;
	(pc) =	sbr.rel @p0 .LBB2_5-.Ltmp20, $2  }
0x220: {  	_ =	sdelay $0x2  }
0x221: {  	[tilespmem:s0+$0xFFFFFFF0] =	vst v0  }
0x222: {  	_ =	swait.ge [sflag:s29], $0xC400  }
0x223: {  	s1 =	rddreg [dreg:$0x9]  }
0x224: {  	s0 =	rddreg [dreg:$0x8];
	s1 =	sadd.s32 $0x1, s1  }
0x225: {  	p0 =	sne.s32 s1, s0  }
.Ltmp21:
0x226: {  	_ = 	snop;
	(pc) =	sbr.rel @p0 .LBB2_2-.Ltmp21, $3  }
0x227: {  	_ =	sdelay $0x1  }
0x228: {  	[sflag:s29] =	ssyncset.done $0x0  }
0x229: {  	[sflag:s29] =	ssyncadd.s32 $0xFFFF3C00  }
.LBB2_43:
0x22a: {  	_ =	sfence.sel $0x180000  }
0x22b: {  	[bflag:$0x0] =	sbarrier.arrive $0xFFFF  }
0x22c: {  	_ =	strace $0x9000004A  }
0x22d: {  	s0 =	stileid.u32;
	[bflag:$0x2] =	sbarrier.arrive $0xFFFF  }
0x22e: {  	p0 =	sne.s32 s0, $0x0;
	s0 =	rddreg [dreg:$0x1]  }
0x22f: {  	s0 =	sadd.s32 @!p0 $0x100000, s0  }
0x230: {  	[sflag:s0] =	ssyncadd.tile.s32 @!p0 $0x1;
	_ =	shalt  }
.Lfunc_end2:
_tile_overlayer_lowered:
.L_overlay_start_2:
0x231: {  	(tag) =	ssettag $0x2  }
0x232: {  	s0 =	rddreg [dreg:$0x0];
	s2 =	stileid.u32  }
0x233: {  	s1 =	rddreg [dreg:$0x1];
	p0 =	sne.s32 s2, $0x0  }
0x234: {  	s3 =	rddreg [dreg:$0x2];
	[bflag:$0x3] =	sbarrier.arrive $0xFFFF;
	s2 =	simm.s32 @!p0 $0x1C09  }
0x235: {  	[timem:s3], [sflag:s2] =	dma.local @!p0 [hbm:s0], s1  }
0x236: {  	s0 =	simm.s32 @!p0 $0x9  }
0x237: {  	_ =	swait.ge @!p0 [sflag:s0], s1  }
0x238: {  	s1 =	ssub.s32 @!p0 $0x0, s1;
	[sflag:s0] =	ssyncset.done @!p0 $0x0  }
0x239: {  	[sflag:s0] =	ssyncadd.s32 @!p0 s1  }
0x23a: {  	[bflag:$0x3] =	sbarrier.arrive $0xFFFF  }
0x23b: {  	_ =	shalt  }

</sc_bundles>
